<compile_context>
chip_gen: v7x
topology: tpu7x:2x2x1
jax: 0.10.2.dev20260603
libtpu: 0.0.44.dev20260713+nightly
codegen_flags: <defaults>
</compile_context>

<pallas_src>
import functools

import jax
import jax.numpy as jnp
from jax import lax
from jax.experimental import pallas as pl
from jax.experimental.pallas import tpu as pltpu
from jax.experimental.pallas import tpu_sc as plsc

BLK = 128
TB = 512
E = 8
K = 2
NW = 32


def _router_shared_body(x16_ref, rw_ref, sg_ref, su_ref, sd_ref, seg_ref,
                        sh_ref, m_ref):
    xb = x16_ref[...]
    logits = jax.lax.dot_general(
        xb, rw_ref[...], (((1,), (1,)), ((), ())),
        preferred_element_type=jnp.float32)
    mx = jnp.max(logits, axis=1, keepdims=True)
    ex = jnp.exp(logits - mx)
    p = ex / jnp.sum(ex, axis=1, keepdims=True)
    lane = jax.lax.broadcasted_iota(jnp.int32, p.shape, 1).astype(jnp.float32)
    m1 = jnp.max(p, axis=1, keepdims=True)
    i1 = jnp.min(jnp.where(p == m1, lane, jnp.float32(1e9)), axis=1,
                 keepdims=True)
    p2 = jnp.where(lane == i1, jnp.float32(-1e30), p)
    m2 = jnp.max(p2, axis=1, keepdims=True)
    i2 = jnp.min(jnp.where(p2 == m2, lane, jnp.float32(1e9)), axis=1,
                 keepdims=True)
    den = m1 + m2
    m_ref[:, 0:1] = i1
    m_ref[:, 1:2] = i2
    m_ref[:, 2:3] = m1 / den
    m_ref[:, 3:4] = m2 / den

    sgm = jax.lax.dot_general(xb, sg_ref[...], (((1,), (1,)), ((), ())),
                              preferred_element_type=jnp.float32)
    sup = jax.lax.dot_general(xb, su_ref[...], (((1,), (1,)), ((), ())),
                              preferred_element_type=jnp.float32)
    sh = (sgm * jax.nn.sigmoid(sgm) * sup).astype(jnp.bfloat16)
    shared = jax.lax.dot_general(sh, sd_ref[...], (((1,), (1,)), ((), ())),
                                 preferred_element_type=jnp.float32)
    glog = jnp.sum(xb.astype(jnp.float32) * seg_ref[...], axis=1,
                   keepdims=True)
    sh_ref[...] = jax.nn.sigmoid(glog) * shared


def _ffn_body(beid_ref, bact_ref, xs_ref, ws_ref, egw_ref, euw_ref, edw_ref,
              sgx_ref, sux_ref, sdx_ref, ys_ref, gq_ref, uq_ref, dq_ref):
    D = xs_ref.shape[1]
    DFF = egw_ref.shape[1]
    b = pl.program_id(0)
    e = beid_ref[b]
    act = bact_ref[b] != 0

    prev_e = jnp.where(b > 0, beid_ref[jnp.maximum(b - 1, 0)], -1)

    @pl.when((e != prev_e) & act)
    def _dequant():
        for i in range(DFF // BLK):
            ri = slice(i * BLK, (i + 1) * BLK)
            gq_ref[ri, :] = (egw_ref[0, ri, :]
                             * sgx_ref[e, i, :]).astype(jnp.bfloat16)
            uq_ref[ri, :] = (euw_ref[0, ri, :]
                             * sux_ref[e, i, :]).astype(jnp.bfloat16)
        for i in range(D // BLK):
            ri = slice(i * BLK, (i + 1) * BLK)
            dq_ref[ri, :] = (edw_ref[0, ri, :]
                             * sdx_ref[e, i, :]).astype(jnp.bfloat16)

    @pl.when(act)
    def _compute():
        xb = xs_ref[...].astype(jnp.bfloat16)
        gate = jax.lax.dot_general(xb, gq_ref[...], (((1,), (1,)), ((), ())),
                                   preferred_element_type=jnp.float32)
        up = jax.lax.dot_general(xb, uq_ref[...], (((1,), (1,)), ((), ())),
                                 preferred_element_type=jnp.float32)
        h = (gate * jax.nn.sigmoid(gate) * up).astype(jnp.bfloat16)
        y = jax.lax.dot_general(h, dq_ref[...], (((1,), (1,)), ((), ())),
                                preferred_element_type=jnp.float32)
        ys_ref[...] = y * ws_ref[:, 0:1]


def _make_dispatch(T, D, A_MAX):
    tpw = T // NW

    @functools.partial(
        pl.kernel,
        mesh=plsc.VectorSubcoreMesh(core_axis_name="c", subcore_axis_name="s"),
        out_type=[
            jax.ShapeDtypeStruct((A_MAX, D), jnp.float32),
            jax.ShapeDtypeStruct((A_MAX, 128), jnp.float32),
        ],
        scratch_types=[
            pltpu.VMEM((tpw, D), jnp.float32),
            pltpu.VMEM((tpw, 128), jnp.float32),
            pltpu.VMEM((tpw, 128), jnp.float32),
            pltpu.VMEM((tpw,), jnp.int32),
            pltpu.VMEM((tpw,), jnp.int32),
            pltpu.SemaphoreType.DMA,
        ],
    )
    def dispatch(x_hbm, s0_hbm, s1_hbm, w0_hbm, w1_hbm, xs_hbm, ws_hbm,
                 rows_v, w0_v, w1_v, i0_v, i1_v, sem):
        wid = lax.axis_index("s") * 2 + lax.axis_index("c")
        base = wid * tpw
        pltpu.sync_copy(x_hbm.at[pl.ds(base, tpw)], rows_v)
        pltpu.sync_copy(s0_hbm.at[pl.ds(base, tpw)], i0_v)
        pltpu.sync_copy(s1_hbm.at[pl.ds(base, tpw)], i1_v)
        pltpu.sync_copy(w0_hbm.at[pl.ds(base, tpw)], w0_v)
        pltpu.sync_copy(w1_hbm.at[pl.ds(base, tpw)], w1_v)
        cps = [
            pltpu.async_copy(rows_v, xs_hbm.at[i0_v], sem),
            pltpu.async_copy(rows_v, xs_hbm.at[i1_v], sem),
            pltpu.async_copy(w0_v, ws_hbm.at[i0_v], sem),
            pltpu.async_copy(w1_v, ws_hbm.at[i1_v], sem),
        ]
        for cp in cps:
            cp.wait()

    return dispatch


def _make_combine(T, D, A_MAX):
    tpw = T // NW
    CH = 32
    NCH = tpw // CH

    @functools.partial(
        pl.kernel,
        mesh=plsc.VectorSubcoreMesh(core_axis_name="c", subcore_axis_name="s"),
        out_type=jax.ShapeDtypeStruct((T, D), jnp.float32),
        scratch_types=[
            pltpu.VMEM((CH, D), jnp.float32),
            pltpu.VMEM((CH, D), jnp.float32),
            pltpu.VMEM((CH, D), jnp.float32),
            pltpu.VMEM((CH,), jnp.int32),
            pltpu.VMEM((CH,), jnp.int32),
            pltpu.SemaphoreType.DMA,
        ],
    )
    def combine(ys_hbm, sh_hbm, s0_hbm, s1_hbm, out_hbm,
                g0_v, g1_v, acc_v, i0_v, i1_v, sem):
        wid = lax.axis_index("s") * 2 + lax.axis_index("c")
        base = wid * tpw

        def chunk(ci, carry):
            cbase = base + ci * CH
            pltpu.sync_copy(s0_hbm.at[pl.ds(cbase, CH)], i0_v)
            pltpu.sync_copy(s1_hbm.at[pl.ds(cbase, CH)], i1_v)
            pltpu.sync_copy(sh_hbm.at[pl.ds(cbase, CH)], acc_v)
            cp0 = pltpu.async_copy(ys_hbm.at[i0_v], g0_v, sem)
            cp1 = pltpu.async_copy(ys_hbm.at[i1_v], g1_v, sem)
            cp0.wait()
            cp1.wait()

            def tstep(t, carry2):
                for d in range(D // 16):
                    sl = pl.ds(d * 16, 16)
                    acc_v[t, sl] = acc_v[t, sl] + g0_v[t, sl] + g1_v[t, sl]
                return carry2

            lax.fori_loop(0, CH, tstep, 0)
            pltpu.sync_copy(acc_v, out_hbm.at[pl.ds(cbase, CH)])
            return carry

        lax.fori_loop(0, NCH, chunk, 0)

    return combine


def kernel(hidden_states, router_w, shared_gate_w, shared_up_w, shared_down_w,
           shared_expert_gate_w, eg_w, eg_s, eu_w, eu_s, ed_w, ed_s):
    bsz, seq, D = hidden_states.shape
    T = bsz * seq
    _, DFF, _ = eg_w.shape
    DSH = shared_gate_w.shape[0]
    NT = T // min(256, T)
    A_MAX = K * T + E * TB
    NB = A_MAX // TB

    x = hidden_states.reshape(T, D)
    x16 = x.astype(jnp.bfloat16)
    rw16 = router_w.astype(jnp.bfloat16)
    sg16 = shared_gate_w.astype(jnp.bfloat16)
    su16 = shared_up_w.astype(jnp.bfloat16)
    sd16 = shared_down_w.astype(jnp.bfloat16)
    seg16 = shared_expert_gate_w.astype(jnp.bfloat16)
    sgx = jnp.repeat(eg_s, BLK, axis=2)
    sux = jnp.repeat(eu_s, BLK, axis=2)
    sdx = jnp.repeat(ed_s, BLK, axis=2)

    TBA = T // NT
    sh_out, m = pl.pallas_call(
        _router_shared_body,
        grid=(NT,),
        in_specs=[
            pl.BlockSpec((TBA, D), lambda t: (t, 0)),
            pl.BlockSpec((E, D), lambda t: (0, 0)),
            pl.BlockSpec((DSH, D), lambda t: (0, 0)),
            pl.BlockSpec((DSH, D), lambda t: (0, 0)),
            pl.BlockSpec((D, DSH), lambda t: (0, 0)),
            pl.BlockSpec((1, D), lambda t: (0, 0)),
        ],
        out_specs=[
            pl.BlockSpec((TBA, D), lambda t: (t, 0)),
            pl.BlockSpec((TBA, 8), lambda t: (t, 0)),
        ],
        out_shape=[
            jax.ShapeDtypeStruct((T, D), jnp.float32),
            jax.ShapeDtypeStruct((T, 8), jnp.float32),
        ],
    )(x16, rw16, sg16, su16, sd16, seg16)

    i1 = m[:, 0].astype(jnp.int32)
    i2 = m[:, 1].astype(jnp.int32)
    eid = jnp.stack([i1, i2], axis=1).reshape(-1)
    oh = (eid[:, None] == jnp.arange(E)[None, :]).astype(jnp.int32)
    pos_incl = jnp.cumsum(oh, axis=0)
    pos = jnp.sum(oh * pos_incl, axis=1) - 1
    counts = pos_incl[-1]
    nblk = (counts + TB - 1) // TB
    cumblk = jnp.cumsum(nblk)
    blk_start = cumblk - nblk
    slot = jnp.sum(oh * blk_start[None, :], axis=1) * TB + pos
    bidx = jnp.arange(NB, dtype=jnp.int32)
    beid_raw = (bidx[:, None] >= cumblk[None, :]).sum(axis=1).astype(jnp.int32)
    beid = jnp.minimum(beid_raw, E - 1)
    bact = (beid_raw < E).astype(jnp.int32)

    s_tk = slot.reshape(T, K)
    s0 = s_tk[:, 0]
    s1 = s_tk[:, 1]
    w0r = jnp.broadcast_to(m[:, 2:3], (T, 128))
    w1r = jnp.broadcast_to(m[:, 3:4], (T, 128))

    xs, ws = _make_dispatch(T, D, A_MAX)(x, s0, s1, w0r, w1r)

    ys = pl.pallas_call(
        _ffn_body,
        grid_spec=pltpu.PrefetchScalarGridSpec(
            num_scalar_prefetch=2,
            grid=(NB,),
            in_specs=[
                pl.BlockSpec((TB, D), lambda b, beid, bact: (bact[b] * b, 0)),
                pl.BlockSpec((TB, 128),
                             lambda b, beid, bact: (bact[b] * b, 0)),
                pl.BlockSpec((1, DFF, D),
                             lambda b, beid, bact: (beid[b], 0, 0)),
                pl.BlockSpec((1, DFF, D),
                             lambda b, beid, bact: (beid[b], 0, 0)),
                pl.BlockSpec((1, D, DFF),
                             lambda b, beid, bact: (beid[b], 0, 0)),
                pl.BlockSpec((E, DFF // BLK, D),
                             lambda b, beid, bact: (0, 0, 0)),
                pl.BlockSpec((E, DFF // BLK, D),
                             lambda b, beid, bact: (0, 0, 0)),
                pl.BlockSpec((E, D // BLK, DFF),
                             lambda b, beid, bact: (0, 0, 0)),
            ],
            out_specs=pl.BlockSpec((TB, D), lambda b, beid, bact: (b, 0)),
            scratch_shapes=[
                pltpu.VMEM((DFF, D), jnp.bfloat16),
                pltpu.VMEM((DFF, D), jnp.bfloat16),
                pltpu.VMEM((D, DFF), jnp.bfloat16),
            ],
        ),
        out_shape=jax.ShapeDtypeStruct((A_MAX, D), jnp.float32),
    )(beid, bact, xs, ws, eg_w, eu_w, ed_w, sgx, sux, sdx)

    out = _make_combine(T, D, A_MAX)(ys, sh_out, s0, s1)
    return out.reshape(bsz, seq, D)

# --- scband reference (transcript-rebuilt; emitter-appended) ---
"""Pipeline reference for scband-streaming-qwen-mo-e-72928544686527 (READ-ONLY COPY).

The authoritative reference and input builder live on the scoring server;
editing this copy changes nothing except your own understanding.
"""

import jax, jax.numpy as jnp
import numpy as np

E = 8
TOPK = 2
D = 1024
DFF = 512
DFF_SHARED = 512
B = 1
S = 2048
BLOCK = 128


def _dequant_block_fp8(w, scale_inv, block=BLOCK):
    # w: [M, N] simulated-fp8 weights (stored float32); scale_inv: [M/b, N/b]
    M, N = w.shape
    sf = jnp.repeat(scale_inv, block, axis=0)[:M]
    sf = jnp.repeat(sf, block, axis=1)[:, :N]
    return w * sf


def setup_inputs(seed: int = 0) -> dict:
    key = jax.random.key(seed)
    ks = jax.random.split(key, 16)
    hidden_states = jax.random.normal(ks[0], (B, S, D), dtype=jnp.float32)
    router_w = jax.random.normal(ks[1], (E, D), dtype=jnp.float32) * 0.02
    shared_gate_w = jax.random.normal(ks[2], (DFF_SHARED, D), dtype=jnp.float32) * 0.02
    shared_up_w = jax.random.normal(ks[3], (DFF_SHARED, D), dtype=jnp.float32) * 0.02
    shared_down_w = jax.random.normal(ks[4], (D, DFF_SHARED), dtype=jnp.float32) * 0.02
    shared_expert_gate_w = jax.random.normal(ks[5], (1, D), dtype=jnp.float32) * 0.02
    # routed experts: simulated fp8 raw weights + per-128x128-block scale_inv
    eg_w = jax.random.normal(ks[6], (E, DFF, D), dtype=jnp.float32) * 0.1
    eg_s = jax.random.uniform(ks[7], (E, DFF // BLOCK, D // BLOCK), minval=0.1, maxval=0.3)
    eu_w = jax.random.normal(ks[8], (E, DFF, D), dtype=jnp.float32) * 0.1
    eu_s = jax.random.uniform(ks[9], (E, DFF // BLOCK, D // BLOCK), minval=0.1, maxval=0.3)
    ed_w = jax.random.normal(ks[10], (E, D, DFF), dtype=jnp.float32) * 0.1
    ed_s = jax.random.uniform(ks[11], (E, D // BLOCK, DFF // BLOCK), minval=0.1, maxval=0.3)
    return {
        "hidden_states": hidden_states,
        "router_w": router_w,
        "shared_gate_w": shared_gate_w,
        "shared_up_w": shared_up_w,
        "shared_down_w": shared_down_w,
        "shared_expert_gate_w": shared_expert_gate_w,
        "eg_w": eg_w, "eg_s": eg_s,
        "eu_w": eu_w, "eu_s": eu_s,
        "ed_w": ed_w, "ed_s": ed_s,
    }


def reference(hidden_states, router_w, shared_gate_w, shared_up_w, shared_down_w,
              shared_expert_gate_w, eg_w, eg_s, eu_w, eu_s, ed_w, ed_s):
    bsz, seq_len, hidden_dim = hidden_states.shape
    x = hidden_states.reshape(-1, hidden_dim)  # [T, D]

    # shared expert (SwiGLU MLP)
    sh = jax.nn.silu(x @ shared_gate_w.T) * (x @ shared_up_w.T)
    shared = sh @ shared_down_w.T  # [T, D]

    # router: softmax over experts, top-k, renormalize
    logits = x @ router_w.T  # [T, E]
    probs = jax.nn.softmax(logits, axis=-1)
    topv, topi = jax.lax.top_k(probs, TOPK)  # [T, K]
    topv = topv / jnp.sum(topv, axis=-1, keepdims=True)

    out = jnp.zeros_like(x)
    for e in range(E):
        # combined routing weight for expert e per token (0 if not selected)
        w_e = jnp.sum(jnp.where(topi == e, topv, 0.0), axis=-1)  # [T]
        w_g = _dequant_block_fp8(eg_w[e], eg_s[e])
        w_u = _dequant_block_fp8(eu_w[e], eu_s[e])
        w_d = _dequant_block_fp8(ed_w[e], ed_s[e])
        gate = x @ w_g.T
        up = x @ w_u.T
        h = jax.nn.silu(gate) * up
        y = h @ w_d.T  # [T, D]
        out = out + y * w_e[:, None]

    shared_gate = jax.nn.sigmoid(x @ shared_expert_gate_w.T)  # [T, 1]
    out = out + shared_gate * shared
    return out.reshape(bsz, seq_len, hidden_dim)

if __name__ == "__main__":
    import jax
    _d = setup_inputs()
    print(jax.jit(kernel)(*tuple(_d.values())))

</pallas_src>

<mosaic_0001>
#map = affine_map<(d0, d1) -> (0, 0)>
#map1 = affine_map<(d0, d1) -> (0)>
module attributes {stable_mosaic.version = 14 : i64} {
  func.func @combine(%arg0: i32, %arg1: i32, %arg2: memref<8192x1024xf32, #tpu.memory_space<hbm>>, %arg3: memref<2048x1024xf32, #tpu.memory_space<hbm>>, %arg4: memref<2048xi32, #tpu.memory_space<hbm>>, %arg5: memref<2048xi32, #tpu.memory_space<hbm>>, %arg6: memref<2048x1024xf32, #tpu.memory_space<hbm>>, %arg7: memref<32x1024xf32, #tpu.memory_space<vmem>>, %arg8: memref<32x1024xf32, #tpu.memory_space<vmem>>, %arg9: memref<32x1024xf32, #tpu.memory_space<vmem>>, %arg10: memref<32xi32, #tpu.memory_space<vmem>>, %arg11: memref<32xi32, #tpu.memory_space<vmem>>, %arg12: memref<!tpu.dma_semaphore, #tpu.memory_space<semaphore_mem>>) attributes {dimension_semantics = [#tpu.dimension_semantics<core_parallel>, #tpu.dimension_semantics<subcore_parallel>], iteration_bounds = array<i64: 2, 16>, scalar_prefetch = 0 : i64, scratch_operands = 6 : i64, tpu.core_type = #tpu.core_type<sc_vector_subcore>, window_params = [{transform_indices = #map}, {transform_indices = #map}, {transform_indices = #map1}, {transform_indices = #map1}, {transform_indices = #map}]} {
    %mul3A = arith.constant 2 : i32
    %mul3A_0 = arith.muli %arg1, %mul3A : i32
    %add3A = arith.addi %mul3A_0, %arg0 : i32
    %mul3A_1 = arith.constant 64 : i32
    %mul3A_2 = arith.muli %add3A, %mul3A_1 : i32
    %scan3A = arith.constant 0 : i32
    %scan3A_3 = arith.constant 0 : i32
    %scan3A_4 = arith.constant 2 : i32
    %scan3A_5 = arith.addi %scan3A_3, %scan3A_4 : i32
    %scan3A_6 = arith.constant 1 : i32
    scf.for %scan3A_8 = %scan3A_3 to %scan3A_5 step %scan3A_6  : i32 {
      %mul3A_9 = arith.constant 32 : i32
      %mul3A_10 = arith.muli %scan3A_8, %mul3A_9 : i32
      %add3A_11 = arith.addi %mul3A_2, %mul3A_10 : i32
      "tpu.region"() ({
        %run_scoped3A = tpu.sem_alloc : memref<!tpu.dma_semaphore, #tpu.memory_space<semaphore_mem>>
        %dma_start3A_28 = tpu.memref_slice %arg4[%add3A_11] : memref<2048xi32, #tpu.memory_space<hbm>> -> memref<32xi32, #tpu.memory_space<hbm>>
        %dma_start3A_29 = tpu.memref_slice %arg4[%add3A_11] : memref<2048xi32, #tpu.memory_space<hbm>> -> memref<32xi32, #tpu.memory_space<hbm>>
        tpu.enqueue_dma source(%dma_start3A_29 : memref<32xi32, #tpu.memory_space<hbm>>) target(%arg10 : memref<32xi32, #tpu.memory_space<vmem>>) target_semaphore(%run_scoped3A : memref<!tpu.dma_semaphore, #tpu.memory_space<semaphore_mem>>)
        %dma_wait3A_30 = tpu.memref_slice %arg4[%add3A_11] : memref<2048xi32, #tpu.memory_space<hbm>> -> memref<32xi32, #tpu.memory_space<hbm>>
        %dma_wait3A_31 = tpu.memref_slice %arg4[%add3A_11] : memref<2048xi32, #tpu.memory_space<hbm>> -> memref<32xi32, #tpu.memory_space<hbm>>
        tpu.wait_dma2 semaphore(%run_scoped3A : memref<!tpu.dma_semaphore, #tpu.memory_space<semaphore_mem>>) src(%dma_wait3A_31 : memref<32xi32, #tpu.memory_space<hbm>>) dst(%arg10 : memref<32xi32, #tpu.memory_space<vmem>>)
        tpu.yield
      }) : () -> ()
      "tpu.region"() ({
        %run_scoped3A = tpu.sem_alloc : memref<!tpu.dma_semaphore, #tpu.memory_space<semaphore_mem>>
        %dma_start3A_28 = tpu.memref_slice %arg5[%add3A_11] : memref<2048xi32, #tpu.memory_space<hbm>> -> memref<32xi32, #tpu.memory_space<hbm>>
        %dma_start3A_29 = tpu.memref_slice %arg5[%add3A_11] : memref<2048xi32, #tpu.memory_space<hbm>> -> memref<32xi32, #tpu.memory_space<hbm>>
        tpu.enqueue_dma source(%dma_start3A_29 : memref<32xi32, #tpu.memory_space<hbm>>) target(%arg11 : memref<32xi32, #tpu.memory_space<vmem>>) target_semaphore(%run_scoped3A : memref<!tpu.dma_semaphore, #tpu.memory_space<semaphore_mem>>)
        %dma_wait3A_30 = tpu.memref_slice %arg5[%add3A_11] : memref<2048xi32, #tpu.memory_space<hbm>> -> memref<32xi32, #tpu.memory_space<hbm>>
        %dma_wait3A_31 = tpu.memref_slice %arg5[%add3A_11] : memref<2048xi32, #tpu.memory_space<hbm>> -> memref<32xi32, #tpu.memory_space<hbm>>
        tpu.wait_dma2 semaphore(%run_scoped3A : memref<!tpu.dma_semaphore, #tpu.memory_space<semaphore_mem>>) src(%dma_wait3A_31 : memref<32xi32, #tpu.memory_space<hbm>>) dst(%arg11 : memref<32xi32, #tpu.memory_space<vmem>>)
        tpu.yield
      }) : () -> ()
      "tpu.region"() ({
        %run_scoped3A = tpu.sem_alloc : memref<!tpu.dma_semaphore, #tpu.memory_space<semaphore_mem>>
        %dma_start3A_28 = arith.constant 0 : i32
        %dma_start3A_29 = tpu.memref_slice %arg3[%add3A_11, %dma_start3A_28] : memref<2048x1024xf32, #tpu.memory_space<hbm>> -> memref<32x1024xf32, #tpu.memory_space<hbm>>
        %dma_start3A_30 = arith.constant 0 : i32
        %dma_start3A_31 = tpu.memref_slice %arg3[%add3A_11, %dma_start3A_30] : memref<2048x1024xf32, #tpu.memory_space<hbm>> -> memref<32x1024xf32, #tpu.memory_space<hbm>>
        tpu.enqueue_dma source(%dma_start3A_31 : memref<32x1024xf32, #tpu.memory_space<hbm>>) target(%arg9 : memref<32x1024xf32, #tpu.memory_space<vmem>>) target_semaphore(%run_scoped3A : memref<!tpu.dma_semaphore, #tpu.memory_space<semaphore_mem>>)
        %dma_wait3A_32 = arith.constant 0 : i32
        %dma_wait3A_33 = tpu.memref_slice %arg3[%add3A_11, %dma_wait3A_32] : memref<2048x1024xf32, #tpu.memory_space<hbm>> -> memref<32x1024xf32, #tpu.memory_space<hbm>>
        %dma_wait3A_34 = arith.constant 0 : i32
        %dma_wait3A_35 = tpu.memref_slice %arg3[%add3A_11, %dma_wait3A_34] : memref<2048x1024xf32, #tpu.memory_space<hbm>> -> memref<32x1024xf32, #tpu.memory_space<hbm>>
        tpu.wait_dma2 semaphore(%run_scoped3A : memref<!tpu.dma_semaphore, #tpu.memory_space<semaphore_mem>>) src(%dma_wait3A_35 : memref<32x1024xf32, #tpu.memory_space<hbm>>) dst(%arg9 : memref<32x1024xf32, #tpu.memory_space<vmem>>)
        tpu.yield
      }) : () -> ()
      %dma_start3A = arith.constant 0 : i32
      %dma_start3A_12 = arith.constant 0 : i32
      %dma_start3A_13 = tpu.memref_slice %arg2[%dma_start3A, %dma_start3A_12] : memref<8192x1024xf32, #tpu.memory_space<hbm>> -> memref<8192x1024xf32, #tpu.memory_space<hbm>>
      tpu.enqueue_indirect_dma source(%dma_start3A_13 : memref<8192x1024xf32, #tpu.memory_space<hbm>>) target(%arg7 : memref<32x1024xf32, #tpu.memory_space<vmem>>) offsets(%arg10 : memref<32xi32, #tpu.memory_space<vmem>>) semaphore(%arg12 : memref<!tpu.dma_semaphore, #tpu.memory_space<semaphore_mem>>)
      %dma_start3A_14 = arith.constant 0 : i32
      %dma_start3A_15 = arith.constant 0 : i32
      %dma_start3A_16 = tpu.memref_slice %arg2[%dma_start3A_14, %dma_start3A_15] : memref<8192x1024xf32, #tpu.memory_space<hbm>> -> memref<8192x1024xf32, #tpu.memory_space<hbm>>
      tpu.enqueue_indirect_dma source(%dma_start3A_16 : memref<8192x1024xf32, #tpu.memory_space<hbm>>) target(%arg8 : memref<32x1024xf32, #tpu.memory_space<vmem>>) offsets(%arg11 : memref<32xi32, #tpu.memory_space<vmem>>) semaphore(%arg12 : memref<!tpu.dma_semaphore, #tpu.memory_space<semaphore_mem>>)
      %dma_wait3A = arith.constant 0 : i32
      %dma_wait3A_17 = arith.constant 0 : i32
      %dma_wait3A_18 = tpu.memref_slice %arg2[%dma_wait3A, %dma_wait3A_17] : memref<8192x1024xf32, #tpu.memory_space<hbm>> -> memref<8192x1024xf32, #tpu.memory_space<hbm>>
      tpu.wait_indirect_dma semaphore(%arg12 : memref<!tpu.dma_semaphore, #tpu.memory_space<semaphore_mem>>) src(%dma_wait3A_18 : memref<8192x1024xf32, #tpu.memory_space<hbm>>) dst(%arg7 : memref<32x1024xf32, #tpu.memory_space<vmem>>)
      %dma_wait3A_19 = arith.constant 0 : i32
      %dma_wait3A_20 = arith.constant 0 : i32
      %dma_wait3A_21 = tpu.memref_slice %arg2[%dma_wait3A_19, %dma_wait3A_20] : memref<8192x1024xf32, #tpu.memory_space<hbm>> -> memref<8192x1024xf32, #tpu.memory_space<hbm>>
      tpu.wait_indirect_dma semaphore(%arg12 : memref<!tpu.dma_semaphore, #tpu.memory_space<semaphore_mem>>) src(%dma_wait3A_21 : memref<8192x1024xf32, #tpu.memory_space<hbm>>) dst(%arg8 : memref<32x1024xf32, #tpu.memory_space<vmem>>)
      %scan3A_22 = arith.constant 0 : i32
      %scan3A_23 = arith.constant 0 : i32
      %scan3A_24 = arith.constant 32 : i32
      %scan3A_25 = arith.addi %scan3A_23, %scan3A_24 : i32
      %scan3A_26 = arith.constant 1 : i32
      scf.for %scan3A_28 = %scan3A_23 to %scan3A_25 step %scan3A_26  : i32 {
        %get3A = arith.index_cast %scan3A_28 : i32 to index
        %get3A_29 = arith.constant 0 : index
        %get3A_30 = tpu.vector_load %arg9[%get3A, %get3A_29] {strides = array<i32>} : memref<32x1024xf32, #tpu.memory_space<vmem>>, vector<1x16xf32>,
        %get3A_31 = vector.shape_cast %get3A_30 : vector<1x16xf32> to vector<16xf32>
        %get3A_32 = arith.index_cast %scan3A_28 : i32 to index
        %get3A_33 = arith.constant 0 : index
        %get3A_34 = tpu.vector_load %arg7[%get3A_32, %get3A_33] {strides = array<i32>} : memref<32x1024xf32, #tpu.memory_space<vmem>>, vector<1x16xf32>,
        %get3A_35 = vector.shape_cast %get3A_34 : vector<1x16xf32> to vector<16xf32>
        %add3A_36 = arith.addf %get3A_31, %get3A_35 : vector<16xf32>
        %get3A_37 = arith.index_cast %scan3A_28 : i32 to index
        %get3A_38 = arith.constant 0 : index
        %get3A_39 = tpu.vector_load %arg8[%get3A_37, %get3A_38] {strides = array<i32>} : memref<32x1024xf32, #tpu.memory_space<vmem>>, vector<1x16xf32>,
        %get3A_40 = vector.shape_cast %get3A_39 : vector<1x16xf32> to vector<16xf32>
        %add3A_41 = arith.addf %add3A_36, %get3A_40 : vector<16xf32>
        %swap3A = arith.index_cast %scan3A_28 : i32 to index
        %swap3A_42 = arith.constant 0 : index
        %swap3A_43 = tpu.vector_load %arg9[%swap3A, %swap3A_42] {strides = array<i32>} : memref<32x1024xf32, #tpu.memory_space<vmem>>, vector<1x16xf32>,
        %swap3A_44 = vector.shape_cast %swap3A_43 : vector<1x16xf32> to vector<16xf32>
        %swap3A_45 = vector.shape_cast %add3A_41 : vector<16xf32> to vector<1x16xf32>
        tpu.vector_store %arg9[%swap3A, %swap3A_42], %swap3A_45 {strides = array<i32>} : memref<32x1024xf32, #tpu.memory_space<vmem>>, vector<1x16xf32>,
        %get3A_46 = arith.index_cast %scan3A_28 : i32 to index
        %get3A_47 = arith.constant 16 : index
        %get3A_48 = tpu.vector_load %arg9[%get3A_46, %get3A_47] {strides = array<i32>} : memref<32x1024xf32, #tpu.memory_space<vmem>>, vector<1x16xf32>,
        %get3A_49 = vector.shape_cast %get3A_48 : vector<1x16xf32> to vector<16xf32>
        %get3A_50 = arith.index_cast %scan3A_28 : i32 to index
        %get3A_51 = arith.constant 16 : index
        %get3A_52 = tpu.vector_load %arg7[%get3A_50, %get3A_51] {strides = array<i32>} : memref<32x1024xf32, #tpu.memory_space<vmem>>, vector<1x16xf32>,
        %get3A_53 = vector.shape_cast %get3A_52 : vector<1x16xf32> to vector<16xf32>
        %add3A_54 = arith.addf %get3A_49, %get3A_53 : vector<16xf32>
        %get3A_55 = arith.index_cast %scan3A_28 : i32 to index
        %get3A_56 = arith.constant 16 : index
        %get3A_57 = tpu.vector_load %arg8[%get3A_55, %get3A_56] {strides = array<i32>} : memref<32x1024xf32, #tpu.memory_space<vmem>>, vector<1x16xf32>,
        %get3A_58 = vector.shape_cast %get3A_57 : vector<1x16xf32> to vector<16xf32>
        %add3A_59 = arith.addf %add3A_54, %get3A_58 : vector<16xf32>
        %swap3A_60 = arith.index_cast %scan3A_28 : i32 to index
        %swap3A_61 = arith.constant 16 : index
        %swap3A_62 = tpu.vector_load %arg9[%swap3A_60, %swap3A_61] {strides = array<i32>} : memref<32x1024xf32, #tpu.memory_space<vmem>>, vector<1x16xf32>,
        %swap3A_63 = vector.shape_cast %swap3A_62 : vector<1x16xf32> to vector<16xf32>
        %swap3A_64 = vector.shape_cast %add3A_59 : vector<16xf32> to vector<1x16xf32>
        tpu.vector_store %arg9[%swap3A_60, %swap3A_61], %swap3A_64 {strides = array<i32>} : memref<32x1024xf32, #tpu.memory_space<vmem>>, vector<1x16xf32>,
        %get3A_65 = arith.index_cast %scan3A_28 : i32 to index
        %get3A_66 = arith.constant 32 : index
        %get3A_67 = tpu.vector_load %arg9[%get3A_65, %get3A_66] {strides = array<i32>} : memref<32x1024xf32, #tpu.memory_space<vmem>>, vector<1x16xf32>,
        %get3A_68 = vector.shape_cast %get3A_67 : vector<1x16xf32> to vector<16xf32>
        %get3A_69 = arith.index_cast %scan3A_28 : i32 to index
        %get3A_70 = arith.constant 32 : index
        %get3A_71 = tpu.vector_load %arg7[%get3A_69, %get3A_70] {strides = array<i32>} : memref<32x1024xf32, #tpu.memory_space<vmem>>, vector<1x16xf32>,
        %get3A_72 = vector.shape_cast %get3A_71 : vector<1x16xf32> to vector<16xf32>
        %add3A_73 = arith.addf %get3A_68, %get3A_72 : vector<16xf32>
        %get3A_74 = arith.index_cast %scan3A_28 : i32 to index
        %get3A_75 = arith.constant 32 : index
        %get3A_76 = tpu.vector_load %arg8[%get3A_74, %get3A_75] {strides = array<i32>} : memref<32x1024xf32, #tpu.memory_space<vmem>>, vector<1x16xf32>,
        %get3A_77 = vector.shape_cast %get3A_76 : vector<1x16xf32> to vector<16xf32>
        %add3A_78 = arith.addf %add3A_73, %get3A_77 : vector<16xf32>
        %swap3A_79 = arith.index_cast %scan3A_28 : i32 to index
        %swap3A_80 = arith.constant 32 : index
        %swap3A_81 = tpu.vector_load %arg9[%swap3A_79, %swap3A_80] {strides = array<i32>} : memref<32x1024xf32, #tpu.memory_space<vmem>>, vector<1x16xf32>,
        %swap3A_82 = vector.shape_cast %swap3A_81 : vector<1x16xf32> to vector<16xf32>
        %swap3A_83 = vector.shape_cast %add3A_78 : vector<16xf32> to vector<1x16xf32>
        tpu.vector_store %arg9[%swap3A_79, %swap3A_80], %swap3A_83 {strides = array<i32>} : memref<32x1024xf32, #tpu.memory_space<vmem>>, vector<1x16xf32>,
        %get3A_84 = arith.index_cast %scan3A_28 : i32 to index
        %get3A_85 = arith.constant 48 : index
        %get3A_86 = tpu.vector_load %arg9[%get3A_84, %get3A_85] {strides = array<i32>} : memref<32x1024xf32, #tpu.memory_space<vmem>>, vector<1x16xf32>,
        %get3A_87 = vector.shape_cast %get3A_86 : vector<1x16xf32> to vector<16xf32>
        %get3A_88 = arith.index_cast %scan3A_28 : i32 to index
        %get3A_89 = arith.constant 48 : index
        %get3A_90 = tpu.vector_load %arg7[%get3A_88, %get3A_89] {strides = array<i32>} : memref<32x1024xf32, #tpu.memory_space<vmem>>, vector<1x16xf32>,
        %get3A_91 = vector.shape_cast %get3A_90 : vector<1x16xf32> to vector<16xf32>
        %add3A_92 = arith.addf %get3A_87, %get3A_91 : vector<16xf32>
        %get3A_93 = arith.index_cast %scan3A_28 : i32 to index
        %get3A_94 = arith.constant 48 : index
        %get3A_95 = tpu.vector_load %arg8[%get3A_93, %get3A_94] {strides = array<i32>} : memref<32x1024xf32, #tpu.memory_space<vmem>>, vector<1x16xf32>,
        %get3A_96 = vector.shape_cast %get3A_95 : vector<1x16xf32> to vector<16xf32>
        %add3A_97 = arith.addf %add3A_92, %get3A_96 : vector<16xf32>
        %swap3A_98 = arith.index_cast %scan3A_28 : i32 to index
        %swap3A_99 = arith.constant 48 : index
        %swap3A_100 = tpu.vector_load %arg9[%swap3A_98, %swap3A_99] {strides = array<i32>} : memref<32x1024xf32, #tpu.memory_space<vmem>>, vector<1x16xf32>,
        %swap3A_101 = vector.shape_cast %swap3A_100 : vector<1x16xf32> to vector<16xf32>
        %swap3A_102 = vector.shape_cast %add3A_97 : vector<16xf32> to vector<1x16xf32>
        tpu.vector_store %arg9[%swap3A_98, %swap3A_99], %swap3A_102 {strides = array<i32>} : memref<32x1024xf32, #tpu.memory_space<vmem>>, vector<1x16xf32>,
        %get3A_103 = arith.index_cast %scan3A_28 : i32 to index
        %get3A_104 = arith.constant 64 : index
        %get3A_105 = tpu.vector_load %arg9[%get3A_103, %get3A_104] {strides = array<i32>} : memref<32x1024xf32, #tpu.memory_space<vmem>>, vector<1x16xf32>,
        %get3A_106 = vector.shape_cast %get3A_105 : vector<1x16xf32> to vector<16xf32>
        %get3A_107 = arith.index_cast %scan3A_28 : i32 to index
        %get3A_108 = arith.constant 64 : index
        %get3A_109 = tpu.vector_load %arg7[%get3A_107, %get3A_108] {strides = array<i32>} : memref<32x1024xf32, #tpu.memory_space<vmem>>, vector<1x16xf32>,
        %get3A_110 = vector.shape_cast %get3A_109 : vector<1x16xf32> to vector<16xf32>
        %add3A_111 = arith.addf %get3A_106, %get3A_110 : vector<16xf32>
        %get3A_112 = arith.index_cast %scan3A_28 : i32 to index
        %get3A_113 = arith.constant 64 : index
        %get3A_114 = tpu.vector_load %arg8[%get3A_112, %get3A_113] {strides = array<i32>} : memref<32x1024xf32, #tpu.memory_space<vmem>>, vector<1x16xf32>,
        %get3A_115 = vector.shape_cast %get3A_114 : vector<1x16xf32> to vector<16xf32>
        %add3A_116 = arith.addf %add3A_111, %get3A_115 : vector<16xf32>
        %swap3A_117 = arith.index_cast %scan3A_28 : i32 to index
        %swap3A_118 = arith.constant 64 : index
        %swap3A_119 = tpu.vector_load %arg9[%swap3A_117, %swap3A_118] {strides = array<i32>} : memref<32x1024xf32, #tpu.memory_space<vmem>>, vector<1x16xf32>,
        %swap3A_120 = vector.shape_cast %swap3A_119 : vector<1x16xf32> to vector<16xf32>
        %swap3A_121 = vector.shape_cast %add3A_116 : vector<16xf32> to vector<1x16xf32>
        tpu.vector_store %arg9[%swap3A_117, %swap3A_118], %swap3A_121 {strides = array<i32>} : memref<32x1024xf32, #tpu.memory_space<vmem>>, vector<1x16xf32>,
        %get3A_122 = arith.index_cast %scan3A_28 : i32 to index
        %get3A_123 = arith.constant 80 : index
        %get3A_124 = tpu.vector_load %arg9[%get3A_122, %get3A_123] {strides = array<i32>} : memref<32x1024xf32, #tpu.memory_space<vmem>>, vector<1x16xf32>,
        %get3A_125 = vector.shape_cast %get3A_124 : vector<1x16xf32> to vector<16xf32>
        %get3A_126 = arith.index_cast %scan3A_28 : i32 to index
        %get3A_127 = arith.constant 80 : index
        %get3A_128 = tpu.vector_load %arg7[%get3A_126, %get3A_127] {strides = array<i32>} : memref<32x1024xf32, #tpu.memory_space<vmem>>, vector<1x16xf32>,
        %get3A_129 = vector.shape_cast %get3A_128 : vector<1x16xf32> to vector<16xf32>
        %add3A_130 = arith.addf %get3A_125, %get3A_129 : vector<16xf32>
        %get3A_131 = arith.index_cast %scan3A_28 : i32 to index
        %get3A_132 = arith.constant 80 : index
        %get3A_133 = tpu.vector_load %arg8[%get3A_131, %get3A_132] {strides = array<i32>} : memref<32x1024xf32, #tpu.memory_space<vmem>>, vector<1x16xf32>,
        %get3A_134 = vector.shape_cast %get3A_133 : vector<1x16xf32> to vector<16xf32>
        %add3A_135 = arith.addf %add3A_130, %get3A_134 : vector<16xf32>
        %swap3A_136 = arith.index_cast %scan3A_28 : i32 to index
        %swap3A_137 = arith.constant 80 : index
        %swap3A_138 = tpu.vector_load %arg9[%swap3A_136, %swap3A_137] {strides = array<i32>} : memref<32x1024xf32, #tpu.memory_space<vmem>>, vector<1x16xf32>,
        %swap3A_139 = vector.shape_cast %swap3A_138 : vector<1x16xf32> to vector<16xf32>
        %swap3A_140 = vector.shape_cast %add3A_135 : vector<16xf32> to vector<1x16xf32>
        tpu.vector_store %arg9[%swap3A_136, %swap3A_137], %swap3A_140 {strides = array<i32>} : memref<32x1024xf32, #tpu.memory_space<vmem>>, vector<1x16xf32>,
        %get3A_141 = arith.index_cast %scan3A_28 : i32 to index
        %get3A_142 = arith.constant 96 : index
        %get3A_143 = tpu.vector_load %arg9[%get3A_141, %get3A_142] {strides = array<i32>} : memref<32x1024xf32, #tpu.memory_space<vmem>>, vector<1x16xf32>,
        %get3A_144 = vector.shape_cast %get3A_143 : vector<1x16xf32> to vector<16xf32>
        %get3A_145 = arith.index_cast %scan3A_28 : i32 to index
        %get3A_146 = arith.constant 96 : index
        %get3A_147 = tpu.vector_load %arg7[%get3A_145, %get3A_146] {strides = array<i32>} : memref<32x1024xf32, #tpu.memory_space<vmem>>, vector<1x16xf32>,
        %get3A_148 = vector.shape_cast %get3A_147 : vector<1x16xf32> to vector<16xf32>
        %add3A_149 = arith.addf %get3A_144, %get3A_148 : vector<16xf32>
        %get3A_150 = arith.index_cast %scan3A_28 : i32 to index
        %get3A_151 = arith.constant 96 : index
        %get3A_152 = tpu.vector_load %arg8[%get3A_150, %get3A_151] {strides = array<i32>} : memref<32x1024xf32, #tpu.memory_space<vmem>>, vector<1x16xf32>,
        %get3A_153 = vector.shape_cast %get3A_152 : vector<1x16xf32> to vector<16xf32>
        %add3A_154 = arith.addf %add3A_149, %get3A_153 : vector<16xf32>
        %swap3A_155 = arith.index_cast %scan3A_28 : i32 to index
        %swap3A_156 = arith.constant 96 : index
        %swap3A_157 = tpu.vector_load %arg9[%swap3A_155, %swap3A_156] {strides = array<i32>} : memref<32x1024xf32, #tpu.memory_space<vmem>>, vector<1x16xf32>,
        %swap3A_158 = vector.shape_cast %swap3A_157 : vector<1x16xf32> to vector<16xf32>
        %swap3A_159 = vector.shape_cast %add3A_154 : vector<16xf32> to vector<1x16xf32>
        tpu.vector_store %arg9[%swap3A_155, %swap3A_156], %swap3A_159 {strides = array<i32>} : memref<32x1024xf32, #tpu.memory_space<vmem>>, vector<1x16xf32>,
        %get3A_160 = arith.index_cast %scan3A_28 : i32 to index
        %get3A_161 = arith.constant 112 : index
        %get3A_162 = tpu.vector_load %arg9[%get3A_160, %get3A_161] {strides = array<i32>} : memref<32x1024xf32, #tpu.memory_space<vmem>>, vector<1x16xf32>,
        %get3A_163 = vector.shape_cast %get3A_162 : vector<1x16xf32> to vector<16xf32>
        %get3A_164 = arith.index_cast %scan3A_28 : i32 to index
        %get3A_165 = arith.constant 112 : index
        %get3A_166 = tpu.vector_load %arg7[%get3A_164, %get3A_165] {strides = array<i32>} : memref<32x1024xf32, #tpu.memory_space<vmem>>, vector<1x16xf32>,
        %get3A_167 = vector.shape_cast %get3A_166 : vector<1x16xf32> to vector<16xf32>
        %add3A_168 = arith.addf %get3A_163, %get3A_167 : vector<16xf32>
        %get3A_169 = arith.index_cast %scan3A_28 : i32 to index
        %get3A_170 = arith.constant 112 : index
        %get3A_171 = tpu.vector_load %arg8[%get3A_169, %get3A_170] {strides = array<i32>} : memref<32x1024xf32, #tpu.memory_space<vmem>>, vector<1x16xf32>,
        %get3A_172 = vector.shape_cast %get3A_171 : vector<1x16xf32> to vector<16xf32>
        %add3A_173 = arith.addf %add3A_168, %get3A_172 : vector<16xf32>
        %swap3A_174 = arith.index_cast %scan3A_28 : i32 to index
        %swap3A_175 = arith.constant 112 : index
        %swap3A_176 = tpu.vector_load %arg9[%swap3A_174, %swap3A_175] {strides = array<i32>} : memref<32x1024xf32, #tpu.memory_space<vmem>>, vector<1x16xf32>,
        %swap3A_177 = vector.shape_cast %swap3A_176 : vector<1x16xf32> to vector<16xf32>
        %swap3A_178 = vector.shape_cast %add3A_173 : vector<16xf32> to vector<1x16xf32>
        tpu.vector_store %arg9[%swap3A_174, %swap3A_175], %swap3A_178 {strides = array<i32>} : memref<32x1024xf32, #tpu.memory_space<vmem>>, vector<1x16xf32>,
        %get3A_179 = arith.index_cast %scan3A_28 : i32 to index
        %get3A_180 = arith.constant 128 : index
        %get3A_181 = tpu.vector_load %arg9[%get3A_179, %get3A_180] {strides = array<i32>} : memref<32x1024xf32, #tpu.memory_space<vmem>>, vector<1x16xf32>,
        %get3A_182 = vector.shape_cast %get3A_181 : vector<1x16xf32> to vector<16xf32>
        %get3A_183 = arith.index_cast %scan3A_28 : i32 to index
        %get3A_184 = arith.constant 128 : index
        %get3A_185 = tpu.vector_load %arg7[%get3A_183, %get3A_184] {strides = array<i32>} : memref<32x1024xf32, #tpu.memory_space<vmem>>, vector<1x16xf32>,
        %get3A_186 = vector.shape_cast %get3A_185 : vector<1x16xf32> to vector<16xf32>
        %add3A_187 = arith.addf %get3A_182, %get3A_186 : vector<16xf32>
        %get3A_188 = arith.index_cast %scan3A_28 : i32 to index
        %get3A_189 = arith.constant 128 : index
        %get3A_190 = tpu.vector_load %arg8[%get3A_188, %get3A_189] {strides = array<i32>} : memref<32x1024xf32, #tpu.memory_space<vmem>>, vector<1x16xf32>,
        %get3A_191 = vector.shape_cast %get3A_190 : vector<1x16xf32> to vector<16xf32>
        %add3A_192 = arith.addf %add3A_187, %get3A_191 : vector<16xf32>
        %swap3A_193 = arith.index_cast %scan3A_28 : i32 to index
        %swap3A_194 = arith.constant 128 : index
        %swap3A_195 = tpu.vector_load %arg9[%swap3A_193, %swap3A_194] {strides = array<i32>} : memref<32x1024xf32, #tpu.memory_space<vmem>>, vector<1x16xf32>,
        %swap3A_196 = vector.shape_cast %swap3A_195 : vector<1x16xf32> to vector<16xf32>
        %swap3A_197 = vector.shape_cast %add3A_192 : vector<16xf32> to vector<1x16xf32>
        tpu.vector_store %arg9[%swap3A_193, %swap3A_194], %swap3A_197 {strides = array<i32>} : memref<32x1024xf32, #tpu.memory_space<vmem>>, vector<1x16xf32>,
        %get3A_198 = arith.index_cast %scan3A_28 : i32 to index
        %get3A_199 = arith.constant 144 : index
        %get3A_200 = tpu.vector_load %arg9[%get3A_198, %get3A_199] {strides = array<i32>} : memref<32x1024xf32, #tpu.memory_space<vmem>>, vector<1x16xf32>,
        %get3A_201 = vector.shape_cast %get3A_200 : vector<1x16xf32> to vector<16xf32>
        %get3A_202 = arith.index_cast %scan3A_28 : i32 to index
        %get3A_203 = arith.constant 144 : index
        %get3A_204 = tpu.vector_load %arg7[%get3A_202, %get3A_203] {strides = array<i32>} : memref<32x1024xf32, #tpu.memory_space<vmem>>, vector<1x16xf32>,
        %get3A_205 = vector.shape_cast %get3A_204 : vector<1x16xf32> to vector<16xf32>
        %add3A_206 = arith.addf %get3A_201, %get3A_205 : vector<16xf32>
        %get3A_207 = arith.index_cast %scan3A_28 : i32 to index
        %get3A_208 = arith.constant 144 : index
        %get3A_209 = tpu.vector_load %arg8[%get3A_207, %get3A_208] {strides = array<i32>} : memref<32x1024xf32, #tpu.memory_space<vmem>>, vector<1x16xf32>,
        %get3A_210 = vector.shape_cast %get3A_209 : vector<1x16xf32> to vector<16xf32>
        %add3A_211 = arith.addf %add3A_206, %get3A_210 : vector<16xf32>
        %swap3A_212 = arith.index_cast %scan3A_28 : i32 to index
        %swap3A_213 = arith.constant 144 : index
        %swap3A_214 = tpu.vector_load %arg9[%swap3A_212, %swap3A_213] {strides = array<i32>} : memref<32x1024xf32, #tpu.memory_space<vmem>>, vector<1x16xf32>,
        %swap3A_215 = vector.shape_cast %swap3A_214 : vector<1x16xf32> to vector<16xf32>
        %swap3A_216 = vector.shape_cast %add3A_211 : vector<16xf32> to vector<1x16xf32>
        tpu.vector_store %arg9[%swap3A_212, %swap3A_213], %swap3A_216 {strides = array<i32>} : memref<32x1024xf32, #tpu.memory_space<vmem>>, vector<1x16xf32>,
        %get3A_217 = arith.index_cast %scan3A_28 : i32 to index
        %get3A_218 = arith.constant 160 : index
        %get3A_219 = tpu.vector_load %arg9[%get3A_217, %get3A_218] {strides = array<i32>} : memref<32x1024xf32, #tpu.memory_space<vmem>>, vector<1x16xf32>,
        %get3A_220 = vector.shape_cast %get3A_219 : vector<1x16xf32> to vector<16xf32>
        %get3A_221 = arith.index_cast %scan3A_28 : i32 to index
        %get3A_222 = arith.constant 160 : index
        %get3A_223 = tpu.vector_load %arg7[%get3A_221, %get3A_222] {strides = array<i32>} : memref<32x1024xf32, #tpu.memory_space<vmem>>, vector<1x16xf32>,
        %get3A_224 = vector.shape_cast %get3A_223 : vector<1x16xf32> to vector<16xf32>
        %add3A_225 = arith.addf %get3A_220, %get3A_224 : vector<16xf32>
        %get3A_226 = arith.index_cast %scan3A_28 : i32 to index
        %get3A_227 = arith.constant 160 : index
        %get3A_228 = tpu.vector_load %arg8[%get3A_226, %get3A_227] {strides = array<i32>} : memref<32x1024xf32, #tpu.memory_space<vmem>>, vector<1x16xf32>,
        %get3A_229 = vector.shape_cast %get3A_228 : vector<1x16xf32> to vector<16xf32>
        %add3A_230 = arith.addf %add3A_225, %get3A_229 : vector<16xf32>
        %swap3A_231 = arith.index_cast %scan3A_28 : i32 to index
        %swap3A_232 = arith.constant 160 : index
        %swap3A_233 = tpu.vector_load %arg9[%swap3A_231, %swap3A_232] {strides = array<i32>} : memref<32x1024xf32, #tpu.memory_space<vmem>>, vector<1x16xf32>,
        %swap3A_234 = vector.shape_cast %swap3A_233 : vector<1x16xf32> to vector<16xf32>
        %swap3A_235 = vector.shape_cast %add3A_230 : vector<16xf32> to vector<1x16xf32>
        tpu.vector_store %arg9[%swap3A_231, %swap3A_232], %swap3A_235 {strides = array<i32>} : memref<32x1024xf32, #tpu.memory_space<vmem>>, vector<1x16xf32>,
        %get3A_236 = arith.index_cast %scan3A_28 : i32 to index
        %get3A_237 = arith.constant 176 : index
        %get3A_238 = tpu.vector_load %arg9[%get3A_236, %get3A_237] {strides = array<i32>} : memref<32x1024xf32, #tpu.memory_space<vmem>>, vector<1x16xf32>,
        %get3A_239 = vector.shape_cast %get3A_238 : vector<1x16xf32> to vector<16xf32>
        %get3A_240 = arith.index_cast %scan3A_28 : i32 to index
        %get3A_241 = arith.constant 176 : index
        %get3A_242 = tpu.vector_load %arg7[%get3A_240, %get3A_241] {strides = array<i32>} : memref<32x1024xf32, #tpu.memory_space<vmem>>, vector<1x16xf32>,
        %get3A_243 = vector.shape_cast %get3A_242 : vector<1x16xf32> to vector<16xf32>
        %add3A_244 = arith.addf %get3A_239, %get3A_243 : vector<16xf32>
        %get3A_245 = arith.index_cast %scan3A_28 : i32 to index
        %get3A_246 = arith.constant 176 : index
        %get3A_247 = tpu.vector_load %arg8[%get3A_245, %get3A_246] {strides = array<i32>} : memref<32x1024xf32, #tpu.memory_space<vmem>>, vector<1x16xf32>,
        %get3A_248 = vector.shape_cast %get3A_247 : vector<1x16xf32> to vector<16xf32>
        %add3A_249 = arith.addf %add3A_244, %get3A_248 : vector<16xf32>
        %swap3A_250 = arith.index_cast %scan3A_28 : i32 to index
        %swap3A_251 = arith.constant 176 : index
        %swap3A_252 = tpu.vector_load %arg9[%swap3A_250, %swap3A_251] {strides = array<i32>} : memref<32x1024xf32, #tpu.memory_space<vmem>>, vector<1x16xf32>,
        %swap3A_253 = vector.shape_cast %swap3A_252 : vector<1x16xf32> to vector<16xf32>
        %swap3A_254 = vector.shape_cast %add3A_249 : vector<16xf32> to vector<1x16xf32>
        tpu.vector_store %arg9[%swap3A_250, %swap3A_251], %swap3A_254 {strides = array<i32>} : memref<32x1024xf32, #tpu.memory_space<vmem>>, vector<1x16xf32>,
        %get3A_255 = arith.index_cast %scan3A_28 : i32 to index
        %get3A_256 = arith.constant 192 : index
        %get3A_257 = tpu.vector_load %arg9[%get3A_255, %get3A_256] {strides = array<i32>} : memref<32x1024xf32, #tpu.memory_space<vmem>>, vector<1x16xf32>,
        %get3A_258 = vector.shape_cast %get3A_257 : vector<1x16xf32> to vector<16xf32>
        %get3A_259 = arith.index_cast %scan3A_28 : i32 to index
        %get3A_260 = arith.constant 192 : index
        %get3A_261 = tpu.vector_load %arg7[%get3A_259, %get3A_260] {strides = array<i32>} : memref<32x1024xf32, #tpu.memory_space<vmem>>, vector<1x16xf32>,
        %get3A_262 = vector.shape_cast %get3A_261 : vector<1x16xf32> to vector<16xf32>
        %add3A_263 = arith.addf %get3A_258, %get3A_262 : vector<16xf32>
        %get3A_264 = arith.index_cast %scan3A_28 : i32 to index
        %get3A_265 = arith.constant 192 : index
        %get3A_266 = tpu.vector_load %arg8[%get3A_264, %get3A_265] {strides = array<i32>} : memref<32x1024xf32, #tpu.memory_space<vmem>>, vector<1x16xf32>,
        %get3A_267 = vector.shape_cast %get3A_266 : vector<1x16xf32> to vector<16xf32>
        %add3A_268 = arith.addf %add3A_263, %get3A_267 : vector<16xf32>
        %swap3A_269 = arith.index_cast %scan3A_28 : i32 to index
        %swap3A_270 = arith.constant 192 : index
        %swap3A_271 = tpu.vector_load %arg9[%swap3A_269, %swap3A_270] {strides = array<i32>} : memref<32x1024xf32, #tpu.memory_space<vmem>>, vector<1x16xf32>,
        %swap3A_272 = vector.shape_cast %swap3A_271 : vector<1x16xf32> to vector<16xf32>
        %swap3A_273 = vector.shape_cast %add3A_268 : vector<16xf32> to vector<1x16xf32>
        tpu.vector_store %arg9[%swap3A_269, %swap3A_270], %swap3A_273 {strides = array<i32>} : memref<32x1024xf32, #tpu.memory_space<vmem>>, vector<1x16xf32>,
        %get3A_274 = arith.index_cast %scan3A_28 : i32 to index
        %get3A_275 = arith.constant 208 : index
        %get3A_276 = tpu.vector_load %arg9[%get3A_274, %get3A_275] {strides = array<i32>} : memref<32x1024xf32, #tpu.memory_space<vmem>>, vector<1x16xf32>,
        %get3A_277 = vector.shape_cast %get3A_276 : vector<1x16xf32> to vector<16xf32>
        %get3A_278 = arith.index_cast %scan3A_28 : i32 to index
        %get3A_279 = arith.constant 208 : index
        %get3A_280 = tpu.vector_load %arg7[%get3A_278, %get3A_279] {strides = array<i32>} : memref<32x1024xf32, #tpu.memory_space<vmem>>, vector<1x16xf32>,
        %get3A_281 = vector.shape_cast %get3A_280 : vector<1x16xf32> to vector<16xf32>
        %add3A_282 = arith.addf %get3A_277, %get3A_281 : vector<16xf32>
        %get3A_283 = arith.index_cast %scan3A_28 : i32 to index
        %get3A_284 = arith.constant 208 : index
        %get3A_285 = tpu.vector_load %arg8[%get3A_283, %get3A_284] {strides = array<i32>} : memref<32x1024xf32, #tpu.memory_space<vmem>>, vector<1x16xf32>,
        %get3A_286 = vector.shape_cast %get3A_285 : vector<1x16xf32> to vector<16xf32>
        %add3A_287 = arith.addf %add3A_282, %get3A_286 : vector<16xf32>
        %swap3A_288 = arith.index_cast %scan3A_28 : i32 to index
        %swap3A_289 = arith.constant 208 : index
        %swap3A_290 = tpu.vector_load %arg9[%swap3A_288, %swap3A_289] {strides = array<i32>} : memref<32x1024xf32, #tpu.memory_space<vmem>>, vector<1x16xf32>,
        %swap3A_291 = vector.shape_cast %swap3A_290 : vector<1x16xf32> to vector<16xf32>
        %swap3A_292 = vector.shape_cast %add3A_287 : vector<16xf32> to vector<1x16xf32>
        tpu.vector_store %arg9[%swap3A_288, %swap3A_289], %swap3A_292 {strides = array<i32>} : memref<32x1024xf32, #tpu.memory_space<vmem>>, vector<1x16xf32>,
        %get3A_293 = arith.index_cast %scan3A_28 : i32 to index
        %get3A_294 = arith.constant 224 : index
        %get3A_295 = tpu.vector_load %arg9[%get3A_293, %get3A_294] {strides = array<i32>} : memref<32x1024xf32, #tpu.memory_space<vmem>>, vector<1x16xf32>,
        %get3A_296 = vector.shape_cast %get3A_295 : vector<1x16xf32> to vector<16xf32>
        %get3A_297 = arith.index_cast %scan3A_28 : i32 to index
        %get3A_298 = arith.constant 224 : index
        %get3A_299 = tpu.vector_load %arg7[%get3A_297, %get3A_298] {strides = array<i32>} : memref<32x1024xf32, #tpu.memory_space<vmem>>, vector<1x16xf32>,
        %get3A_300 = vector.shape_cast %get3A_299 : vector<1x16xf32> to vector<16xf32>
        %add3A_301 = arith.addf %get3A_296, %get3A_300 : vector<16xf32>
        %get3A_302 = arith.index_cast %scan3A_28 : i32 to index
        %get3A_303 = arith.constant 224 : index
        %get3A_304 = tpu.vector_load %arg8[%get3A_302, %get3A_303] {strides = array<i32>} : memref<32x1024xf32, #tpu.memory_space<vmem>>, vector<1x16xf32>,
        %get3A_305 = vector.shape_cast %get3A_304 : vector<1x16xf32> to vector<16xf32>
        %add3A_306 = arith.addf %add3A_301, %get3A_305 : vector<16xf32>
        %swap3A_307 = arith.index_cast %scan3A_28 : i32 to index
        %swap3A_308 = arith.constant 224 : index
        %swap3A_309 = tpu.vector_load %arg9[%swap3A_307, %swap3A_308] {strides = array<i32>} : memref<32x1024xf32, #tpu.memory_space<vmem>>, vector<1x16xf32>,
        %swap3A_310 = vector.shape_cast %swap3A_309 : vector<1x16xf32> to vector<16xf32>
        %swap3A_311 = vector.shape_cast %add3A_306 : vector<16xf32> to vector<1x16xf32>
        tpu.vector_store %arg9[%swap3A_307, %swap3A_308], %swap3A_311 {strides = array<i32>} : memref<32x1024xf32, #tpu.memory_space<vmem>>, vector<1x16xf32>,
        %get3A_312 = arith.index_cast %scan3A_28 : i32 to index
        %get3A_313 = arith.constant 240 : index
        %get3A_314 = tpu.vector_load %arg9[%get3A_312, %get3A_313] {strides = array<i32>} : memref<32x1024xf32, #tpu.memory_space<vmem>>, vector<1x16xf32>,
        %get3A_315 = vector.shape_cast %get3A_314 : vector<1x16xf32> to vector<16xf32>
        %get3A_316 = arith.index_cast %scan3A_28 : i32 to index
        %get3A_317 = arith.constant 240 : index
        %get3A_318 = tpu.vector_load %arg7[%get3A_316, %get3A_317] {strides = array<i32>} : memref<32x1024xf32, #tpu.memory_space<vmem>>, vector<1x16xf32>,
        %get3A_319 = vector.shape_cast %get3A_318 : vector<1x16xf32> to vector<16xf32>
        %add3A_320 = arith.addf %get3A_315, %get3A_319 : vector<16xf32>
        %get3A_321 = arith.index_cast %scan3A_28 : i32 to index
        %get3A_322 = arith.constant 240 : index
        %get3A_323 = tpu.vector_load %arg8[%get3A_321, %get3A_322] {strides = array<i32>} : memref<32x1024xf32, #tpu.memory_space<vmem>>, vector<1x16xf32>,
        %get3A_324 = vector.shape_cast %get3A_323 : vector<1x16xf32> to vector<16xf32>
        %add3A_325 = arith.addf %add3A_320, %get3A_324 : vector<16xf32>
        %swap3A_326 = arith.index_cast %scan3A_28 : i32 to index
        %swap3A_327 = arith.constant 240 : index
        %swap3A_328 = tpu.vector_load %arg9[%swap3A_326, %swap3A_327] {strides = array<i32>} : memref<32x1024xf32, #tpu.memory_space<vmem>>, vector<1x16xf32>,
        %swap3A_329 = vector.shape_cast %swap3A_328 : vector<1x16xf32> to vector<16xf32>
        %swap3A_330 = vector.shape_cast %add3A_325 : vector<16xf32> to vector<1x16xf32>
        tpu.vector_store %arg9[%swap3A_326, %swap3A_327], %swap3A_330 {strides = array<i32>} : memref<32x1024xf32, #tpu.memory_space<vmem>>, vector<1x16xf32>,
        %get3A_331 = arith.index_cast %scan3A_28 : i32 to index
        %get3A_332 = arith.constant 256 : index
        %get3A_333 = tpu.vector_load %arg9[%get3A_331, %get3A_332] {strides = array<i32>} : memref<32x1024xf32, #tpu.memory_space<vmem>>, vector<1x16xf32>,
        %get3A_334 = vector.shape_cast %get3A_333 : vector<1x16xf32> to vector<16xf32>
        %get3A_335 = arith.index_cast %scan3A_28 : i32 to index
        %get3A_336 = arith.constant 256 : index
        %get3A_337 = tpu.vector_load %arg7[%get3A_335, %get3A_336] {strides = array<i32>} : memref<32x1024xf32, #tpu.memory_space<vmem>>, vector<1x16xf32>,
        %get3A_338 = vector.shape_cast %get3A_337 : vector<1x16xf32> to vector<16xf32>
        %add3A_339 = arith.addf %get3A_334, %get3A_338 : vector<16xf32>
        %get3A_340 = arith.index_cast %scan3A_28 : i32 to index
        %get3A_341 = arith.constant 256 : index
        %get3A_342 = tpu.vector_load %arg8[%get3A_340, %get3A_341] {strides = array<i32>} : memref<32x1024xf32, #tpu.memory_space<vmem>>, vector<1x16xf32>,
        %get3A_343 = vector.shape_cast %get3A_342 : vector<1x16xf32> to vector<16xf32>
        %add3A_344 = arith.addf %add3A_339, %get3A_343 : vector<16xf32>
        %swap3A_345 = arith.index_cast %scan3A_28 : i32 to index
        %swap3A_346 = arith.constant 256 : index
        %swap3A_347 = tpu.vector_load %arg9[%swap3A_345, %swap3A_346] {strides = array<i32>} : memref<32x1024xf32, #tpu.memory_space<vmem>>, vector<1x16xf32>,
        %swap3A_348 = vector.shape_cast %swap3A_347 : vector<1x16xf32> to vector<16xf32>
        %swap3A_349 = vector.shape_cast %add3A_344 : vector<16xf32> to vector<1x16xf32>
        tpu.vector_store %arg9[%swap3A_345, %swap3A_346], %swap3A_349 {strides = array<i32>} : memref<32x1024xf32, #tpu.memory_space<vmem>>, vector<1x16xf32>,
        %get3A_350 = arith.index_cast %scan3A_28 : i32 to index
        %get3A_351 = arith.constant 272 : index
        %get3A_352 = tpu.vector_load %arg9[%get3A_350, %get3A_351] {strides = array<i32>} : memref<32x1024xf32, #tpu.memory_space<vmem>>, vector<1x16xf32>,
        %get3A_353 = vector.shape_cast %get3A_352 : vector<1x16xf32> to vector<16xf32>
        %get3A_354 = arith.index_cast %scan3A_28 : i32 to index
        %get3A_355 = arith.constant 272 : index
        %get3A_356 = tpu.vector_load %arg7[%get3A_354, %get3A_355] {strides = array<i32>} : memref<32x1024xf32, #tpu.memory_space<vmem>>, vector<1x16xf32>,
        %get3A_357 = vector.shape_cast %get3A_356 : vector<1x16xf32> to vector<16xf32>
        %add3A_358 = arith.addf %get3A_353, %get3A_357 : vector<16xf32>
        %get3A_359 = arith.index_cast %scan3A_28 : i32 to index
        %get3A_360 = arith.constant 272 : index
        %get3A_361 = tpu.vector_load %arg8[%get3A_359, %get3A_360] {strides = array<i32>} : memref<32x1024xf32, #tpu.memory_space<vmem>>, vector<1x16xf32>,
        %get3A_362 = vector.shape_cast %get3A_361 : vector<1x16xf32> to vector<16xf32>
        %add3A_363 = arith.addf %add3A_358, %get3A_362 : vector<16xf32>
        %swap3A_364 = arith.index_cast %scan3A_28 : i32 to index
        %swap3A_365 = arith.constant 272 : index
        %swap3A_366 = tpu.vector_load %arg9[%swap3A_364, %swap3A_365] {strides = array<i32>} : memref<32x1024xf32, #tpu.memory_space<vmem>>, vector<1x16xf32>,
        %swap3A_367 = vector.shape_cast %swap3A_366 : vector<1x16xf32> to vector<16xf32>
        %swap3A_368 = vector.shape_cast %add3A_363 : vector<16xf32> to vector<1x16xf32>
        tpu.vector_store %arg9[%swap3A_364, %swap3A_365], %swap3A_368 {strides = array<i32>} : memref<32x1024xf32, #tpu.memory_space<vmem>>, vector<1x16xf32>,
        %get3A_369 = arith.index_cast %scan3A_28 : i32 to index
        %get3A_370 = arith.constant 288 : index
        %get3A_371 = tpu.vector_load %arg9[%get3A_369, %get3A_370] {strides = array<i32>} : memref<32x1024xf32, #tpu.memory_space<vmem>>, vector<1x16xf32>,
        %get3A_372 = vector.shape_cast %get3A_371 : vector<1x16xf32> to vector<16xf32>
        %get3A_373 = arith.index_cast %scan3A_28 : i32 to index
        %get3A_374 = arith.constant 288 : index
        %get3A_375 = tpu.vector_load %arg7[%get3A_373, %get3A_374] {strides = array<i32>} : memref<32x1024xf32, #tpu.memory_space<vmem>>, vector<1x16xf32>,
        %get3A_376 = vector.shape_cast %get3A_375 : vector<1x16xf32> to vector<16xf32>
        %add3A_377 = arith.addf %get3A_372, %get3A_376 : vector<16xf32>
        %get3A_378 = arith.index_cast %scan3A_28 : i32 to index
        %get3A_379 = arith.constant 288 : index
        %get3A_380 = tpu.vector_load %arg8[%get3A_378, %get3A_379] {strides = array<i32>} : memref<32x1024xf32, #tpu.memory_space<vmem>>, vector<1x16xf32>,
        %get3A_381 = vector.shape_cast %get3A_380 : vector<1x16xf32> to vector<16xf32>
        %add3A_382 = arith.addf %add3A_377, %get3A_381 : vector<16xf32>
        %swap3A_383 = arith.index_cast %scan3A_28 : i32 to index
        %swap3A_384 = arith.constant 288 : index
        %swap3A_385 = tpu.vector_load %arg9[%swap3A_383, %swap3A_384] {strides = array<i32>} : memref<32x1024xf32, #tpu.memory_space<vmem>>, vector<1x16xf32>,
        %swap3A_386 = vector.shape_cast %swap3A_385 : vector<1x16xf32> to vector<16xf32>
        %swap3A_387 = vector.shape_cast %add3A_382 : vector<16xf32> to vector<1x16xf32>
        tpu.vector_store %arg9[%swap3A_383, %swap3A_384], %swap3A_387 {strides = array<i32>} : memref<32x1024xf32, #tpu.memory_space<vmem>>, vector<1x16xf32>,
        %get3A_388 = arith.index_cast %scan3A_28 : i32 to index
        %get3A_389 = arith.constant 304 : index
        %get3A_390 = tpu.vector_load %arg9[%get3A_388, %get3A_389] {strides = array<i32>} : memref<32x1024xf32, #tpu.memory_space<vmem>>, vector<1x16xf32>,
        %get3A_391 = vector.shape_cast %get3A_390 : vector<1x16xf32> to vector<16xf32>
        %get3A_392 = arith.index_cast %scan3A_28 : i32 to index
        %get3A_393 = arith.constant 304 : index
        %get3A_394 = tpu.vector_load %arg7[%get3A_392, %get3A_393] {strides = array<i32>} : memref<32x1024xf32, #tpu.memory_space<vmem>>, vector<1x16xf32>,
        %get3A_395 = vector.shape_cast %get3A_394 : vector<1x16xf32> to vector<16xf32>
        %add3A_396 = arith.addf %get3A_391, %get3A_395 : vector<16xf32>
        %get3A_397 = arith.index_cast %scan3A_28 : i32 to index
        %get3A_398 = arith.constant 304 : index
        %get3A_399 = tpu.vector_load %arg8[%get3A_397, %get3A_398] {strides = array<i32>} : memref<32x1024xf32, #tpu.memory_space<vmem>>, vector<1x16xf32>,
        %get3A_400 = vector.shape_cast %get3A_399 : vector<1x16xf32> to vector<16xf32>
        %add3A_401 = arith.addf %add3A_396, %get3A_400 : vector<16xf32>
        %swap3A_402 = arith.index_cast %scan3A_28 : i32 to index
        %swap3A_403 = arith.constant 304 : index
        %swap3A_404 = tpu.vector_load %arg9[%swap3A_402, %swap3A_403] {strides = array<i32>} : memref<32x1024xf32, #tpu.memory_space<vmem>>, vector<1x16xf32>,
        %swap3A_405 = vector.shape_cast %swap3A_404 : vector<1x16xf32> to vector<16xf32>
        %swap3A_406 = vector.shape_cast %add3A_401 : vector<16xf32> to vector<1x16xf32>
        tpu.vector_store %arg9[%swap3A_402, %swap3A_403], %swap3A_406 {strides = array<i32>} : memref<32x1024xf32, #tpu.memory_space<vmem>>, vector<1x16xf32>,
        %get3A_407 = arith.index_cast %scan3A_28 : i32 to index
        %get3A_408 = arith.constant 320 : index
        %get3A_409 = tpu.vector_load %arg9[%get3A_407, %get3A_408] {strides = array<i32>} : memref<32x1024xf32, #tpu.memory_space<vmem>>, vector<1x16xf32>,
        %get3A_410 = vector.shape_cast %get3A_409 : vector<1x16xf32> to vector<16xf32>
        %get3A_411 = arith.index_cast %scan3A_28 : i32 to index
        %get3A_412 = arith.constant 320 : index
        %get3A_413 = tpu.vector_load %arg7[%get3A_411, %get3A_412] {strides = array<i32>} : memref<32x1024xf32, #tpu.memory_space<vmem>>, vector<1x16xf32>,
        %get3A_414 = vector.shape_cast %get3A_413 : vector<1x16xf32> to vector<16xf32>
        %add3A_415 = arith.addf %get3A_410, %get3A_414 : vector<16xf32>
        %get3A_416 = arith.index_cast %scan3A_28 : i32 to index
        %get3A_417 = arith.constant 320 : index
        %get3A_418 = tpu.vector_load %arg8[%get3A_416, %get3A_417] {strides = array<i32>} : memref<32x1024xf32, #tpu.memory_space<vmem>>, vector<1x16xf32>,
        %get3A_419 = vector.shape_cast %get3A_418 : vector<1x16xf32> to vector<16xf32>
        %add3A_420 = arith.addf %add3A_415, %get3A_419 : vector<16xf32>
        %swap3A_421 = arith.index_cast %scan3A_28 : i32 to index
        %swap3A_422 = arith.constant 320 : index
        %swap3A_423 = tpu.vector_load %arg9[%swap3A_421, %swap3A_422] {strides = array<i32>} : memref<32x1024xf32, #tpu.memory_space<vmem>>, vector<1x16xf32>,
        %swap3A_424 = vector.shape_cast %swap3A_423 : vector<1x16xf32> to vector<16xf32>
        %swap3A_425 = vector.shape_cast %add3A_420 : vector<16xf32> to vector<1x16xf32>
        tpu.vector_store %arg9[%swap3A_421, %swap3A_422], %swap3A_425 {strides = array<i32>} : memref<32x1024xf32, #tpu.memory_space<vmem>>, vector<1x16xf32>,
        %get3A_426 = arith.index_cast %scan3A_28 : i32 to index
        %get3A_427 = arith.constant 336 : index
        %get3A_428 = tpu.vector_load %arg9[%get3A_426, %get3A_427] {strides = array<i32>} : memref<32x1024xf32, #tpu.memory_space<vmem>>, vector<1x16xf32>,
        %get3A_429 = vector.shape_cast %get3A_428 : vector<1x16xf32> to vector<16xf32>
        %get3A_430 = arith.index_cast %scan3A_28 : i32 to index
        %get3A_431 = arith.constant 336 : index
        %get3A_432 = tpu.vector_load %arg7[%get3A_430, %get3A_431] {strides = array<i32>} : memref<32x1024xf32, #tpu.memory_space<vmem>>, vector<1x16xf32>,
        %get3A_433 = vector.shape_cast %get3A_432 : vector<1x16xf32> to vector<16xf32>
        %add3A_434 = arith.addf %get3A_429, %get3A_433 : vector<16xf32>
        %get3A_435 = arith.index_cast %scan3A_28 : i32 to index
        %get3A_436 = arith.constant 336 : index
        %get3A_437 = tpu.vector_load %arg8[%get3A_435, %get3A_436] {strides = array<i32>} : memref<32x1024xf32, #tpu.memory_space<vmem>>, vector<1x16xf32>,
        %get3A_438 = vector.shape_cast %get3A_437 : vector<1x16xf32> to vector<16xf32>
        %add3A_439 = arith.addf %add3A_434, %get3A_438 : vector<16xf32>
        %swap3A_440 = arith.index_cast %scan3A_28 : i32 to index
        %swap3A_441 = arith.constant 336 : index
        %swap3A_442 = tpu.vector_load %arg9[%swap3A_440, %swap3A_441] {strides = array<i32>} : memref<32x1024xf32, #tpu.memory_space<vmem>>, vector<1x16xf32>,
        %swap3A_443 = vector.shape_cast %swap3A_442 : vector<1x16xf32> to vector<16xf32>
        %swap3A_444 = vector.shape_cast %add3A_439 : vector<16xf32> to vector<1x16xf32>
        tpu.vector_store %arg9[%swap3A_440, %swap3A_441], %swap3A_444 {strides = array<i32>} : memref<32x1024xf32, #tpu.memory_space<vmem>>, vector<1x16xf32>,
        %get3A_445 = arith.index_cast %scan3A_28 : i32 to index
        %get3A_446 = arith.constant 352 : index
        %get3A_447 = tpu.vector_load %arg9[%get3A_445, %get3A_446] {strides = array<i32>} : memref<32x1024xf32, #tpu.memory_space<vmem>>, vector<1x16xf32>,
        %get3A_448 = vector.shape_cast %get3A_447 : vector<1x16xf32> to vector<16xf32>
        %get3A_449 = arith.index_cast %scan3A_28 : i32 to index
        %get3A_450 = arith.constant 352 : index
        %get3A_451 = tpu.vector_load %arg7[%get3A_449, %get3A_450] {strides = array<i32>} : memref<32x1024xf32, #tpu.memory_space<vmem>>, vector<1x16xf32>,
        %get3A_452 = vector.shape_cast %get3A_451 : vector<1x16xf32> to vector<16xf32>
        %add3A_453 = arith.addf %get3A_448, %get3A_452 : vector<16xf32>
        %get3A_454 = arith.index_cast %scan3A_28 : i32 to index
        %get3A_455 = arith.constant 352 : index
        %get3A_456 = tpu.vector_load %arg8[%get3A_454, %get3A_455] {strides = array<i32>} : memref<32x1024xf32, #tpu.memory_space<vmem>>, vector<1x16xf32>,
        %get3A_457 = vector.shape_cast %get3A_456 : vector<1x16xf32> to vector<16xf32>
        %add3A_458 = arith.addf %add3A_453, %get3A_457 : vector<16xf32>
        %swap3A_459 = arith.index_cast %scan3A_28 : i32 to index
        %swap3A_460 = arith.constant 352 : index
        %swap3A_461 = tpu.vector_load %arg9[%swap3A_459, %swap3A_460] {strides = array<i32>} : memref<32x1024xf32, #tpu.memory_space<vmem>>, vector<1x16xf32>,
        %swap3A_462 = vector.shape_cast %swap3A_461 : vector<1x16xf32> to vector<16xf32>
        %swap3A_463 = vector.shape_cast %add3A_458 : vector<16xf32> to vector<1x16xf32>
        tpu.vector_store %arg9[%swap3A_459, %swap3A_460], %swap3A_463 {strides = array<i32>} : memref<32x1024xf32, #tpu.memory_space<vmem>>, vector<1x16xf32>,
        %get3A_464 = arith.index_cast %scan3A_28 : i32 to index
        %get3A_465 = arith.constant 368 : index
        %get3A_466 = tpu.vector_load %arg9[%get3A_464, %get3A_465] {strides = array<i32>} : memref<32x1024xf32, #tpu.memory_space<vmem>>, vector<1x16xf32>,
        %get3A_467 = vector.shape_cast %get3A_466 : vector<1x16xf32> to vector<16xf32>
        %get3A_468 = arith.index_cast %scan3A_28 : i32 to index
        %get3A_469 = arith.constant 368 : index
        %get3A_470 = tpu.vector_load %arg7[%get3A_468, %get3A_469] {strides = array<i32>} : memref<32x1024xf32, #tpu.memory_space<vmem>>, vector<1x16xf32>,
        %get3A_471 = vector.shape_cast %get3A_470 : vector<1x16xf32> to vector<16xf32>
        %add3A_472 = arith.addf %get3A_467, %get3A_471 : vector<16xf32>
        %get3A_473 = arith.index_cast %scan3A_28 : i32 to index
        %get3A_474 = arith.constant 368 : index
        %get3A_475 = tpu.vector_load %arg8[%get3A_473, %get3A_474] {strides = array<i32>} : memref<32x1024xf32, #tpu.memory_space<vmem>>, vector<1x16xf32>,
        %get3A_476 = vector.shape_cast %get3A_475 : vector<1x16xf32> to vector<16xf32>
        %add3A_477 = arith.addf %add3A_472, %get3A_476 : vector<16xf32>
        %swap3A_478 = arith.index_cast %scan3A_28 : i32 to index
        %swap3A_479 = arith.constant 368 : index
        %swap3A_480 = tpu.vector_load %arg9[%swap3A_478, %swap3A_479] {strides = array<i32>} : memref<32x1024xf32, #tpu.memory_space<vmem>>, vector<1x16xf32>,
        %swap3A_481 = vector.shape_cast %swap3A_480 : vector<1x16xf32> to vector<16xf32>
        %swap3A_482 = vector.shape_cast %add3A_477 : vector<16xf32> to vector<1x16xf32>
        tpu.vector_store %arg9[%swap3A_478, %swap3A_479], %swap3A_482 {strides = array<i32>} : memref<32x1024xf32, #tpu.memory_space<vmem>>, vector<1x16xf32>,
        %get3A_483 = arith.index_cast %scan3A_28 : i32 to index
        %get3A_484 = arith.constant 384 : index
        %get3A_485 = tpu.vector_load %arg9[%get3A_483, %get3A_484] {strides = array<i32>} : memref<32x1024xf32, #tpu.memory_space<vmem>>, vector<1x16xf32>,
        %get3A_486 = vector.shape_cast %get3A_485 : vector<1x16xf32> to vector<16xf32>
        %get3A_487 = arith.index_cast %scan3A_28 : i32 to index
        %get3A_488 = arith.constant 384 : index
        %get3A_489 = tpu.vector_load %arg7[%get3A_487, %get3A_488] {strides = array<i32>} : memref<32x1024xf32, #tpu.memory_space<vmem>>, vector<1x16xf32>,
        %get3A_490 = vector.shape_cast %get3A_489 : vector<1x16xf32> to vector<16xf32>
        %add3A_491 = arith.addf %get3A_486, %get3A_490 : vector<16xf32>
        %get3A_492 = arith.index_cast %scan3A_28 : i32 to index
        %get3A_493 = arith.constant 384 : index
        %get3A_494 = tpu.vector_load %arg8[%get3A_492, %get3A_493] {strides = array<i32>} : memref<32x1024xf32, #tpu.memory_space<vmem>>, vector<1x16xf32>,
        %get3A_495 = vector.shape_cast %get3A_494 : vector<1x16xf32> to vector<16xf32>
        %add3A_496 = arith.addf %add3A_491, %get3A_495 : vector<16xf32>
        %swap3A_497 = arith.index_cast %scan3A_28 : i32 to index
        %swap3A_498 = arith.constant 384 : index
        %swap3A_499 = tpu.vector_load %arg9[%swap3A_497, %swap3A_498] {strides = array<i32>} : memref<32x1024xf32, #tpu.memory_space<vmem>>, vector<1x16xf32>,
        %swap3A_500 = vector.shape_cast %swap3A_499 : vector<1x16xf32> to vector<16xf32>
        %swap3A_501 = vector.shape_cast %add3A_496 : vector<16xf32> to vector<1x16xf32>
        tpu.vector_store %arg9[%swap3A_497, %swap3A_498], %swap3A_501 {strides = array<i32>} : memref<32x1024xf32, #tpu.memory_space<vmem>>, vector<1x16xf32>,
        %get3A_502 = arith.index_cast %scan3A_28 : i32 to index
        %get3A_503 = arith.constant 400 : index
        %get3A_504 = tpu.vector_load %arg9[%get3A_502, %get3A_503] {strides = array<i32>} : memref<32x1024xf32, #tpu.memory_space<vmem>>, vector<1x16xf32>,
        %get3A_505 = vector.shape_cast %get3A_504 : vector<1x16xf32> to vector<16xf32>
        %get3A_506 = arith.index_cast %scan3A_28 : i32 to index
        %get3A_507 = arith.constant 400 : index
        %get3A_508 = tpu.vector_load %arg7[%get3A_506, %get3A_507] {strides = array<i32>} : memref<32x1024xf32, #tpu.memory_space<vmem>>, vector<1x16xf32>,
        %get3A_509 = vector.shape_cast %get3A_508 : vector<1x16xf32> to vector<16xf32>
        %add3A_510 = arith.addf %get3A_505, %get3A_509 : vector<16xf32>
        %get3A_511 = arith.index_cast %scan3A_28 : i32 to index
        %get3A_512 = arith.constant 400 : index
        %get3A_513 = tpu.vector_load %arg8[%get3A_511, %get3A_512] {strides = array<i32>} : memref<32x1024xf32, #tpu.memory_space<vmem>>, vector<1x16xf32>,
        %get3A_514 = vector.shape_cast %get3A_513 : vector<1x16xf32> to vector<16xf32>
        %add3A_515 = arith.addf %add3A_510, %get3A_514 : vector<16xf32>
        %swap3A_516 = arith.index_cast %scan3A_28 : i32 to index
        %swap3A_517 = arith.constant 400 : index
        %swap3A_518 = tpu.vector_load %arg9[%swap3A_516, %swap3A_517] {strides = array<i32>} : memref<32x1024xf32, #tpu.memory_space<vmem>>, vector<1x16xf32>,
        %swap3A_519 = vector.shape_cast %swap3A_518 : vector<1x16xf32> to vector<16xf32>
        %swap3A_520 = vector.shape_cast %add3A_515 : vector<16xf32> to vector<1x16xf32>
        tpu.vector_store %arg9[%swap3A_516, %swap3A_517], %swap3A_520 {strides = array<i32>} : memref<32x1024xf32, #tpu.memory_space<vmem>>, vector<1x16xf32>,
        %get3A_521 = arith.index_cast %scan3A_28 : i32 to index
        %get3A_522 = arith.constant 416 : index
        %get3A_523 = tpu.vector_load %arg9[%get3A_521, %get3A_522] {strides = array<i32>} : memref<32x1024xf32, #tpu.memory_space<vmem>>, vector<1x16xf32>,
        %get3A_524 = vector.shape_cast %get3A_523 : vector<1x16xf32> to vector<16xf32>
        %get3A_525 = arith.index_cast %scan3A_28 : i32 to index
        %get3A_526 = arith.constant 416 : index
        %get3A_527 = tpu.vector_load %arg7[%get3A_525, %get3A_526] {strides = array<i32>} : memref<32x1024xf32, #tpu.memory_space<vmem>>, vector<1x16xf32>,
        %get3A_528 = vector.shape_cast %get3A_527 : vector<1x16xf32> to vector<16xf32>
        %add3A_529 = arith.addf %get3A_524, %get3A_528 : vector<16xf32>
        %get3A_530 = arith.index_cast %scan3A_28 : i32 to index
        %get3A_531 = arith.constant 416 : index
        %get3A_532 = tpu.vector_load %arg8[%get3A_530, %get3A_531] {strides = array<i32>} : memref<32x1024xf32, #tpu.memory_space<vmem>>, vector<1x16xf32>,
        %get3A_533 = vector.shape_cast %get3A_532 : vector<1x16xf32> to vector<16xf32>
        %add3A_534 = arith.addf %add3A_529, %get3A_533 : vector<16xf32>
        %swap3A_535 = arith.index_cast %scan3A_28 : i32 to index
        %swap3A_536 = arith.constant 416 : index
        %swap3A_537 = tpu.vector_load %arg9[%swap3A_535, %swap3A_536] {strides = array<i32>} : memref<32x1024xf32, #tpu.memory_space<vmem>>, vector<1x16xf32>,
        %swap3A_538 = vector.shape_cast %swap3A_537 : vector<1x16xf32> to vector<16xf32>
        %swap3A_539 = vector.shape_cast %add3A_534 : vector<16xf32> to vector<1x16xf32>
        tpu.vector_store %arg9[%swap3A_535, %swap3A_536], %swap3A_539 {strides = array<i32>} : memref<32x1024xf32, #tpu.memory_space<vmem>>, vector<1x16xf32>,
        %get3A_540 = arith.index_cast %scan3A_28 : i32 to index
        %get3A_541 = arith.constant 432 : index
        %get3A_542 = tpu.vector_load %arg9[%get3A_540, %get3A_541] {strides = array<i32>} : memref<32x1024xf32, #tpu.memory_space<vmem>>, vector<1x16xf32>,
        %get3A_543 = vector.shape_cast %get3A_542 : vector<1x16xf32> to vector<16xf32>
        %get3A_544 = arith.index_cast %scan3A_28 : i32 to index
        %get3A_545 = arith.constant 432 : index
        %get3A_546 = tpu.vector_load %arg7[%get3A_544, %get3A_545] {strides = array<i32>} : memref<32x1024xf32, #tpu.memory_space<vmem>>, vector<1x16xf32>,
        %get3A_547 = vector.shape_cast %get3A_546 : vector<1x16xf32> to vector<16xf32>
        %add3A_548 = arith.addf %get3A_543, %get3A_547 : vector<16xf32>
        %get3A_549 = arith.index_cast %scan3A_28 : i32 to index
        %get3A_550 = arith.constant 432 : index
        %get3A_551 = tpu.vector_load %arg8[%get3A_549, %get3A_550] {strides = array<i32>} : memref<32x1024xf32, #tpu.memory_space<vmem>>, vector<1x16xf32>,
        %get3A_552 = vector.shape_cast %get3A_551 : vector<1x16xf32> to vector<16xf32>
        %add3A_553 = arith.addf %add3A_548, %get3A_552 : vector<16xf32>
        %swap3A_554 = arith.index_cast %scan3A_28 : i32 to index
        %swap3A_555 = arith.constant 432 : index
        %swap3A_556 = tpu.vector_load %arg9[%swap3A_554, %swap3A_555] {strides = array<i32>} : memref<32x1024xf32, #tpu.memory_space<vmem>>, vector<1x16xf32>,
        %swap3A_557 = vector.shape_cast %swap3A_556 : vector<1x16xf32> to vector<16xf32>
        %swap3A_558 = vector.shape_cast %add3A_553 : vector<16xf32> to vector<1x16xf32>
        tpu.vector_store %arg9[%swap3A_554, %swap3A_555], %swap3A_558 {strides = array<i32>} : memref<32x1024xf32, #tpu.memory_space<vmem>>, vector<1x16xf32>,
        %get3A_559 = arith.index_cast %scan3A_28 : i32 to index
        %get3A_560 = arith.constant 448 : index
        %get3A_561 = tpu.vector_load %arg9[%get3A_559, %get3A_560] {strides = array<i32>} : memref<32x1024xf32, #tpu.memory_space<vmem>>, vector<1x16xf32>,
        %get3A_562 = vector.shape_cast %get3A_561 : vector<1x16xf32> to vector<16xf32>
        %get3A_563 = arith.index_cast %scan3A_28 : i32 to index
        %get3A_564 = arith.constant 448 : index
        %get3A_565 = tpu.vector_load %arg7[%get3A_563, %get3A_564] {strides = array<i32>} : memref<32x1024xf32, #tpu.memory_space<vmem>>, vector<1x16xf32>,
        %get3A_566 = vector.shape_cast %get3A_565 : vector<1x16xf32> to vector<16xf32>
        %add3A_567 = arith.addf %get3A_562, %get3A_566 : vector<16xf32>
        %get3A_568 = arith.index_cast %scan3A_28 : i32 to index
        %get3A_569 = arith.constant 448 : index
        %get3A_570 = tpu.vector_load %arg8[%get3A_568, %get3A_569] {strides = array<i32>} : memref<32x1024xf32, #tpu.memory_space<vmem>>, vector<1x16xf32>,
        %get3A_571 = vector.shape_cast %get3A_570 : vector<1x16xf32> to vector<16xf32>
        %add3A_572 = arith.addf %add3A_567, %get3A_571 : vector<16xf32>
        %swap3A_573 = arith.index_cast %scan3A_28 : i32 to index
        %swap3A_574 = arith.constant 448 : index
        %swap3A_575 = tpu.vector_load %arg9[%swap3A_573, %swap3A_574] {strides = array<i32>} : memref<32x1024xf32, #tpu.memory_space<vmem>>, vector<1x16xf32>,
        %swap3A_576 = vector.shape_cast %swap3A_575 : vector<1x16xf32> to vector<16xf32>
        %swap3A_577 = vector.shape_cast %add3A_572 : vector<16xf32> to vector<1x16xf32>
        tpu.vector_store %arg9[%swap3A_573, %swap3A_574], %swap3A_577 {strides = array<i32>} : memref<32x1024xf32, #tpu.memory_space<vmem>>, vector<1x16xf32>,
        %get3A_578 = arith.index_cast %scan3A_28 : i32 to index
        %get3A_579 = arith.constant 464 : index
        %get3A_580 = tpu.vector_load %arg9[%get3A_578, %get3A_579] {strides = array<i32>} : memref<32x1024xf32, #tpu.memory_space<vmem>>, vector<1x16xf32>,
        %get3A_581 = vector.shape_cast %get3A_580 : vector<1x16xf32> to vector<16xf32>
        %get3A_582 = arith.index_cast %scan3A_28 : i32 to index
        %get3A_583 = arith.constant 464 : index
        %get3A_584 = tpu.vector_load %arg7[%get3A_582, %get3A_583] {strides = array<i32>} : memref<32x1024xf32, #tpu.memory_space<vmem>>, vector<1x16xf32>,
        %get3A_585 = vector.shape_cast %get3A_584 : vector<1x16xf32> to vector<16xf32>
        %add3A_586 = arith.addf %get3A_581, %get3A_585 : vector<16xf32>
        %get3A_587 = arith.index_cast %scan3A_28 : i32 to index
        %get3A_588 = arith.constant 464 : index
        %get3A_589 = tpu.vector_load %arg8[%get3A_587, %get3A_588] {strides = array<i32>} : memref<32x1024xf32, #tpu.memory_space<vmem>>, vector<1x16xf32>,
        %get3A_590 = vector.shape_cast %get3A_589 : vector<1x16xf32> to vector<16xf32>
        %add3A_591 = arith.addf %add3A_586, %get3A_590 : vector<16xf32>
        %swap3A_592 = arith.index_cast %scan3A_28 : i32 to index
        %swap3A_593 = arith.constant 464 : index
        %swap3A_594 = tpu.vector_load %arg9[%swap3A_592, %swap3A_593] {strides = array<i32>} : memref<32x1024xf32, #tpu.memory_space<vmem>>, vector<1x16xf32>,
        %swap3A_595 = vector.shape_cast %swap3A_594 : vector<1x16xf32> to vector<16xf32>
        %swap3A_596 = vector.shape_cast %add3A_591 : vector<16xf32> to vector<1x16xf32>
        tpu.vector_store %arg9[%swap3A_592, %swap3A_593], %swap3A_596 {strides = array<i32>} : memref<32x1024xf32, #tpu.memory_space<vmem>>, vector<1x16xf32>,
        %get3A_597 = arith.index_cast %scan3A_28 : i32 to index
        %get3A_598 = arith.constant 480 : index
        %get3A_599 = tpu.vector_load %arg9[%get3A_597, %get3A_598] {strides = array<i32>} : memref<32x1024xf32, #tpu.memory_space<vmem>>, vector<1x16xf32>,
        %get3A_600 = vector.shape_cast %get3A_599 : vector<1x16xf32> to vector<16xf32>
        %get3A_601 = arith.index_cast %scan3A_28 : i32 to index
        %get3A_602 = arith.constant 480 : index
        %get3A_603 = tpu.vector_load %arg7[%get3A_601, %get3A_602] {strides = array<i32>} : memref<32x1024xf32, #tpu.memory_space<vmem>>, vector<1x16xf32>,
        %get3A_604 = vector.shape_cast %get3A_603 : vector<1x16xf32> to vector<16xf32>
        %add3A_605 = arith.addf %get3A_600, %get3A_604 : vector<16xf32>
        %get3A_606 = arith.index_cast %scan3A_28 : i32 to index
        %get3A_607 = arith.constant 480 : index
        %get3A_608 = tpu.vector_load %arg8[%get3A_606, %get3A_607] {strides = array<i32>} : memref<32x1024xf32, #tpu.memory_space<vmem>>, vector<1x16xf32>,
        %get3A_609 = vector.shape_cast %get3A_608 : vector<1x16xf32> to vector<16xf32>
        %add3A_610 = arith.addf %add3A_605, %get3A_609 : vector<16xf32>
        %swap3A_611 = arith.index_cast %scan3A_28 : i32 to index
        %swap3A_612 = arith.constant 480 : index
        %swap3A_613 = tpu.vector_load %arg9[%swap3A_611, %swap3A_612] {strides = array<i32>} : memref<32x1024xf32, #tpu.memory_space<vmem>>, vector<1x16xf32>,
        %swap3A_614 = vector.shape_cast %swap3A_613 : vector<1x16xf32> to vector<16xf32>
        %swap3A_615 = vector.shape_cast %add3A_610 : vector<16xf32> to vector<1x16xf32>
        tpu.vector_store %arg9[%swap3A_611, %swap3A_612], %swap3A_615 {strides = array<i32>} : memref<32x1024xf32, #tpu.memory_space<vmem>>, vector<1x16xf32>,
        %get3A_616 = arith.index_cast %scan3A_28 : i32 to index
        %get3A_617 = arith.constant 496 : index
        %get3A_618 = tpu.vector_load %arg9[%get3A_616, %get3A_617] {strides = array<i32>} : memref<32x1024xf32, #tpu.memory_space<vmem>>, vector<1x16xf32>,
        %get3A_619 = vector.shape_cast %get3A_618 : vector<1x16xf32> to vector<16xf32>
        %get3A_620 = arith.index_cast %scan3A_28 : i32 to index
        %get3A_621 = arith.constant 496 : index
        %get3A_622 = tpu.vector_load %arg7[%get3A_620, %get3A_621] {strides = array<i32>} : memref<32x1024xf32, #tpu.memory_space<vmem>>, vector<1x16xf32>,
        %get3A_623 = vector.shape_cast %get3A_622 : vector<1x16xf32> to vector<16xf32>
        %add3A_624 = arith.addf %get3A_619, %get3A_623 : vector<16xf32>
        %get3A_625 = arith.index_cast %scan3A_28 : i32 to index
        %get3A_626 = arith.constant 496 : index
        %get3A_627 = tpu.vector_load %arg8[%get3A_625, %get3A_626] {strides = array<i32>} : memref<32x1024xf32, #tpu.memory_space<vmem>>, vector<1x16xf32>,
        %get3A_628 = vector.shape_cast %get3A_627 : vector<1x16xf32> to vector<16xf32>
        %add3A_629 = arith.addf %add3A_624, %get3A_628 : vector<16xf32>
        %swap3A_630 = arith.index_cast %scan3A_28 : i32 to index
        %swap3A_631 = arith.constant 496 : index
        %swap3A_632 = tpu.vector_load %arg9[%swap3A_630, %swap3A_631] {strides = array<i32>} : memref<32x1024xf32, #tpu.memory_space<vmem>>, vector<1x16xf32>,
        %swap3A_633 = vector.shape_cast %swap3A_632 : vector<1x16xf32> to vector<16xf32>
        %swap3A_634 = vector.shape_cast %add3A_629 : vector<16xf32> to vector<1x16xf32>
        tpu.vector_store %arg9[%swap3A_630, %swap3A_631], %swap3A_634 {strides = array<i32>} : memref<32x1024xf32, #tpu.memory_space<vmem>>, vector<1x16xf32>,
        %get3A_635 = arith.index_cast %scan3A_28 : i32 to index
        %get3A_636 = arith.constant 512 : index
        %get3A_637 = tpu.vector_load %arg9[%get3A_635, %get3A_636] {strides = array<i32>} : memref<32x1024xf32, #tpu.memory_space<vmem>>, vector<1x16xf32>,
        %get3A_638 = vector.shape_cast %get3A_637 : vector<1x16xf32> to vector<16xf32>
        %get3A_639 = arith.index_cast %scan3A_28 : i32 to index
        %get3A_640 = arith.constant 512 : index
        %get3A_641 = tpu.vector_load %arg7[%get3A_639, %get3A_640] {strides = array<i32>} : memref<32x1024xf32, #tpu.memory_space<vmem>>, vector<1x16xf32>,
        %get3A_642 = vector.shape_cast %get3A_641 : vector<1x16xf32> to vector<16xf32>
        %add3A_643 = arith.addf %get3A_638, %get3A_642 : vector<16xf32>
        %get3A_644 = arith.index_cast %scan3A_28 : i32 to index
        %get3A_645 = arith.constant 512 : index
        %get3A_646 = tpu.vector_load %arg8[%get3A_644, %get3A_645] {strides = array<i32>} : memref<32x1024xf32, #tpu.memory_space<vmem>>, vector<1x16xf32>,
        %get3A_647 = vector.shape_cast %get3A_646 : vector<1x16xf32> to vector<16xf32>
        %add3A_648 = arith.addf %add3A_643, %get3A_647 : vector<16xf32>
        %swap3A_649 = arith.index_cast %scan3A_28 : i32 to index
        %swap3A_650 = arith.constant 512 : index
        %swap3A_651 = tpu.vector_load %arg9[%swap3A_649, %swap3A_650] {strides = array<i32>} : memref<32x1024xf32, #tpu.memory_space<vmem>>, vector<1x16xf32>,
        %swap3A_652 = vector.shape_cast %swap3A_651 : vector<1x16xf32> to vector<16xf32>
        %swap3A_653 = vector.shape_cast %add3A_648 : vector<16xf32> to vector<1x16xf32>
        tpu.vector_store %arg9[%swap3A_649, %swap3A_650], %swap3A_653 {strides = array<i32>} : memref<32x1024xf32, #tpu.memory_space<vmem>>, vector<1x16xf32>,
        %get3A_654 = arith.index_cast %scan3A_28 : i32 to index
        %get3A_655 = arith.constant 528 : index
        %get3A_656 = tpu.vector_load %arg9[%get3A_654, %get3A_655] {strides = array<i32>} : memref<32x1024xf32, #tpu.memory_space<vmem>>, vector<1x16xf32>,
        %get3A_657 = vector.shape_cast %get3A_656 : vector<1x16xf32> to vector<16xf32>
        %get3A_658 = arith.index_cast %scan3A_28 : i32 to index
        %get3A_659 = arith.constant 528 : index
        %get3A_660 = tpu.vector_load %arg7[%get3A_658, %get3A_659] {strides = array<i32>} : memref<32x1024xf32, #tpu.memory_space<vmem>>, vector<1x16xf32>,
        %get3A_661 = vector.shape_cast %get3A_660 : vector<1x16xf32> to vector<16xf32>
        %add3A_662 = arith.addf %get3A_657, %get3A_661 : vector<16xf32>
        %get3A_663 = arith.index_cast %scan3A_28 : i32 to index
        %get3A_664 = arith.constant 528 : index
        %get3A_665 = tpu.vector_load %arg8[%get3A_663, %get3A_664] {strides = array<i32>} : memref<32x1024xf32, #tpu.memory_space<vmem>>, vector<1x16xf32>,
        %get3A_666 = vector.shape_cast %get3A_665 : vector<1x16xf32> to vector<16xf32>
        %add3A_667 = arith.addf %add3A_662, %get3A_666 : vector<16xf32>
        %swap3A_668 = arith.index_cast %scan3A_28 : i32 to index
        %swap3A_669 = arith.constant 528 : index
        %swap3A_670 = tpu.vector_load %arg9[%swap3A_668, %swap3A_669] {strides = array<i32>} : memref<32x1024xf32, #tpu.memory_space<vmem>>, vector<1x16xf32>,
        %swap3A_671 = vector.shape_cast %swap3A_670 : vector<1x16xf32> to vector<16xf32>
        %swap3A_672 = vector.shape_cast %add3A_667 : vector<16xf32> to vector<1x16xf32>
        tpu.vector_store %arg9[%swap3A_668, %swap3A_669], %swap3A_672 {strides = array<i32>} : memref<32x1024xf32, #tpu.memory_space<vmem>>, vector<1x16xf32>,
        %get3A_673 = arith.index_cast %scan3A_28 : i32 to index
        %get3A_674 = arith.constant 544 : index
        %get3A_675 = tpu.vector_load %arg9[%get3A_673, %get3A_674] {strides = array<i32>} : memref<32x1024xf32, #tpu.memory_space<vmem>>, vector<1x16xf32>,
        %get3A_676 = vector.shape_cast %get3A_675 : vector<1x16xf32> to vector<16xf32>
        %get3A_677 = arith.index_cast %scan3A_28 : i32 to index
        %get3A_678 = arith.constant 544 : index
        %get3A_679 = tpu.vector_load %arg7[%get3A_677, %get3A_678] {strides = array<i32>} : memref<32x1024xf32, #tpu.memory_space<vmem>>, vector<1x16xf32>,
        %get3A_680 = vector.shape_cast %get3A_679 : vector<1x16xf32> to vector<16xf32>
        %add3A_681 = arith.addf %get3A_676, %get3A_680 : vector<16xf32>
        %get3A_682 = arith.index_cast %scan3A_28 : i32 to index
        %get3A_683 = arith.constant 544 : index
        %get3A_684 = tpu.vector_load %arg8[%get3A_682, %get3A_683] {strides = array<i32>} : memref<32x1024xf32, #tpu.memory_space<vmem>>, vector<1x16xf32>,
        %get3A_685 = vector.shape_cast %get3A_684 : vector<1x16xf32> to vector<16xf32>
        %add3A_686 = arith.addf %add3A_681, %get3A_685 : vector<16xf32>
        %swap3A_687 = arith.index_cast %scan3A_28 : i32 to index
        %swap3A_688 = arith.constant 544 : index
        %swap3A_689 = tpu.vector_load %arg9[%swap3A_687, %swap3A_688] {strides = array<i32>} : memref<32x1024xf32, #tpu.memory_space<vmem>>, vector<1x16xf32>,
        %swap3A_690 = vector.shape_cast %swap3A_689 : vector<1x16xf32> to vector<16xf32>
        %swap3A_691 = vector.shape_cast %add3A_686 : vector<16xf32> to vector<1x16xf32>
        tpu.vector_store %arg9[%swap3A_687, %swap3A_688], %swap3A_691 {strides = array<i32>} : memref<32x1024xf32, #tpu.memory_space<vmem>>, vector<1x16xf32>,
        %get3A_692 = arith.index_cast %scan3A_28 : i32 to index
        %get3A_693 = arith.constant 560 : index
        %get3A_694 = tpu.vector_load %arg9[%get3A_692, %get3A_693] {strides = array<i32>} : memref<32x1024xf32, #tpu.memory_space<vmem>>, vector<1x16xf32>,
        %get3A_695 = vector.shape_cast %get3A_694 : vector<1x16xf32> to vector<16xf32>
        %get3A_696 = arith.index_cast %scan3A_28 : i32 to index
        %get3A_697 = arith.constant 560 : index
        %get3A_698 = tpu.vector_load %arg7[%get3A_696, %get3A_697] {strides = array<i32>} : memref<32x1024xf32, #tpu.memory_space<vmem>>, vector<1x16xf32>,
        %get3A_699 = vector.shape_cast %get3A_698 : vector<1x16xf32> to vector<16xf32>
        %add3A_700 = arith.addf %get3A_695, %get3A_699 : vector<16xf32>
        %get3A_701 = arith.index_cast %scan3A_28 : i32 to index
        %get3A_702 = arith.constant 560 : index
        %get3A_703 = tpu.vector_load %arg8[%get3A_701, %get3A_702] {strides = array<i32>} : memref<32x1024xf32, #tpu.memory_space<vmem>>, vector<1x16xf32>,
        %get3A_704 = vector.shape_cast %get3A_703 : vector<1x16xf32> to vector<16xf32>
        %add3A_705 = arith.addf %add3A_700, %get3A_704 : vector<16xf32>
        %swap3A_706 = arith.index_cast %scan3A_28 : i32 to index
        %swap3A_707 = arith.constant 560 : index
        %swap3A_708 = tpu.vector_load %arg9[%swap3A_706, %swap3A_707] {strides = array<i32>} : memref<32x1024xf32, #tpu.memory_space<vmem>>, vector<1x16xf32>,
        %swap3A_709 = vector.shape_cast %swap3A_708 : vector<1x16xf32> to vector<16xf32>
        %swap3A_710 = vector.shape_cast %add3A_705 : vector<16xf32> to vector<1x16xf32>
        tpu.vector_store %arg9[%swap3A_706, %swap3A_707], %swap3A_710 {strides = array<i32>} : memref<32x1024xf32, #tpu.memory_space<vmem>>, vector<1x16xf32>,
        %get3A_711 = arith.index_cast %scan3A_28 : i32 to index
        %get3A_712 = arith.constant 576 : index
        %get3A_713 = tpu.vector_load %arg9[%get3A_711, %get3A_712] {strides = array<i32>} : memref<32x1024xf32, #tpu.memory_space<vmem>>, vector<1x16xf32>,
        %get3A_714 = vector.shape_cast %get3A_713 : vector<1x16xf32> to vector<16xf32>
        %get3A_715 = arith.index_cast %scan3A_28 : i32 to index
        %get3A_716 = arith.constant 576 : index
        %get3A_717 = tpu.vector_load %arg7[%get3A_715, %get3A_716] {strides = array<i32>} : memref<32x1024xf32, #tpu.memory_space<vmem>>, vector<1x16xf32>,
        %get3A_718 = vector.shape_cast %get3A_717 : vector<1x16xf32> to vector<16xf32>
        %add3A_719 = arith.addf %get3A_714, %get3A_718 : vector<16xf32>
        %get3A_720 = arith.index_cast %scan3A_28 : i32 to index
        %get3A_721 = arith.constant 576 : index
        %get3A_722 = tpu.vector_load %arg8[%get3A_720, %get3A_721] {strides = array<i32>} : memref<32x1024xf32, #tpu.memory_space<vmem>>, vector<1x16xf32>,
        %get3A_723 = vector.shape_cast %get3A_722 : vector<1x16xf32> to vector<16xf32>
        %add3A_724 = arith.addf %add3A_719, %get3A_723 : vector<16xf32>
        %swap3A_725 = arith.index_cast %scan3A_28 : i32 to index
        %swap3A_726 = arith.constant 576 : index
        %swap3A_727 = tpu.vector_load %arg9[%swap3A_725, %swap3A_726] {strides = array<i32>} : memref<32x1024xf32, #tpu.memory_space<vmem>>, vector<1x16xf32>,
        %swap3A_728 = vector.shape_cast %swap3A_727 : vector<1x16xf32> to vector<16xf32>
        %swap3A_729 = vector.shape_cast %add3A_724 : vector<16xf32> to vector<1x16xf32>
        tpu.vector_store %arg9[%swap3A_725, %swap3A_726], %swap3A_729 {strides = array<i32>} : memref<32x1024xf32, #tpu.memory_space<vmem>>, vector<1x16xf32>,
        %get3A_730 = arith.index_cast %scan3A_28 : i32 to index
        %get3A_731 = arith.constant 592 : index
        %get3A_732 = tpu.vector_load %arg9[%get3A_730, %get3A_731] {strides = array<i32>} : memref<32x1024xf32, #tpu.memory_space<vmem>>, vector<1x16xf32>,
        %get3A_733 = vector.shape_cast %get3A_732 : vector<1x16xf32> to vector<16xf32>
        %get3A_734 = arith.index_cast %scan3A_28 : i32 to index
        %get3A_735 = arith.constant 592 : index
        %get3A_736 = tpu.vector_load %arg7[%get3A_734, %get3A_735] {strides = array<i32>} : memref<32x1024xf32, #tpu.memory_space<vmem>>, vector<1x16xf32>,
        %get3A_737 = vector.shape_cast %get3A_736 : vector<1x16xf32> to vector<16xf32>
        %add3A_738 = arith.addf %get3A_733, %get3A_737 : vector<16xf32>
        %get3A_739 = arith.index_cast %scan3A_28 : i32 to index
        %get3A_740 = arith.constant 592 : index
        %get3A_741 = tpu.vector_load %arg8[%get3A_739, %get3A_740] {strides = array<i32>} : memref<32x1024xf32, #tpu.memory_space<vmem>>, vector<1x16xf32>,
        %get3A_742 = vector.shape_cast %get3A_741 : vector<1x16xf32> to vector<16xf32>
        %add3A_743 = arith.addf %add3A_738, %get3A_742 : vector<16xf32>
        %swap3A_744 = arith.index_cast %scan3A_28 : i32 to index
        %swap3A_745 = arith.constant 592 : index
        %swap3A_746 = tpu.vector_load %arg9[%swap3A_744, %swap3A_745] {strides = array<i32>} : memref<32x1024xf32, #tpu.memory_space<vmem>>, vector<1x16xf32>,
        %swap3A_747 = vector.shape_cast %swap3A_746 : vector<1x16xf32> to vector<16xf32>
        %swap3A_748 = vector.shape_cast %add3A_743 : vector<16xf32> to vector<1x16xf32>
        tpu.vector_store %arg9[%swap3A_744, %swap3A_745], %swap3A_748 {strides = array<i32>} : memref<32x1024xf32, #tpu.memory_space<vmem>>, vector<1x16xf32>,
        %get3A_749 = arith.index_cast %scan3A_28 : i32 to index
        %get3A_750 = arith.constant 608 : index
        %get3A_751 = tpu.vector_load %arg9[%get3A_749, %get3A_750] {strides = array<i32>} : memref<32x1024xf32, #tpu.memory_space<vmem>>, vector<1x16xf32>,
        %get3A_752 = vector.shape_cast %get3A_751 : vector<1x16xf32> to vector<16xf32>
        %get3A_753 = arith.index_cast %scan3A_28 : i32 to index
        %get3A_754 = arith.constant 608 : index
        %get3A_755 = tpu.vector_load %arg7[%get3A_753, %get3A_754] {strides = array<i32>} : memref<32x1024xf32, #tpu.memory_space<vmem>>, vector<1x16xf32>,
        %get3A_756 = vector.shape_cast %get3A_755 : vector<1x16xf32> to vector<16xf32>
        %add3A_757 = arith.addf %get3A_752, %get3A_756 : vector<16xf32>
        %get3A_758 = arith.index_cast %scan3A_28 : i32 to index
        %get3A_759 = arith.constant 608 : index
        %get3A_760 = tpu.vector_load %arg8[%get3A_758, %get3A_759] {strides = array<i32>} : memref<32x1024xf32, #tpu.memory_space<vmem>>, vector<1x16xf32>,
        %get3A_761 = vector.shape_cast %get3A_760 : vector<1x16xf32> to vector<16xf32>
        %add3A_762 = arith.addf %add3A_757, %get3A_761 : vector<16xf32>
        %swap3A_763 = arith.index_cast %scan3A_28 : i32 to index
        %swap3A_764 = arith.constant 608 : index
        %swap3A_765 = tpu.vector_load %arg9[%swap3A_763, %swap3A_764] {strides = array<i32>} : memref<32x1024xf32, #tpu.memory_space<vmem>>, vector<1x16xf32>,
        %swap3A_766 = vector.shape_cast %swap3A_765 : vector<1x16xf32> to vector<16xf32>
        %swap3A_767 = vector.shape_cast %add3A_762 : vector<16xf32> to vector<1x16xf32>
        tpu.vector_store %arg9[%swap3A_763, %swap3A_764], %swap3A_767 {strides = array<i32>} : memref<32x1024xf32, #tpu.memory_space<vmem>>, vector<1x16xf32>,
        %get3A_768 = arith.index_cast %scan3A_28 : i32 to index
        %get3A_769 = arith.constant 624 : index
        %get3A_770 = tpu.vector_load %arg9[%get3A_768, %get3A_769] {strides = array<i32>} : memref<32x1024xf32, #tpu.memory_space<vmem>>, vector<1x16xf32>,
        %get3A_771 = vector.shape_cast %get3A_770 : vector<1x16xf32> to vector<16xf32>
        %get3A_772 = arith.index_cast %scan3A_28 : i32 to index
        %get3A_773 = arith.constant 624 : index
        %get3A_774 = tpu.vector_load %arg7[%get3A_772, %get3A_773] {strides = array<i32>} : memref<32x1024xf32, #tpu.memory_space<vmem>>, vector<1x16xf32>,
        %get3A_775 = vector.shape_cast %get3A_774 : vector<1x16xf32> to vector<16xf32>
        %add3A_776 = arith.addf %get3A_771, %get3A_775 : vector<16xf32>
        %get3A_777 = arith.index_cast %scan3A_28 : i32 to index
        %get3A_778 = arith.constant 624 : index
        %get3A_779 = tpu.vector_load %arg8[%get3A_777, %get3A_778] {strides = array<i32>} : memref<32x1024xf32, #tpu.memory_space<vmem>>, vector<1x16xf32>,
        %get3A_780 = vector.shape_cast %get3A_779 : vector<1x16xf32> to vector<16xf32>
        %add3A_781 = arith.addf %add3A_776, %get3A_780 : vector<16xf32>
        %swap3A_782 = arith.index_cast %scan3A_28 : i32 to index
        %swap3A_783 = arith.constant 624 : index
        %swap3A_784 = tpu.vector_load %arg9[%swap3A_782, %swap3A_783] {strides = array<i32>} : memref<32x1024xf32, #tpu.memory_space<vmem>>, vector<1x16xf32>,
        %swap3A_785 = vector.shape_cast %swap3A_784 : vector<1x16xf32> to vector<16xf32>
        %swap3A_786 = vector.shape_cast %add3A_781 : vector<16xf32> to vector<1x16xf32>
        tpu.vector_store %arg9[%swap3A_782, %swap3A_783], %swap3A_786 {strides = array<i32>} : memref<32x1024xf32, #tpu.memory_space<vmem>>, vector<1x16xf32>,
        %get3A_787 = arith.index_cast %scan3A_28 : i32 to index
        %get3A_788 = arith.constant 640 : index
        %get3A_789 = tpu.vector_load %arg9[%get3A_787, %get3A_788] {strides = array<i32>} : memref<32x1024xf32, #tpu.memory_space<vmem>>, vector<1x16xf32>,
        %get3A_790 = vector.shape_cast %get3A_789 : vector<1x16xf32> to vector<16xf32>
        %get3A_791 = arith.index_cast %scan3A_28 : i32 to index
        %get3A_792 = arith.constant 640 : index
        %get3A_793 = tpu.vector_load %arg7[%get3A_791, %get3A_792] {strides = array<i32>} : memref<32x1024xf32, #tpu.memory_space<vmem>>, vector<1x16xf32>,
        %get3A_794 = vector.shape_cast %get3A_793 : vector<1x16xf32> to vector<16xf32>
        %add3A_795 = arith.addf %get3A_790, %get3A_794 : vector<16xf32>
        %get3A_796 = arith.index_cast %scan3A_28 : i32 to index
        %get3A_797 = arith.constant 640 : index
        %get3A_798 = tpu.vector_load %arg8[%get3A_796, %get3A_797] {strides = array<i32>} : memref<32x1024xf32, #tpu.memory_space<vmem>>, vector<1x16xf32>,
        %get3A_799 = vector.shape_cast %get3A_798 : vector<1x16xf32> to vector<16xf32>
        %add3A_800 = arith.addf %add3A_795, %get3A_799 : vector<16xf32>
        %swap3A_801 = arith.index_cast %scan3A_28 : i32 to index
        %swap3A_802 = arith.constant 640 : index
        %swap3A_803 = tpu.vector_load %arg9[%swap3A_801, %swap3A_802] {strides = array<i32>} : memref<32x1024xf32, #tpu.memory_space<vmem>>, vector<1x16xf32>,
        %swap3A_804 = vector.shape_cast %swap3A_803 : vector<1x16xf32> to vector<16xf32>
        %swap3A_805 = vector.shape_cast %add3A_800 : vector<16xf32> to vector<1x16xf32>
        tpu.vector_store %arg9[%swap3A_801, %swap3A_802], %swap3A_805 {strides = array<i32>} : memref<32x1024xf32, #tpu.memory_space<vmem>>, vector<1x16xf32>,
        %get3A_806 = arith.index_cast %scan3A_28 : i32 to index
        %get3A_807 = arith.constant 656 : index
        %get3A_808 = tpu.vector_load %arg9[%get3A_806, %get3A_807] {strides = array<i32>} : memref<32x1024xf32, #tpu.memory_space<vmem>>, vector<1x16xf32>,
        %get3A_809 = vector.shape_cast %get3A_808 : vector<1x16xf32> to vector<16xf32>
        %get3A_810 = arith.index_cast %scan3A_28 : i32 to index
        %get3A_811 = arith.constant 656 : index
        %get3A_812 = tpu.vector_load %arg7[%get3A_810, %get3A_811] {strides = array<i32>} : memref<32x1024xf32, #tpu.memory_space<vmem>>, vector<1x16xf32>,
        %get3A_813 = vector.shape_cast %get3A_812 : vector<1x16xf32> to vector<16xf32>
        %add3A_814 = arith.addf %get3A_809, %get3A_813 : vector<16xf32>
        %get3A_815 = arith.index_cast %scan3A_28 : i32 to index
        %get3A_816 = arith.constant 656 : index
        %get3A_817 = tpu.vector_load %arg8[%get3A_815, %get3A_816] {strides = array<i32>} : memref<32x1024xf32, #tpu.memory_space<vmem>>, vector<1x16xf32>,
        %get3A_818 = vector.shape_cast %get3A_817 : vector<1x16xf32> to vector<16xf32>
        %add3A_819 = arith.addf %add3A_814, %get3A_818 : vector<16xf32>
        %swap3A_820 = arith.index_cast %scan3A_28 : i32 to index
        %swap3A_821 = arith.constant 656 : index
        %swap3A_822 = tpu.vector_load %arg9[%swap3A_820, %swap3A_821] {strides = array<i32>} : memref<32x1024xf32, #tpu.memory_space<vmem>>, vector<1x16xf32>,
        %swap3A_823 = vector.shape_cast %swap3A_822 : vector<1x16xf32> to vector<16xf32>
        %swap3A_824 = vector.shape_cast %add3A_819 : vector<16xf32> to vector<1x16xf32>
        tpu.vector_store %arg9[%swap3A_820, %swap3A_821], %swap3A_824 {strides = array<i32>} : memref<32x1024xf32, #tpu.memory_space<vmem>>, vector<1x16xf32>,
        %get3A_825 = arith.index_cast %scan3A_28 : i32 to index
        %get3A_826 = arith.constant 672 : index
        %get3A_827 = tpu.vector_load %arg9[%get3A_825, %get3A_826] {strides = array<i32>} : memref<32x1024xf32, #tpu.memory_space<vmem>>, vector<1x16xf32>,
        %get3A_828 = vector.shape_cast %get3A_827 : vector<1x16xf32> to vector<16xf32>
        %get3A_829 = arith.index_cast %scan3A_28 : i32 to index
        %get3A_830 = arith.constant 672 : index
        %get3A_831 = tpu.vector_load %arg7[%get3A_829, %get3A_830] {strides = array<i32>} : memref<32x1024xf32, #tpu.memory_space<vmem>>, vector<1x16xf32>,
        %get3A_832 = vector.shape_cast %get3A_831 : vector<1x16xf32> to vector<16xf32>
        %add3A_833 = arith.addf %get3A_828, %get3A_832 : vector<16xf32>
        %get3A_834 = arith.index_cast %scan3A_28 : i32 to index
        %get3A_835 = arith.constant 672 : index
        %get3A_836 = tpu.vector_load %arg8[%get3A_834, %get3A_835] {strides = array<i32>} : memref<32x1024xf32, #tpu.memory_space<vmem>>, vector<1x16xf32>,
        %get3A_837 = vector.shape_cast %get3A_836 : vector<1x16xf32> to vector<16xf32>
        %add3A_838 = arith.addf %add3A_833, %get3A_837 : vector<16xf32>
        %swap3A_839 = arith.index_cast %scan3A_28 : i32 to index
        %swap3A_840 = arith.constant 672 : index
        %swap3A_841 = tpu.vector_load %arg9[%swap3A_839, %swap3A_840] {strides = array<i32>} : memref<32x1024xf32, #tpu.memory_space<vmem>>, vector<1x16xf32>,
        %swap3A_842 = vector.shape_cast %swap3A_841 : vector<1x16xf32> to vector<16xf32>
        %swap3A_843 = vector.shape_cast %add3A_838 : vector<16xf32> to vector<1x16xf32>
        tpu.vector_store %arg9[%swap3A_839, %swap3A_840], %swap3A_843 {strides = array<i32>} : memref<32x1024xf32, #tpu.memory_space<vmem>>, vector<1x16xf32>,
        %get3A_844 = arith.index_cast %scan3A_28 : i32 to index
        %get3A_845 = arith.constant 688 : index
        %get3A_846 = tpu.vector_load %arg9[%get3A_844, %get3A_845] {strides = array<i32>} : memref<32x1024xf32, #tpu.memory_space<vmem>>, vector<1x16xf32>,
        %get3A_847 = vector.shape_cast %get3A_846 : vector<1x16xf32> to vector<16xf32>
        %get3A_848 = arith.index_cast %scan3A_28 : i32 to index
        %get3A_849 = arith.constant 688 : index
        %get3A_850 = tpu.vector_load %arg7[%get3A_848, %get3A_849] {strides = array<i32>} : memref<32x1024xf32, #tpu.memory_space<vmem>>, vector<1x16xf32>,
        %get3A_851 = vector.shape_cast %get3A_850 : vector<1x16xf32> to vector<16xf32>
        %add3A_852 = arith.addf %get3A_847, %get3A_851 : vector<16xf32>
        %get3A_853 = arith.index_cast %scan3A_28 : i32 to index
        %get3A_854 = arith.constant 688 : index
        %get3A_855 = tpu.vector_load %arg8[%get3A_853, %get3A_854] {strides = array<i32>} : memref<32x1024xf32, #tpu.memory_space<vmem>>, vector<1x16xf32>,
        %get3A_856 = vector.shape_cast %get3A_855 : vector<1x16xf32> to vector<16xf32>
        %add3A_857 = arith.addf %add3A_852, %get3A_856 : vector<16xf32>
        %swap3A_858 = arith.index_cast %scan3A_28 : i32 to index
        %swap3A_859 = arith.constant 688 : index
        %swap3A_860 = tpu.vector_load %arg9[%swap3A_858, %swap3A_859] {strides = array<i32>} : memref<32x1024xf32, #tpu.memory_space<vmem>>, vector<1x16xf32>,
        %swap3A_861 = vector.shape_cast %swap3A_860 : vector<1x16xf32> to vector<16xf32>
        %swap3A_862 = vector.shape_cast %add3A_857 : vector<16xf32> to vector<1x16xf32>
        tpu.vector_store %arg9[%swap3A_858, %swap3A_859], %swap3A_862 {strides = array<i32>} : memref<32x1024xf32, #tpu.memory_space<vmem>>, vector<1x16xf32>,
        %get3A_863 = arith.index_cast %scan3A_28 : i32 to index
        %get3A_864 = arith.constant 704 : index
        %get3A_865 = tpu.vector_load %arg9[%get3A_863, %get3A_864] {strides = array<i32>} : memref<32x1024xf32, #tpu.memory_space<vmem>>, vector<1x16xf32>,
        %get3A_866 = vector.shape_cast %get3A_865 : vector<1x16xf32> to vector<16xf32>
        %get3A_867 = arith.index_cast %scan3A_28 : i32 to index
        %get3A_868 = arith.constant 704 : index
        %get3A_869 = tpu.vector_load %arg7[%get3A_867, %get3A_868] {strides = array<i32>} : memref<32x1024xf32, #tpu.memory_space<vmem>>, vector<1x16xf32>,
        %get3A_870 = vector.shape_cast %get3A_869 : vector<1x16xf32> to vector<16xf32>
        %add3A_871 = arith.addf %get3A_866, %get3A_870 : vector<16xf32>
        %get3A_872 = arith.index_cast %scan3A_28 : i32 to index
        %get3A_873 = arith.constant 704 : index
        %get3A_874 = tpu.vector_load %arg8[%get3A_872, %get3A_873] {strides = array<i32>} : memref<32x1024xf32, #tpu.memory_space<vmem>>, vector<1x16xf32>,
        %get3A_875 = vector.shape_cast %get3A_874 : vector<1x16xf32> to vector<16xf32>
        %add3A_876 = arith.addf %add3A_871, %get3A_875 : vector<16xf32>
        %swap3A_877 = arith.index_cast %scan3A_28 : i32 to index
        %swap3A_878 = arith.constant 704 : index
        %swap3A_879 = tpu.vector_load %arg9[%swap3A_877, %swap3A_878] {strides = array<i32>} : memref<32x1024xf32, #tpu.memory_space<vmem>>, vector<1x16xf32>,
        %swap3A_880 = vector.shape_cast %swap3A_879 : vector<1x16xf32> to vector<16xf32>
        %swap3A_881 = vector.shape_cast %add3A_876 : vector<16xf32> to vector<1x16xf32>
        tpu.vector_store %arg9[%swap3A_877, %swap3A_878], %swap3A_881 {strides = array<i32>} : memref<32x1024xf32, #tpu.memory_space<vmem>>, vector<1x16xf32>,
        %get3A_882 = arith.index_cast %scan3A_28 : i32 to index
        %get3A_883 = arith.constant 720 : index
        %get3A_884 = tpu.vector_load %arg9[%get3A_882, %get3A_883] {strides = array<i32>} : memref<32x1024xf32, #tpu.memory_space<vmem>>, vector<1x16xf32>,
        %get3A_885 = vector.shape_cast %get3A_884 : vector<1x16xf32> to vector<16xf32>
        %get3A_886 = arith.index_cast %scan3A_28 : i32 to index
        %get3A_887 = arith.constant 720 : index
        %get3A_888 = tpu.vector_load %arg7[%get3A_886, %get3A_887] {strides = array<i32>} : memref<32x1024xf32, #tpu.memory_space<vmem>>, vector<1x16xf32>,
        %get3A_889 = vector.shape_cast %get3A_888 : vector<1x16xf32> to vector<16xf32>
        %add3A_890 = arith.addf %get3A_885, %get3A_889 : vector<16xf32>
        %get3A_891 = arith.index_cast %scan3A_28 : i32 to index
        %get3A_892 = arith.constant 720 : index
        %get3A_893 = tpu.vector_load %arg8[%get3A_891, %get3A_892] {strides = array<i32>} : memref<32x1024xf32, #tpu.memory_space<vmem>>, vector<1x16xf32>,
        %get3A_894 = vector.shape_cast %get3A_893 : vector<1x16xf32> to vector<16xf32>
        %add3A_895 = arith.addf %add3A_890, %get3A_894 : vector<16xf32>
        %swap3A_896 = arith.index_cast %scan3A_28 : i32 to index
        %swap3A_897 = arith.constant 720 : index
        %swap3A_898 = tpu.vector_load %arg9[%swap3A_896, %swap3A_897] {strides = array<i32>} : memref<32x1024xf32, #tpu.memory_space<vmem>>, vector<1x16xf32>,
        %swap3A_899 = vector.shape_cast %swap3A_898 : vector<1x16xf32> to vector<16xf32>
        %swap3A_900 = vector.shape_cast %add3A_895 : vector<16xf32> to vector<1x16xf32>
        tpu.vector_store %arg9[%swap3A_896, %swap3A_897], %swap3A_900 {strides = array<i32>} : memref<32x1024xf32, #tpu.memory_space<vmem>>, vector<1x16xf32>,
        %get3A_901 = arith.index_cast %scan3A_28 : i32 to index
        %get3A_902 = arith.constant 736 : index
        %get3A_903 = tpu.vector_load %arg9[%get3A_901, %get3A_902] {strides = array<i32>} : memref<32x1024xf32, #tpu.memory_space<vmem>>, vector<1x16xf32>,
        %get3A_904 = vector.shape_cast %get3A_903 : vector<1x16xf32> to vector<16xf32>
        %get3A_905 = arith.index_cast %scan3A_28 : i32 to index
        %get3A_906 = arith.constant 736 : index
        %get3A_907 = tpu.vector_load %arg7[%get3A_905, %get3A_906] {strides = array<i32>} : memref<32x1024xf32, #tpu.memory_space<vmem>>, vector<1x16xf32>,
        %get3A_908 = vector.shape_cast %get3A_907 : vector<1x16xf32> to vector<16xf32>
        %add3A_909 = arith.addf %get3A_904, %get3A_908 : vector<16xf32>
        %get3A_910 = arith.index_cast %scan3A_28 : i32 to index
        %get3A_911 = arith.constant 736 : index
        %get3A_912 = tpu.vector_load %arg8[%get3A_910, %get3A_911] {strides = array<i32>} : memref<32x1024xf32, #tpu.memory_space<vmem>>, vector<1x16xf32>,
        %get3A_913 = vector.shape_cast %get3A_912 : vector<1x16xf32> to vector<16xf32>
        %add3A_914 = arith.addf %add3A_909, %get3A_913 : vector<16xf32>
        %swap3A_915 = arith.index_cast %scan3A_28 : i32 to index
        %swap3A_916 = arith.constant 736 : index
        %swap3A_917 = tpu.vector_load %arg9[%swap3A_915, %swap3A_916] {strides = array<i32>} : memref<32x1024xf32, #tpu.memory_space<vmem>>, vector<1x16xf32>,
        %swap3A_918 = vector.shape_cast %swap3A_917 : vector<1x16xf32> to vector<16xf32>
        %swap3A_919 = vector.shape_cast %add3A_914 : vector<16xf32> to vector<1x16xf32>
        tpu.vector_store %arg9[%swap3A_915, %swap3A_916], %swap3A_919 {strides = array<i32>} : memref<32x1024xf32, #tpu.memory_space<vmem>>, vector<1x16xf32>,
        %get3A_920 = arith.index_cast %scan3A_28 : i32 to index
        %get3A_921 = arith.constant 752 : index
        %get3A_922 = tpu.vector_load %arg9[%get3A_920, %get3A_921] {strides = array<i32>} : memref<32x1024xf32, #tpu.memory_space<vmem>>, vector<1x16xf32>,
        %get3A_923 = vector.shape_cast %get3A_922 : vector<1x16xf32> to vector<16xf32>
        %get3A_924 = arith.index_cast %scan3A_28 : i32 to index
        %get3A_925 = arith.constant 752 : index
        %get3A_926 = tpu.vector_load %arg7[%get3A_924, %get3A_925] {strides = array<i32>} : memref<32x1024xf32, #tpu.memory_space<vmem>>, vector<1x16xf32>,
        %get3A_927 = vector.shape_cast %get3A_926 : vector<1x16xf32> to vector<16xf32>
        %add3A_928 = arith.addf %get3A_923, %get3A_927 : vector<16xf32>
        %get3A_929 = arith.index_cast %scan3A_28 : i32 to index
        %get3A_930 = arith.constant 752 : index
        %get3A_931 = tpu.vector_load %arg8[%get3A_929, %get3A_930] {strides = array<i32>} : memref<32x1024xf32, #tpu.memory_space<vmem>>, vector<1x16xf32>,
        %get3A_932 = vector.shape_cast %get3A_931 : vector<1x16xf32> to vector<16xf32>
        %add3A_933 = arith.addf %add3A_928, %get3A_932 : vector<16xf32>
        %swap3A_934 = arith.index_cast %scan3A_28 : i32 to index
        %swap3A_935 = arith.constant 752 : index
        %swap3A_936 = tpu.vector_load %arg9[%swap3A_934, %swap3A_935] {strides = array<i32>} : memref<32x1024xf32, #tpu.memory_space<vmem>>, vector<1x16xf32>,
        %swap3A_937 = vector.shape_cast %swap3A_936 : vector<1x16xf32> to vector<16xf32>
        %swap3A_938 = vector.shape_cast %add3A_933 : vector<16xf32> to vector<1x16xf32>
        tpu.vector_store %arg9[%swap3A_934, %swap3A_935], %swap3A_938 {strides = array<i32>} : memref<32x1024xf32, #tpu.memory_space<vmem>>, vector<1x16xf32>,
        %get3A_939 = arith.index_cast %scan3A_28 : i32 to index
        %get3A_940 = arith.constant 768 : index
        %get3A_941 = tpu.vector_load %arg9[%get3A_939, %get3A_940] {strides = array<i32>} : memref<32x1024xf32, #tpu.memory_space<vmem>>, vector<1x16xf32>,
        %get3A_942 = vector.shape_cast %get3A_941 : vector<1x16xf32> to vector<16xf32>
        %get3A_943 = arith.index_cast %scan3A_28 : i32 to index
        %get3A_944 = arith.constant 768 : index
        %get3A_945 = tpu.vector_load %arg7[%get3A_943, %get3A_944] {strides = array<i32>} : memref<32x1024xf32, #tpu.memory_space<vmem>>, vector<1x16xf32>,
        %get3A_946 = vector.shape_cast %get3A_945 : vector<1x16xf32> to vector<16xf32>
        %add3A_947 = arith.addf %get3A_942, %get3A_946 : vector<16xf32>
        %get3A_948 = arith.index_cast %scan3A_28 : i32 to index
        %get3A_949 = arith.constant 768 : index
        %get3A_950 = tpu.vector_load %arg8[%get3A_948, %get3A_949] {strides = array<i32>} : memref<32x1024xf32, #tpu.memory_space<vmem>>, vector<1x16xf32>,
        %get3A_951 = vector.shape_cast %get3A_950 : vector<1x16xf32> to vector<16xf32>
        %add3A_952 = arith.addf %add3A_947, %get3A_951 : vector<16xf32>
        %swap3A_953 = arith.index_cast %scan3A_28 : i32 to index
        %swap3A_954 = arith.constant 768 : index
        %swap3A_955 = tpu.vector_load %arg9[%swap3A_953, %swap3A_954] {strides = array<i32>} : memref<32x1024xf32, #tpu.memory_space<vmem>>, vector<1x16xf32>,
        %swap3A_956 = vector.shape_cast %swap3A_955 : vector<1x16xf32> to vector<16xf32>
        %swap3A_957 = vector.shape_cast %add3A_952 : vector<16xf32> to vector<1x16xf32>
        tpu.vector_store %arg9[%swap3A_953, %swap3A_954], %swap3A_957 {strides = array<i32>} : memref<32x1024xf32, #tpu.memory_space<vmem>>, vector<1x16xf32>,
        %get3A_958 = arith.index_cast %scan3A_28 : i32 to index
        %get3A_959 = arith.constant 784 : index
        %get3A_960 = tpu.vector_load %arg9[%get3A_958, %get3A_959] {strides = array<i32>} : memref<32x1024xf32, #tpu.memory_space<vmem>>, vector<1x16xf32>,
        %get3A_961 = vector.shape_cast %get3A_960 : vector<1x16xf32> to vector<16xf32>
        %get3A_962 = arith.index_cast %scan3A_28 : i32 to index
        %get3A_963 = arith.constant 784 : index
        %get3A_964 = tpu.vector_load %arg7[%get3A_962, %get3A_963] {strides = array<i32>} : memref<32x1024xf32, #tpu.memory_space<vmem>>, vector<1x16xf32>,
        %get3A_965 = vector.shape_cast %get3A_964 : vector<1x16xf32> to vector<16xf32>
        %add3A_966 = arith.addf %get3A_961, %get3A_965 : vector<16xf32>
        %get3A_967 = arith.index_cast %scan3A_28 : i32 to index
        %get3A_968 = arith.constant 784 : index
        %get3A_969 = tpu.vector_load %arg8[%get3A_967, %get3A_968] {strides = array<i32>} : memref<32x1024xf32, #tpu.memory_space<vmem>>, vector<1x16xf32>,
        %get3A_970 = vector.shape_cast %get3A_969 : vector<1x16xf32> to vector<16xf32>
        %add3A_971 = arith.addf %add3A_966, %get3A_970 : vector<16xf32>
        %swap3A_972 = arith.index_cast %scan3A_28 : i32 to index
        %swap3A_973 = arith.constant 784 : index
        %swap3A_974 = tpu.vector_load %arg9[%swap3A_972, %swap3A_973] {strides = array<i32>} : memref<32x1024xf32, #tpu.memory_space<vmem>>, vector<1x16xf32>,
        %swap3A_975 = vector.shape_cast %swap3A_974 : vector<1x16xf32> to vector<16xf32>
        %swap3A_976 = vector.shape_cast %add3A_971 : vector<16xf32> to vector<1x16xf32>
        tpu.vector_store %arg9[%swap3A_972, %swap3A_973], %swap3A_976 {strides = array<i32>} : memref<32x1024xf32, #tpu.memory_space<vmem>>, vector<1x16xf32>,
        %get3A_977 = arith.index_cast %scan3A_28 : i32 to index
        %get3A_978 = arith.constant 800 : index
        %get3A_979 = tpu.vector_load %arg9[%get3A_977, %get3A_978] {strides = array<i32>} : memref<32x1024xf32, #tpu.memory_space<vmem>>, vector<1x16xf32>,
        %get3A_980 = vector.shape_cast %get3A_979 : vector<1x16xf32> to vector<16xf32>
        %get3A_981 = arith.index_cast %scan3A_28 : i32 to index
        %get3A_982 = arith.constant 800 : index
        %get3A_983 = tpu.vector_load %arg7[%get3A_981, %get3A_982] {strides = array<i32>} : memref<32x1024xf32, #tpu.memory_space<vmem>>, vector<1x16xf32>,
        %get3A_984 = vector.shape_cast %get3A_983 : vector<1x16xf32> to vector<16xf32>
        %add3A_985 = arith.addf %get3A_980, %get3A_984 : vector<16xf32>
        %get3A_986 = arith.index_cast %scan3A_28 : i32 to index
        %get3A_987 = arith.constant 800 : index
        %get3A_988 = tpu.vector_load %arg8[%get3A_986, %get3A_987] {strides = array<i32>} : memref<32x1024xf32, #tpu.memory_space<vmem>>, vector<1x16xf32>,
        %get3A_989 = vector.shape_cast %get3A_988 : vector<1x16xf32> to vector<16xf32>
        %add3A_990 = arith.addf %add3A_985, %get3A_989 : vector<16xf32>
        %swap3A_991 = arith.index_cast %scan3A_28 : i32 to index
        %swap3A_992 = arith.constant 800 : index
        %swap3A_993 = tpu.vector_load %arg9[%swap3A_991, %swap3A_992] {strides = array<i32>} : memref<32x1024xf32, #tpu.memory_space<vmem>>, vector<1x16xf32>,
        %swap3A_994 = vector.shape_cast %swap3A_993 : vector<1x16xf32> to vector<16xf32>
        %swap3A_995 = vector.shape_cast %add3A_990 : vector<16xf32> to vector<1x16xf32>
        tpu.vector_store %arg9[%swap3A_991, %swap3A_992], %swap3A_995 {strides = array<i32>} : memref<32x1024xf32, #tpu.memory_space<vmem>>, vector<1x16xf32>,
        %get3A_996 = arith.index_cast %scan3A_28 : i32 to index
        %get3A_997 = arith.constant 816 : index
        %get3A_998 = tpu.vector_load %arg9[%get3A_996, %get3A_997] {strides = array<i32>} : memref<32x1024xf32, #tpu.memory_space<vmem>>, vector<1x16xf32>,
        %get3A_999 = vector.shape_cast %get3A_998 : vector<1x16xf32> to vector<16xf32>
        %get3A_1000 = arith.index_cast %scan3A_28 : i32 to index
        %get3A_1001 = arith.constant 816 : index
        %get3A_1002 = tpu.vector_load %arg7[%get3A_1000, %get3A_1001] {strides = array<i32>} : memref<32x1024xf32, #tpu.memory_space<vmem>>, vector<1x16xf32>,
        %get3A_1003 = vector.shape_cast %get3A_1002 : vector<1x16xf32> to vector<16xf32>
        %add3A_1004 = arith.addf %get3A_999, %get3A_1003 : vector<16xf32>
        %get3A_1005 = arith.index_cast %scan3A_28 : i32 to index
        %get3A_1006 = arith.constant 816 : index
        %get3A_1007 = tpu.vector_load %arg8[%get3A_1005, %get3A_1006] {strides = array<i32>} : memref<32x1024xf32, #tpu.memory_space<vmem>>, vector<1x16xf32>,
        %get3A_1008 = vector.shape_cast %get3A_1007 : vector<1x16xf32> to vector<16xf32>
        %add3A_1009 = arith.addf %add3A_1004, %get3A_1008 : vector<16xf32>
        %swap3A_1010 = arith.index_cast %scan3A_28 : i32 to index
        %swap3A_1011 = arith.constant 816 : index
        %swap3A_1012 = tpu.vector_load %arg9[%swap3A_1010, %swap3A_1011] {strides = array<i32>} : memref<32x1024xf32, #tpu.memory_space<vmem>>, vector<1x16xf32>,
        %swap3A_1013 = vector.shape_cast %swap3A_1012 : vector<1x16xf32> to vector<16xf32>
        %swap3A_1014 = vector.shape_cast %add3A_1009 : vector<16xf32> to vector<1x16xf32>
        tpu.vector_store %arg9[%swap3A_1010, %swap3A_1011], %swap3A_1014 {strides = array<i32>} : memref<32x1024xf32, #tpu.memory_space<vmem>>, vector<1x16xf32>,
        %get3A_1015 = arith.index_cast %scan3A_28 : i32 to index
        %get3A_1016 = arith.constant 832 : index
        %get3A_1017 = tpu.vector_load %arg9[%get3A_1015, %get3A_1016] {strides = array<i32>} : memref<32x1024xf32, #tpu.memory_space<vmem>>, vector<1x16xf32>,
        %get3A_1018 = vector.shape_cast %get3A_1017 : vector<1x16xf32> to vector<16xf32>
        %get3A_1019 = arith.index_cast %scan3A_28 : i32 to index
        %get3A_1020 = arith.constant 832 : index
        %get3A_1021 = tpu.vector_load %arg7[%get3A_1019, %get3A_1020] {strides = array<i32>} : memref<32x1024xf32, #tpu.memory_space<vmem>>, vector<1x16xf32>,
        %get3A_1022 = vector.shape_cast %get3A_1021 : vector<1x16xf32> to vector<16xf32>
        %add3A_1023 = arith.addf %get3A_1018, %get3A_1022 : vector<16xf32>
        %get3A_1024 = arith.index_cast %scan3A_28 : i32 to index
        %get3A_1025 = arith.constant 832 : index
        %get3A_1026 = tpu.vector_load %arg8[%get3A_1024, %get3A_1025] {strides = array<i32>} : memref<32x1024xf32, #tpu.memory_space<vmem>>, vector<1x16xf32>,
        %get3A_1027 = vector.shape_cast %get3A_1026 : vector<1x16xf32> to vector<16xf32>
        %add3A_1028 = arith.addf %add3A_1023, %get3A_1027 : vector<16xf32>
        %swap3A_1029 = arith.index_cast %scan3A_28 : i32 to index
        %swap3A_1030 = arith.constant 832 : index
        %swap3A_1031 = tpu.vector_load %arg9[%swap3A_1029, %swap3A_1030] {strides = array<i32>} : memref<32x1024xf32, #tpu.memory_space<vmem>>, vector<1x16xf32>,
        %swap3A_1032 = vector.shape_cast %swap3A_1031 : vector<1x16xf32> to vector<16xf32>
        %swap3A_1033 = vector.shape_cast %add3A_1028 : vector<16xf32> to vector<1x16xf32>
        tpu.vector_store %arg9[%swap3A_1029, %swap3A_1030], %swap3A_1033 {strides = array<i32>} : memref<32x1024xf32, #tpu.memory_space<vmem>>, vector<1x16xf32>,
        %get3A_1034 = arith.index_cast %scan3A_28 : i32 to index
        %get3A_1035 = arith.constant 848 : index
        %get3A_1036 = tpu.vector_load %arg9[%get3A_1034, %get3A_1035] {strides = array<i32>} : memref<32x1024xf32, #tpu.memory_space<vmem>>, vector<1x16xf32>,
        %get3A_1037 = vector.shape_cast %get3A_1036 : vector<1x16xf32> to vector<16xf32>
        %get3A_1038 = arith.index_cast %scan3A_28 : i32 to index
        %get3A_1039 = arith.constant 848 : index
        %get3A_1040 = tpu.vector_load %arg7[%get3A_1038, %get3A_1039] {strides = array<i32>} : memref<32x1024xf32, #tpu.memory_space<vmem>>, vector<1x16xf32>,
        %get3A_1041 = vector.shape_cast %get3A_1040 : vector<1x16xf32> to vector<16xf32>
        %add3A_1042 = arith.addf %get3A_1037, %get3A_1041 : vector<16xf32>
        %get3A_1043 = arith.index_cast %scan3A_28 : i32 to index
        %get3A_1044 = arith.constant 848 : index
        %get3A_1045 = tpu.vector_load %arg8[%get3A_1043, %get3A_1044] {strides = array<i32>} : memref<32x1024xf32, #tpu.memory_space<vmem>>, vector<1x16xf32>,
        %get3A_1046 = vector.shape_cast %get3A_1045 : vector<1x16xf32> to vector<16xf32>
        %add3A_1047 = arith.addf %add3A_1042, %get3A_1046 : vector<16xf32>
        %swap3A_1048 = arith.index_cast %scan3A_28 : i32 to index
        %swap3A_1049 = arith.constant 848 : index
        %swap3A_1050 = tpu.vector_load %arg9[%swap3A_1048, %swap3A_1049] {strides = array<i32>} : memref<32x1024xf32, #tpu.memory_space<vmem>>, vector<1x16xf32>,
        %swap3A_1051 = vector.shape_cast %swap3A_1050 : vector<1x16xf32> to vector<16xf32>
        %swap3A_1052 = vector.shape_cast %add3A_1047 : vector<16xf32> to vector<1x16xf32>
        tpu.vector_store %arg9[%swap3A_1048, %swap3A_1049], %swap3A_1052 {strides = array<i32>} : memref<32x1024xf32, #tpu.memory_space<vmem>>, vector<1x16xf32>,
        %get3A_1053 = arith.index_cast %scan3A_28 : i32 to index
        %get3A_1054 = arith.constant 864 : index
        %get3A_1055 = tpu.vector_load %arg9[%get3A_1053, %get3A_1054] {strides = array<i32>} : memref<32x1024xf32, #tpu.memory_space<vmem>>, vector<1x16xf32>,
        %get3A_1056 = vector.shape_cast %get3A_1055 : vector<1x16xf32> to vector<16xf32>
        %get3A_1057 = arith.index_cast %scan3A_28 : i32 to index
        %get3A_1058 = arith.constant 864 : index
        %get3A_1059 = tpu.vector_load %arg7[%get3A_1057, %get3A_1058] {strides = array<i32>} : memref<32x1024xf32, #tpu.memory_space<vmem>>, vector<1x16xf32>,
        %get3A_1060 = vector.shape_cast %get3A_1059 : vector<1x16xf32> to vector<16xf32>
        %add3A_1061 = arith.addf %get3A_1056, %get3A_1060 : vector<16xf32>
        %get3A_1062 = arith.index_cast %scan3A_28 : i32 to index
        %get3A_1063 = arith.constant 864 : index
        %get3A_1064 = tpu.vector_load %arg8[%get3A_1062, %get3A_1063] {strides = array<i32>} : memref<32x1024xf32, #tpu.memory_space<vmem>>, vector<1x16xf32>,
        %get3A_1065 = vector.shape_cast %get3A_1064 : vector<1x16xf32> to vector<16xf32>
        %add3A_1066 = arith.addf %add3A_1061, %get3A_1065 : vector<16xf32>
        %swap3A_1067 = arith.index_cast %scan3A_28 : i32 to index
        %swap3A_1068 = arith.constant 864 : index
        %swap3A_1069 = tpu.vector_load %arg9[%swap3A_1067, %swap3A_1068] {strides = array<i32>} : memref<32x1024xf32, #tpu.memory_space<vmem>>, vector<1x16xf32>,
        %swap3A_1070 = vector.shape_cast %swap3A_1069 : vector<1x16xf32> to vector<16xf32>
        %swap3A_1071 = vector.shape_cast %add3A_1066 : vector<16xf32> to vector<1x16xf32>
        tpu.vector_store %arg9[%swap3A_1067, %swap3A_1068], %swap3A_1071 {strides = array<i32>} : memref<32x1024xf32, #tpu.memory_space<vmem>>, vector<1x16xf32>,
        %get3A_1072 = arith.index_cast %scan3A_28 : i32 to index
        %get3A_1073 = arith.constant 880 : index
        %get3A_1074 = tpu.vector_load %arg9[%get3A_1072, %get3A_1073] {strides = array<i32>} : memref<32x1024xf32, #tpu.memory_space<vmem>>, vector<1x16xf32>,
        %get3A_1075 = vector.shape_cast %get3A_1074 : vector<1x16xf32> to vector<16xf32>
        %get3A_1076 = arith.index_cast %scan3A_28 : i32 to index
        %get3A_1077 = arith.constant 880 : index
        %get3A_1078 = tpu.vector_load %arg7[%get3A_1076, %get3A_1077] {strides = array<i32>} : memref<32x1024xf32, #tpu.memory_space<vmem>>, vector<1x16xf32>,
        %get3A_1079 = vector.shape_cast %get3A_1078 : vector<1x16xf32> to vector<16xf32>
        %add3A_1080 = arith.addf %get3A_1075, %get3A_1079 : vector<16xf32>
        %get3A_1081 = arith.index_cast %scan3A_28 : i32 to index
        %get3A_1082 = arith.constant 880 : index
        %get3A_1083 = tpu.vector_load %arg8[%get3A_1081, %get3A_1082] {strides = array<i32>} : memref<32x1024xf32, #tpu.memory_space<vmem>>, vector<1x16xf32>,
        %get3A_1084 = vector.shape_cast %get3A_1083 : vector<1x16xf32> to vector<16xf32>
        %add3A_1085 = arith.addf %add3A_1080, %get3A_1084 : vector<16xf32>
        %swap3A_1086 = arith.index_cast %scan3A_28 : i32 to index
        %swap3A_1087 = arith.constant 880 : index
        %swap3A_1088 = tpu.vector_load %arg9[%swap3A_1086, %swap3A_1087] {strides = array<i32>} : memref<32x1024xf32, #tpu.memory_space<vmem>>, vector<1x16xf32>,
        %swap3A_1089 = vector.shape_cast %swap3A_1088 : vector<1x16xf32> to vector<16xf32>
        %swap3A_1090 = vector.shape_cast %add3A_1085 : vector<16xf32> to vector<1x16xf32>
        tpu.vector_store %arg9[%swap3A_1086, %swap3A_1087], %swap3A_1090 {strides = array<i32>} : memref<32x1024xf32, #tpu.memory_space<vmem>>, vector<1x16xf32>,
        %get3A_1091 = arith.index_cast %scan3A_28 : i32 to index
        %get3A_1092 = arith.constant 896 : index
        %get3A_1093 = tpu.vector_load %arg9[%get3A_1091, %get3A_1092] {strides = array<i32>} : memref<32x1024xf32, #tpu.memory_space<vmem>>, vector<1x16xf32>,
        %get3A_1094 = vector.shape_cast %get3A_1093 : vector<1x16xf32> to vector<16xf32>
        %get3A_1095 = arith.index_cast %scan3A_28 : i32 to index
        %get3A_1096 = arith.constant 896 : index
        %get3A_1097 = tpu.vector_load %arg7[%get3A_1095, %get3A_1096] {strides = array<i32>} : memref<32x1024xf32, #tpu.memory_space<vmem>>, vector<1x16xf32>,
        %get3A_1098 = vector.shape_cast %get3A_1097 : vector<1x16xf32> to vector<16xf32>
        %add3A_1099 = arith.addf %get3A_1094, %get3A_1098 : vector<16xf32>
        %get3A_1100 = arith.index_cast %scan3A_28 : i32 to index
        %get3A_1101 = arith.constant 896 : index
        %get3A_1102 = tpu.vector_load %arg8[%get3A_1100, %get3A_1101] {strides = array<i32>} : memref<32x1024xf32, #tpu.memory_space<vmem>>, vector<1x16xf32>,
        %get3A_1103 = vector.shape_cast %get3A_1102 : vector<1x16xf32> to vector<16xf32>
        %add3A_1104 = arith.addf %add3A_1099, %get3A_1103 : vector<16xf32>
        %swap3A_1105 = arith.index_cast %scan3A_28 : i32 to index
        %swap3A_1106 = arith.constant 896 : index
        %swap3A_1107 = tpu.vector_load %arg9[%swap3A_1105, %swap3A_1106] {strides = array<i32>} : memref<32x1024xf32, #tpu.memory_space<vmem>>, vector<1x16xf32>,
        %swap3A_1108 = vector.shape_cast %swap3A_1107 : vector<1x16xf32> to vector<16xf32>
        %swap3A_1109 = vector.shape_cast %add3A_1104 : vector<16xf32> to vector<1x16xf32>
        tpu.vector_store %arg9[%swap3A_1105, %swap3A_1106], %swap3A_1109 {strides = array<i32>} : memref<32x1024xf32, #tpu.memory_space<vmem>>, vector<1x16xf32>,
        %get3A_1110 = arith.index_cast %scan3A_28 : i32 to index
        %get3A_1111 = arith.constant 912 : index
        %get3A_1112 = tpu.vector_load %arg9[%get3A_1110, %get3A_1111] {strides = array<i32>} : memref<32x1024xf32, #tpu.memory_space<vmem>>, vector<1x16xf32>,
        %get3A_1113 = vector.shape_cast %get3A_1112 : vector<1x16xf32> to vector<16xf32>
        %get3A_1114 = arith.index_cast %scan3A_28 : i32 to index
        %get3A_1115 = arith.constant 912 : index
        %get3A_1116 = tpu.vector_load %arg7[%get3A_1114, %get3A_1115] {strides = array<i32>} : memref<32x1024xf32, #tpu.memory_space<vmem>>, vector<1x16xf32>,
        %get3A_1117 = vector.shape_cast %get3A_1116 : vector<1x16xf32> to vector<16xf32>
        %add3A_1118 = arith.addf %get3A_1113, %get3A_1117 : vector<16xf32>
        %get3A_1119 = arith.index_cast %scan3A_28 : i32 to index
        %get3A_1120 = arith.constant 912 : index
        %get3A_1121 = tpu.vector_load %arg8[%get3A_1119, %get3A_1120] {strides = array<i32>} : memref<32x1024xf32, #tpu.memory_space<vmem>>, vector<1x16xf32>,
        %get3A_1122 = vector.shape_cast %get3A_1121 : vector<1x16xf32> to vector<16xf32>
        %add3A_1123 = arith.addf %add3A_1118, %get3A_1122 : vector<16xf32>
        %swap3A_1124 = arith.index_cast %scan3A_28 : i32 to index
        %swap3A_1125 = arith.constant 912 : index
        %swap3A_1126 = tpu.vector_load %arg9[%swap3A_1124, %swap3A_1125] {strides = array<i32>} : memref<32x1024xf32, #tpu.memory_space<vmem>>, vector<1x16xf32>,
        %swap3A_1127 = vector.shape_cast %swap3A_1126 : vector<1x16xf32> to vector<16xf32>
        %swap3A_1128 = vector.shape_cast %add3A_1123 : vector<16xf32> to vector<1x16xf32>
        tpu.vector_store %arg9[%swap3A_1124, %swap3A_1125], %swap3A_1128 {strides = array<i32>} : memref<32x1024xf32, #tpu.memory_space<vmem>>, vector<1x16xf32>,
        %get3A_1129 = arith.index_cast %scan3A_28 : i32 to index
        %get3A_1130 = arith.constant 928 : index
        %get3A_1131 = tpu.vector_load %arg9[%get3A_1129, %get3A_1130] {strides = array<i32>} : memref<32x1024xf32, #tpu.memory_space<vmem>>, vector<1x16xf32>,
        %get3A_1132 = vector.shape_cast %get3A_1131 : vector<1x16xf32> to vector<16xf32>
        %get3A_1133 = arith.index_cast %scan3A_28 : i32 to index
        %get3A_1134 = arith.constant 928 : index
        %get3A_1135 = tpu.vector_load %arg7[%get3A_1133, %get3A_1134] {strides = array<i32>} : memref<32x1024xf32, #tpu.memory_space<vmem>>, vector<1x16xf32>,
        %get3A_1136 = vector.shape_cast %get3A_1135 : vector<1x16xf32> to vector<16xf32>
        %add3A_1137 = arith.addf %get3A_1132, %get3A_1136 : vector<16xf32>
        %get3A_1138 = arith.index_cast %scan3A_28 : i32 to index
        %get3A_1139 = arith.constant 928 : index
        %get3A_1140 = tpu.vector_load %arg8[%get3A_1138, %get3A_1139] {strides = array<i32>} : memref<32x1024xf32, #tpu.memory_space<vmem>>, vector<1x16xf32>,
        %get3A_1141 = vector.shape_cast %get3A_1140 : vector<1x16xf32> to vector<16xf32>
        %add3A_1142 = arith.addf %add3A_1137, %get3A_1141 : vector<16xf32>
        %swap3A_1143 = arith.index_cast %scan3A_28 : i32 to index
        %swap3A_1144 = arith.constant 928 : index
        %swap3A_1145 = tpu.vector_load %arg9[%swap3A_1143, %swap3A_1144] {strides = array<i32>} : memref<32x1024xf32, #tpu.memory_space<vmem>>, vector<1x16xf32>,
        %swap3A_1146 = vector.shape_cast %swap3A_1145 : vector<1x16xf32> to vector<16xf32>
        %swap3A_1147 = vector.shape_cast %add3A_1142 : vector<16xf32> to vector<1x16xf32>
        tpu.vector_store %arg9[%swap3A_1143, %swap3A_1144], %swap3A_1147 {strides = array<i32>} : memref<32x1024xf32, #tpu.memory_space<vmem>>, vector<1x16xf32>,
        %get3A_1148 = arith.index_cast %scan3A_28 : i32 to index
        %get3A_1149 = arith.constant 944 : index
        %get3A_1150 = tpu.vector_load %arg9[%get3A_1148, %get3A_1149] {strides = array<i32>} : memref<32x1024xf32, #tpu.memory_space<vmem>>, vector<1x16xf32>,
        %get3A_1151 = vector.shape_cast %get3A_1150 : vector<1x16xf32> to vector<16xf32>
        %get3A_1152 = arith.index_cast %scan3A_28 : i32 to index
        %get3A_1153 = arith.constant 944 : index
        %get3A_1154 = tpu.vector_load %arg7[%get3A_1152, %get3A_1153] {strides = array<i32>} : memref<32x1024xf32, #tpu.memory_space<vmem>>, vector<1x16xf32>,
        %get3A_1155 = vector.shape_cast %get3A_1154 : vector<1x16xf32> to vector<16xf32>
        %add3A_1156 = arith.addf %get3A_1151, %get3A_1155 : vector<16xf32>
        %get3A_1157 = arith.index_cast %scan3A_28 : i32 to index
        %get3A_1158 = arith.constant 944 : index
        %get3A_1159 = tpu.vector_load %arg8[%get3A_1157, %get3A_1158] {strides = array<i32>} : memref<32x1024xf32, #tpu.memory_space<vmem>>, vector<1x16xf32>,
        %get3A_1160 = vector.shape_cast %get3A_1159 : vector<1x16xf32> to vector<16xf32>
        %add3A_1161 = arith.addf %add3A_1156, %get3A_1160 : vector<16xf32>
        %swap3A_1162 = arith.index_cast %scan3A_28 : i32 to index
        %swap3A_1163 = arith.constant 944 : index
        %swap3A_1164 = tpu.vector_load %arg9[%swap3A_1162, %swap3A_1163] {strides = array<i32>} : memref<32x1024xf32, #tpu.memory_space<vmem>>, vector<1x16xf32>,
        %swap3A_1165 = vector.shape_cast %swap3A_1164 : vector<1x16xf32> to vector<16xf32>
        %swap3A_1166 = vector.shape_cast %add3A_1161 : vector<16xf32> to vector<1x16xf32>
        tpu.vector_store %arg9[%swap3A_1162, %swap3A_1163], %swap3A_1166 {strides = array<i32>} : memref<32x1024xf32, #tpu.memory_space<vmem>>, vector<1x16xf32>,
        %get3A_1167 = arith.index_cast %scan3A_28 : i32 to index
        %get3A_1168 = arith.constant 960 : index
        %get3A_1169 = tpu.vector_load %arg9[%get3A_1167, %get3A_1168] {strides = array<i32>} : memref<32x1024xf32, #tpu.memory_space<vmem>>, vector<1x16xf32>,
        %get3A_1170 = vector.shape_cast %get3A_1169 : vector<1x16xf32> to vector<16xf32>
        %get3A_1171 = arith.index_cast %scan3A_28 : i32 to index
        %get3A_1172 = arith.constant 960 : index
        %get3A_1173 = tpu.vector_load %arg7[%get3A_1171, %get3A_1172] {strides = array<i32>} : memref<32x1024xf32, #tpu.memory_space<vmem>>, vector<1x16xf32>,
        %get3A_1174 = vector.shape_cast %get3A_1173 : vector<1x16xf32> to vector<16xf32>
        %add3A_1175 = arith.addf %get3A_1170, %get3A_1174 : vector<16xf32>
        %get3A_1176 = arith.index_cast %scan3A_28 : i32 to index
        %get3A_1177 = arith.constant 960 : index
        %get3A_1178 = tpu.vector_load %arg8[%get3A_1176, %get3A_1177] {strides = array<i32>} : memref<32x1024xf32, #tpu.memory_space<vmem>>, vector<1x16xf32>,
        %get3A_1179 = vector.shape_cast %get3A_1178 : vector<1x16xf32> to vector<16xf32>
        %add3A_1180 = arith.addf %add3A_1175, %get3A_1179 : vector<16xf32>
        %swap3A_1181 = arith.index_cast %scan3A_28 : i32 to index
        %swap3A_1182 = arith.constant 960 : index
        %swap3A_1183 = tpu.vector_load %arg9[%swap3A_1181, %swap3A_1182] {strides = array<i32>} : memref<32x1024xf32, #tpu.memory_space<vmem>>, vector<1x16xf32>,
        %swap3A_1184 = vector.shape_cast %swap3A_1183 : vector<1x16xf32> to vector<16xf32>
        %swap3A_1185 = vector.shape_cast %add3A_1180 : vector<16xf32> to vector<1x16xf32>
        tpu.vector_store %arg9[%swap3A_1181, %swap3A_1182], %swap3A_1185 {strides = array<i32>} : memref<32x1024xf32, #tpu.memory_space<vmem>>, vector<1x16xf32>,
        %get3A_1186 = arith.index_cast %scan3A_28 : i32 to index
        %get3A_1187 = arith.constant 976 : index
        %get3A_1188 = tpu.vector_load %arg9[%get3A_1186, %get3A_1187] {strides = array<i32>} : memref<32x1024xf32, #tpu.memory_space<vmem>>, vector<1x16xf32>,
        %get3A_1189 = vector.shape_cast %get3A_1188 : vector<1x16xf32> to vector<16xf32>
        %get3A_1190 = arith.index_cast %scan3A_28 : i32 to index
        %get3A_1191 = arith.constant 976 : index
        %get3A_1192 = tpu.vector_load %arg7[%get3A_1190, %get3A_1191] {strides = array<i32>} : memref<32x1024xf32, #tpu.memory_space<vmem>>, vector<1x16xf32>,
        %get3A_1193 = vector.shape_cast %get3A_1192 : vector<1x16xf32> to vector<16xf32>
        %add3A_1194 = arith.addf %get3A_1189, %get3A_1193 : vector<16xf32>
        %get3A_1195 = arith.index_cast %scan3A_28 : i32 to index
        %get3A_1196 = arith.constant 976 : index
        %get3A_1197 = tpu.vector_load %arg8[%get3A_1195, %get3A_1196] {strides = array<i32>} : memref<32x1024xf32, #tpu.memory_space<vmem>>, vector<1x16xf32>,
        %get3A_1198 = vector.shape_cast %get3A_1197 : vector<1x16xf32> to vector<16xf32>
        %add3A_1199 = arith.addf %add3A_1194, %get3A_1198 : vector<16xf32>
        %swap3A_1200 = arith.index_cast %scan3A_28 : i32 to index
        %swap3A_1201 = arith.constant 976 : index
        %swap3A_1202 = tpu.vector_load %arg9[%swap3A_1200, %swap3A_1201] {strides = array<i32>} : memref<32x1024xf32, #tpu.memory_space<vmem>>, vector<1x16xf32>,
        %swap3A_1203 = vector.shape_cast %swap3A_1202 : vector<1x16xf32> to vector<16xf32>
        %swap3A_1204 = vector.shape_cast %add3A_1199 : vector<16xf32> to vector<1x16xf32>
        tpu.vector_store %arg9[%swap3A_1200, %swap3A_1201], %swap3A_1204 {strides = array<i32>} : memref<32x1024xf32, #tpu.memory_space<vmem>>, vector<1x16xf32>,
        %get3A_1205 = arith.index_cast %scan3A_28 : i32 to index
        %get3A_1206 = arith.constant 992 : index
        %get3A_1207 = tpu.vector_load %arg9[%get3A_1205, %get3A_1206] {strides = array<i32>} : memref<32x1024xf32, #tpu.memory_space<vmem>>, vector<1x16xf32>,
        %get3A_1208 = vector.shape_cast %get3A_1207 : vector<1x16xf32> to vector<16xf32>
        %get3A_1209 = arith.index_cast %scan3A_28 : i32 to index
        %get3A_1210 = arith.constant 992 : index
        %get3A_1211 = tpu.vector_load %arg7[%get3A_1209, %get3A_1210] {strides = array<i32>} : memref<32x1024xf32, #tpu.memory_space<vmem>>, vector<1x16xf32>,
        %get3A_1212 = vector.shape_cast %get3A_1211 : vector<1x16xf32> to vector<16xf32>
        %add3A_1213 = arith.addf %get3A_1208, %get3A_1212 : vector<16xf32>
        %get3A_1214 = arith.index_cast %scan3A_28 : i32 to index
        %get3A_1215 = arith.constant 992 : index
        %get3A_1216 = tpu.vector_load %arg8[%get3A_1214, %get3A_1215] {strides = array<i32>} : memref<32x1024xf32, #tpu.memory_space<vmem>>, vector<1x16xf32>,
        %get3A_1217 = vector.shape_cast %get3A_1216 : vector<1x16xf32> to vector<16xf32>
        %add3A_1218 = arith.addf %add3A_1213, %get3A_1217 : vector<16xf32>
        %swap3A_1219 = arith.index_cast %scan3A_28 : i32 to index
        %swap3A_1220 = arith.constant 992 : index
        %swap3A_1221 = tpu.vector_load %arg9[%swap3A_1219, %swap3A_1220] {strides = array<i32>} : memref<32x1024xf32, #tpu.memory_space<vmem>>, vector<1x16xf32>,
        %swap3A_1222 = vector.shape_cast %swap3A_1221 : vector<1x16xf32> to vector<16xf32>
        %swap3A_1223 = vector.shape_cast %add3A_1218 : vector<16xf32> to vector<1x16xf32>
        tpu.vector_store %arg9[%swap3A_1219, %swap3A_1220], %swap3A_1223 {strides = array<i32>} : memref<32x1024xf32, #tpu.memory_space<vmem>>, vector<1x16xf32>,
        %get3A_1224 = arith.index_cast %scan3A_28 : i32 to index
        %get3A_1225 = arith.constant 1008 : index
        %get3A_1226 = tpu.vector_load %arg9[%get3A_1224, %get3A_1225] {strides = array<i32>} : memref<32x1024xf32, #tpu.memory_space<vmem>>, vector<1x16xf32>,
        %get3A_1227 = vector.shape_cast %get3A_1226 : vector<1x16xf32> to vector<16xf32>
        %get3A_1228 = arith.index_cast %scan3A_28 : i32 to index
        %get3A_1229 = arith.constant 1008 : index
        %get3A_1230 = tpu.vector_load %arg7[%get3A_1228, %get3A_1229] {strides = array<i32>} : memref<32x1024xf32, #tpu.memory_space<vmem>>, vector<1x16xf32>,
        %get3A_1231 = vector.shape_cast %get3A_1230 : vector<1x16xf32> to vector<16xf32>
        %add3A_1232 = arith.addf %get3A_1227, %get3A_1231 : vector<16xf32>
        %get3A_1233 = arith.index_cast %scan3A_28 : i32 to index
        %get3A_1234 = arith.constant 1008 : index
        %get3A_1235 = tpu.vector_load %arg8[%get3A_1233, %get3A_1234] {strides = array<i32>} : memref<32x1024xf32, #tpu.memory_space<vmem>>, vector<1x16xf32>,
        %get3A_1236 = vector.shape_cast %get3A_1235 : vector<1x16xf32> to vector<16xf32>
        %add3A_1237 = arith.addf %add3A_1232, %get3A_1236 : vector<16xf32>
        %swap3A_1238 = arith.index_cast %scan3A_28 : i32 to index
        %swap3A_1239 = arith.constant 1008 : index
        %swap3A_1240 = tpu.vector_load %arg9[%swap3A_1238, %swap3A_1239] {strides = array<i32>} : memref<32x1024xf32, #tpu.memory_space<vmem>>, vector<1x16xf32>,
        %swap3A_1241 = vector.shape_cast %swap3A_1240 : vector<1x16xf32> to vector<16xf32>
        %swap3A_1242 = vector.shape_cast %add3A_1237 : vector<16xf32> to vector<1x16xf32>
        tpu.vector_store %arg9[%swap3A_1238, %swap3A_1239], %swap3A_1242 {strides = array<i32>} : memref<32x1024xf32, #tpu.memory_space<vmem>>, vector<1x16xf32>,
      }
      %scan3A_27 = arith.constant 32 : i32
      "tpu.region"() ({
        %run_scoped3A = tpu.sem_alloc : memref<!tpu.dma_semaphore, #tpu.memory_space<semaphore_mem>>
        %dma_start3A_28 = arith.constant 0 : i32
        %dma_start3A_29 = tpu.memref_slice %arg6[%add3A_11, %dma_start3A_28] : memref<2048x1024xf32, #tpu.memory_space<hbm>> -> memref<32x1024xf32, #tpu.memory_space<hbm>>
        %dma_start3A_30 = arith.constant 0 : i32
        %dma_start3A_31 = tpu.memref_slice %arg6[%add3A_11, %dma_start3A_30] : memref<2048x1024xf32, #tpu.memory_space<hbm>> -> memref<32x1024xf32, #tpu.memory_space<hbm>>
        tpu.enqueue_dma source(%arg9 : memref<32x1024xf32, #tpu.memory_space<vmem>>) target(%dma_start3A_31 : memref<32x1024xf32, #tpu.memory_space<hbm>>) target_semaphore(%run_scoped3A : memref<!tpu.dma_semaphore, #tpu.memory_space<semaphore_mem>>)
        %dma_wait3A_32 = arith.constant 0 : i32
        %dma_wait3A_33 = tpu.memref_slice %arg6[%add3A_11, %dma_wait3A_32] : memref<2048x1024xf32, #tpu.memory_space<hbm>> -> memref<32x1024xf32, #tpu.memory_space<hbm>>
        %dma_wait3A_34 = arith.constant 0 : i32
        %dma_wait3A_35 = tpu.memref_slice %arg6[%add3A_11, %dma_wait3A_34] : memref<2048x1024xf32, #tpu.memory_space<hbm>> -> memref<32x1024xf32, #tpu.memory_space<hbm>>
        tpu.wait_dma2 semaphore(%run_scoped3A : memref<!tpu.dma_semaphore, #tpu.memory_space<semaphore_mem>>) src(%arg9 : memref<32x1024xf32, #tpu.memory_space<vmem>>) dst(%dma_wait3A_35 : memref<32x1024xf32, #tpu.memory_space<hbm>>)
        tpu.yield
      }) : () -> ()
    }
    %scan3A_7 = arith.constant 2 : i32
    return
  }
}

#map = affine_map<(d0, d1) -> (0, 0)>
#map1 = affine_map<(d0, d1) -> (0)>
module attributes {stable_mosaic.version = 14 : i64} {
  func.func @dispatch(%arg0: i32, %arg1: i32, %arg2: memref<2048x1024xf32, #tpu.memory_space<hbm>>, %arg3: memref<2048xi32, #tpu.memory_space<hbm>>, %arg4: memref<2048xi32, #tpu.memory_space<hbm>>, %arg5: memref<2048x128xf32, #tpu.memory_space<hbm>>, %arg6: memref<2048x128xf32, #tpu.memory_space<hbm>>, %arg7: memref<8192x1024xf32, #tpu.memory_space<hbm>>, %arg8: memref<8192x128xf32, #tpu.memory_space<hbm>>, %arg9: memref<64x1024xf32, #tpu.memory_space<vmem>>, %arg10: memref<64x128xf32, #tpu.memory_space<vmem>>, %arg11: memref<64x128xf32, #tpu.memory_space<vmem>>, %arg12: memref<64xi32, #tpu.memory_space<vmem>>, %arg13: memref<64xi32, #tpu.memory_space<vmem>>, %arg14: memref<!tpu.dma_semaphore, #tpu.memory_space<semaphore_mem>>) attributes {dimension_semantics = [#tpu.dimension_semantics<core_parallel>, #tpu.dimension_semantics<subcore_parallel>], iteration_bounds = array<i64: 2, 16>, scalar_prefetch = 0 : i64, scratch_operands = 6 : i64, tpu.core_type = #tpu.core_type<sc_vector_subcore>, window_params = [{transform_indices = #map}, {transform_indices = #map1}, {transform_indices = #map1}, {transform_indices = #map}, {transform_indices = #map}, {transform_indices = #map}, {transform_indices = #map}]} {
    %mul3A = arith.constant 2 : i32
    %mul3A_0 = arith.muli %arg1, %mul3A : i32
    %add3A = arith.addi %mul3A_0, %arg0 : i32
    %mul3A_1 = arith.constant 64 : i32
    %mul3A_2 = arith.muli %add3A, %mul3A_1 : i32
    "tpu.region"() ({
      %run_scoped3A = tpu.sem_alloc : memref<!tpu.dma_semaphore, #tpu.memory_space<semaphore_mem>>
      %dma_start3A_25 = arith.constant 0 : i32
      %dma_start3A_26 = tpu.memref_slice %arg2[%mul3A_2, %dma_start3A_25] : memref<2048x1024xf32, #tpu.memory_space<hbm>> -> memref<64x1024xf32, #tpu.memory_space<hbm>>
      %dma_start3A_27 = arith.constant 0 : i32
      %dma_start3A_28 = tpu.memref_slice %arg2[%mul3A_2, %dma_start3A_27] : memref<2048x1024xf32, #tpu.memory_space<hbm>> -> memref<64x1024xf32, #tpu.memory_space<hbm>>
      tpu.enqueue_dma source(%dma_start3A_28 : memref<64x1024xf32, #tpu.memory_space<hbm>>) target(%arg9 : memref<64x1024xf32, #tpu.memory_space<vmem>>) target_semaphore(%run_scoped3A : memref<!tpu.dma_semaphore, #tpu.memory_space<semaphore_mem>>)
      %dma_wait3A_29 = arith.constant 0 : i32
      %dma_wait3A_30 = tpu.memref_slice %arg2[%mul3A_2, %dma_wait3A_29] : memref<2048x1024xf32, #tpu.memory_space<hbm>> -> memref<64x1024xf32, #tpu.memory_space<hbm>>
      %dma_wait3A_31 = arith.constant 0 : i32
      %dma_wait3A_32 = tpu.memref_slice %arg2[%mul3A_2, %dma_wait3A_31] : memref<2048x1024xf32, #tpu.memory_space<hbm>> -> memref<64x1024xf32, #tpu.memory_space<hbm>>
      tpu.wait_dma2 semaphore(%run_scoped3A : memref<!tpu.dma_semaphore, #tpu.memory_space<semaphore_mem>>) src(%dma_wait3A_32 : memref<64x1024xf32, #tpu.memory_space<hbm>>) dst(%arg9 : memref<64x1024xf32, #tpu.memory_space<vmem>>)
      tpu.yield
    }) : () -> ()
    "tpu.region"() ({
      %run_scoped3A = tpu.sem_alloc : memref<!tpu.dma_semaphore, #tpu.memory_space<semaphore_mem>>
      %dma_start3A_25 = tpu.memref_slice %arg3[%mul3A_2] : memref<2048xi32, #tpu.memory_space<hbm>> -> memref<64xi32, #tpu.memory_space<hbm>>
      %dma_start3A_26 = tpu.memref_slice %arg3[%mul3A_2] : memref<2048xi32, #tpu.memory_space<hbm>> -> memref<64xi32, #tpu.memory_space<hbm>>
      tpu.enqueue_dma source(%dma_start3A_26 : memref<64xi32, #tpu.memory_space<hbm>>) target(%arg12 : memref<64xi32, #tpu.memory_space<vmem>>) target_semaphore(%run_scoped3A : memref<!tpu.dma_semaphore, #tpu.memory_space<semaphore_mem>>)
      %dma_wait3A_27 = tpu.memref_slice %arg3[%mul3A_2] : memref<2048xi32, #tpu.memory_space<hbm>> -> memref<64xi32, #tpu.memory_space<hbm>>
      %dma_wait3A_28 = tpu.memref_slice %arg3[%mul3A_2] : memref<2048xi32, #tpu.memory_space<hbm>> -> memref<64xi32, #tpu.memory_space<hbm>>
      tpu.wait_dma2 semaphore(%run_scoped3A : memref<!tpu.dma_semaphore, #tpu.memory_space<semaphore_mem>>) src(%dma_wait3A_28 : memref<64xi32, #tpu.memory_space<hbm>>) dst(%arg12 : memref<64xi32, #tpu.memory_space<vmem>>)
      tpu.yield
    }) : () -> ()
    "tpu.region"() ({
      %run_scoped3A = tpu.sem_alloc : memref<!tpu.dma_semaphore, #tpu.memory_space<semaphore_mem>>
      %dma_start3A_25 = tpu.memref_slice %arg4[%mul3A_2] : memref<2048xi32, #tpu.memory_space<hbm>> -> memref<64xi32, #tpu.memory_space<hbm>>
      %dma_start3A_26 = tpu.memref_slice %arg4[%mul3A_2] : memref<2048xi32, #tpu.memory_space<hbm>> -> memref<64xi32, #tpu.memory_space<hbm>>
      tpu.enqueue_dma source(%dma_start3A_26 : memref<64xi32, #tpu.memory_space<hbm>>) target(%arg13 : memref<64xi32, #tpu.memory_space<vmem>>) target_semaphore(%run_scoped3A : memref<!tpu.dma_semaphore, #tpu.memory_space<semaphore_mem>>)
      %dma_wait3A_27 = tpu.memref_slice %arg4[%mul3A_2] : memref<2048xi32, #tpu.memory_space<hbm>> -> memref<64xi32, #tpu.memory_space<hbm>>
      %dma_wait3A_28 = tpu.memref_slice %arg4[%mul3A_2] : memref<2048xi32, #tpu.memory_space<hbm>> -> memref<64xi32, #tpu.memory_space<hbm>>
      tpu.wait_dma2 semaphore(%run_scoped3A : memref<!tpu.dma_semaphore, #tpu.memory_space<semaphore_mem>>) src(%dma_wait3A_28 : memref<64xi32, #tpu.memory_space<hbm>>) dst(%arg13 : memref<64xi32, #tpu.memory_space<vmem>>)
      tpu.yield
    }) : () -> ()
    "tpu.region"() ({
      %run_scoped3A = tpu.sem_alloc : memref<!tpu.dma_semaphore, #tpu.memory_space<semaphore_mem>>
      %dma_start3A_25 = arith.constant 0 : i32
      %dma_start3A_26 = tpu.memref_slice %arg5[%mul3A_2, %dma_start3A_25] : memref<2048x128xf32, #tpu.memory_space<hbm>> -> memref<64x128xf32, #tpu.memory_space<hbm>>
      %dma_start3A_27 = arith.constant 0 : i32
      %dma_start3A_28 = tpu.memref_slice %arg5[%mul3A_2, %dma_start3A_27] : memref<2048x128xf32, #tpu.memory_space<hbm>> -> memref<64x128xf32, #tpu.memory_space<hbm>>
      tpu.enqueue_dma source(%dma_start3A_28 : memref<64x128xf32, #tpu.memory_space<hbm>>) target(%arg10 : memref<64x128xf32, #tpu.memory_space<vmem>>) target_semaphore(%run_scoped3A : memref<!tpu.dma_semaphore, #tpu.memory_space<semaphore_mem>>)
      %dma_wait3A_29 = arith.constant 0 : i32
      %dma_wait3A_30 = tpu.memref_slice %arg5[%mul3A_2, %dma_wait3A_29] : memref<2048x128xf32, #tpu.memory_space<hbm>> -> memref<64x128xf32, #tpu.memory_space<hbm>>
      %dma_wait3A_31 = arith.constant 0 : i32
      %dma_wait3A_32 = tpu.memref_slice %arg5[%mul3A_2, %dma_wait3A_31] : memref<2048x128xf32, #tpu.memory_space<hbm>> -> memref<64x128xf32, #tpu.memory_space<hbm>>
      tpu.wait_dma2 semaphore(%run_scoped3A : memref<!tpu.dma_semaphore, #tpu.memory_space<semaphore_mem>>) src(%dma_wait3A_32 : memref<64x128xf32, #tpu.memory_space<hbm>>) dst(%arg10 : memref<64x128xf32, #tpu.memory_space<vmem>>)
      tpu.yield
    }) : () -> ()
    "tpu.region"() ({
      %run_scoped3A = tpu.sem_alloc : memref<!tpu.dma_semaphore, #tpu.memory_space<semaphore_mem>>
      %dma_start3A_25 = arith.constant 0 : i32
      %dma_start3A_26 = tpu.memref_slice %arg6[%mul3A_2, %dma_start3A_25] : memref<2048x128xf32, #tpu.memory_space<hbm>> -> memref<64x128xf32, #tpu.memory_space<hbm>>
      %dma_start3A_27 = arith.constant 0 : i32
      %dma_start3A_28 = tpu.memref_slice %arg6[%mul3A_2, %dma_start3A_27] : memref<2048x128xf32, #tpu.memory_space<hbm>> -> memref<64x128xf32, #tpu.memory_space<hbm>>
      tpu.enqueue_dma source(%dma_start3A_28 : memref<64x128xf32, #tpu.memory_space<hbm>>) target(%arg11 : memref<64x128xf32, #tpu.memory_space<vmem>>) target_semaphore(%run_scoped3A : memref<!tpu.dma_semaphore, #tpu.memory_space<semaphore_mem>>)
      %dma_wait3A_29 = arith.constant 0 : i32
      %dma_wait3A_30 = tpu.memref_slice %arg6[%mul3A_2, %dma_wait3A_29] : memref<2048x128xf32, #tpu.memory_space<hbm>> -> memref<64x128xf32, #tpu.memory_space<hbm>>
      %dma_wait3A_31 = arith.constant 0 : i32
      %dma_wait3A_32 = tpu.memref_slice %arg6[%mul3A_2, %dma_wait3A_31] : memref<2048x128xf32, #tpu.memory_space<hbm>> -> memref<64x128xf32, #tpu.memory_space<hbm>>
      tpu.wait_dma2 semaphore(%run_scoped3A : memref<!tpu.dma_semaphore, #tpu.memory_space<semaphore_mem>>) src(%dma_wait3A_32 : memref<64x128xf32, #tpu.memory_space<hbm>>) dst(%arg11 : memref<64x128xf32, #tpu.memory_space<vmem>>)
      tpu.yield
    }) : () -> ()
    %dma_start3A = arith.constant 0 : i32
    %dma_start3A_3 = arith.constant 0 : i32
    %dma_start3A_4 = tpu.memref_slice %arg7[%dma_start3A, %dma_start3A_3] : memref<8192x1024xf32, #tpu.memory_space<hbm>> -> memref<8192x1024xf32, #tpu.memory_space<hbm>>
    tpu.enqueue_indirect_dma source(%arg9 : memref<64x1024xf32, #tpu.memory_space<vmem>>) target(%dma_start3A_4 : memref<8192x1024xf32, #tpu.memory_space<hbm>>) offsets(%arg12 : memref<64xi32, #tpu.memory_space<vmem>>) semaphore(%arg14 : memref<!tpu.dma_semaphore, #tpu.memory_space<semaphore_mem>>)
    %dma_start3A_5 = arith.constant 0 : i32
    %dma_start3A_6 = arith.constant 0 : i32
    %dma_start3A_7 = tpu.memref_slice %arg7[%dma_start3A_5, %dma_start3A_6] : memref<8192x1024xf32, #tpu.memory_space<hbm>> -> memref<8192x1024xf32, #tpu.memory_space<hbm>>
    tpu.enqueue_indirect_dma source(%arg9 : memref<64x1024xf32, #tpu.memory_space<vmem>>) target(%dma_start3A_7 : memref<8192x1024xf32, #tpu.memory_space<hbm>>) offsets(%arg13 : memref<64xi32, #tpu.memory_space<vmem>>) semaphore(%arg14 : memref<!tpu.dma_semaphore, #tpu.memory_space<semaphore_mem>>)
    %dma_start3A_8 = arith.constant 0 : i32
    %dma_start3A_9 = arith.constant 0 : i32
    %dma_start3A_10 = tpu.memref_slice %arg8[%dma_start3A_8, %dma_start3A_9] : memref<8192x128xf32, #tpu.memory_space<hbm>> -> memref<8192x128xf32, #tpu.memory_space<hbm>>
    tpu.enqueue_indirect_dma source(%arg10 : memref<64x128xf32, #tpu.memory_space<vmem>>) target(%dma_start3A_10 : memref<8192x128xf32, #tpu.memory_space<hbm>>) offsets(%arg12 : memref<64xi32, #tpu.memory_space<vmem>>) semaphore(%arg14 : memref<!tpu.dma_semaphore, #tpu.memory_space<semaphore_mem>>)
    %dma_start3A_11 = arith.constant 0 : i32
    %dma_start3A_12 = arith.constant 0 : i32
    %dma_start3A_13 = tpu.memref_slice %arg8[%dma_start3A_11, %dma_start3A_12] : memref<8192x128xf32, #tpu.memory_space<hbm>> -> memref<8192x128xf32, #tpu.memory_space<hbm>>
    tpu.enqueue_indirect_dma source(%arg11 : memref<64x128xf32, #tpu.memory_space<vmem>>) target(%dma_start3A_13 : memref<8192x128xf32, #tpu.memory_space<hbm>>) offsets(%arg13 : memref<64xi32, #tpu.memory_space<vmem>>) semaphore(%arg14 : memref<!tpu.dma_semaphore, #tpu.memory_space<semaphore_mem>>)
    %dma_wait3A = arith.constant 0 : i32
    %dma_wait3A_14 = arith.constant 0 : i32
    %dma_wait3A_15 = tpu.memref_slice %arg7[%dma_wait3A, %dma_wait3A_14] : memref<8192x1024xf32, #tpu.memory_space<hbm>> -> memref<8192x1024xf32, #tpu.memory_space<hbm>>
    tpu.wait_indirect_dma semaphore(%arg14 : memref<!tpu.dma_semaphore, #tpu.memory_space<semaphore_mem>>) src(%arg9 : memref<64x1024xf32, #tpu.memory_space<vmem>>) dst(%dma_wait3A_15 : memref<8192x1024xf32, #tpu.memory_space<hbm>>)
    %dma_wait3A_16 = arith.constant 0 : i32
    %dma_wait3A_17 = arith.constant 0 : i32
    %dma_wait3A_18 = tpu.memref_slice %arg7[%dma_wait3A_16, %dma_wait3A_17] : memref<8192x1024xf32, #tpu.memory_space<hbm>> -> memref<8192x1024xf32, #tpu.memory_space<hbm>>
    tpu.wait_indirect_dma semaphore(%arg14 : memref<!tpu.dma_semaphore, #tpu.memory_space<semaphore_mem>>) src(%arg9 : memref<64x1024xf32, #tpu.memory_space<vmem>>) dst(%dma_wait3A_18 : memref<8192x1024xf32, #tpu.memory_space<hbm>>)
    %dma_wait3A_19 = arith.constant 0 : i32
    %dma_wait3A_20 = arith.constant 0 : i32
    %dma_wait3A_21 = tpu.memref_slice %arg8[%dma_wait3A_19, %dma_wait3A_20] : memref<8192x128xf32, #tpu.memory_space<hbm>> -> memref<8192x128xf32, #tpu.memory_space<hbm>>
    tpu.wait_indirect_dma semaphore(%arg14 : memref<!tpu.dma_semaphore, #tpu.memory_space<semaphore_mem>>) src(%arg10 : memref<64x128xf32, #tpu.memory_space<vmem>>) dst(%dma_wait3A_21 : memref<8192x128xf32, #tpu.memory_space<hbm>>)
    %dma_wait3A_22 = arith.constant 0 : i32
    %dma_wait3A_23 = arith.constant 0 : i32
    %dma_wait3A_24 = tpu.memref_slice %arg8[%dma_wait3A_22, %dma_wait3A_23] : memref<8192x128xf32, #tpu.memory_space<hbm>> -> memref<8192x128xf32, #tpu.memory_space<hbm>>
    tpu.wait_indirect_dma semaphore(%arg14 : memref<!tpu.dma_semaphore, #tpu.memory_space<semaphore_mem>>) src(%arg11 : memref<64x128xf32, #tpu.memory_space<vmem>>) dst(%dma_wait3A_24 : memref<8192x128xf32, #tpu.memory_space<hbm>>)
    return
  }
}

module attributes {stable_mosaic.version = 14 : i64} {
  func.func @_router_shared_body(%arg0: i32, %arg1: memref<256x1024xbf16, #tpu.memory_space<vmem>>, %arg2: memref<8x1024xbf16, #tpu.memory_space<vmem>>, %arg3: memref<512x1024xbf16, #tpu.memory_space<vmem>>, %arg4: memref<512x1024xbf16, #tpu.memory_space<vmem>>, %arg5: memref<1024x512xbf16, #tpu.memory_space<vmem>>, %arg6: memref<1x1024xbf16, #tpu.memory_space<vmem>>, %arg7: memref<256x1024xf32, #tpu.memory_space<vmem>>, %arg8: memref<256x8xf32, #tpu.memory_space<vmem>>) attributes {dimension_semantics = [#tpu.dimension_semantics<arbitrary>], iteration_bounds = array<i64: 8>, scalar_prefetch = 0 : i64, scratch_operands = 0 : i64, tpu.core_type = #tpu.core_type<tc>, window_params = [{transform_indices = @transform_0, window_bounds = array<i64: 256, 1024>}, {pipeline_mode = #tpu.pipeline_mode<synchronous>, transform_indices = @transform_1, window_bounds = array<i64: 8, 1024>}, {pipeline_mode = #tpu.pipeline_mode<synchronous>, transform_indices = @transform_2, window_bounds = array<i64: 512, 1024>}, {pipeline_mode = #tpu.pipeline_mode<synchronous>, transform_indices = @transform_3, window_bounds = array<i64: 512, 1024>}, {pipeline_mode = #tpu.pipeline_mode<synchronous>, transform_indices = @transform_4, window_bounds = array<i64: 1024, 512>}, {pipeline_mode = #tpu.pipeline_mode<synchronous>, transform_indices = @transform_5, window_bounds = array<i64: 1, 1024>}, {transform_indices = @transform_6, window_bounds = array<i64: 256, 1024>}, {transform_indices = @transform_7, window_bounds = array<i64: 256, 8>}]} {
    %get3A = arith.constant 0 : index
    %get3A_0 = arith.constant 0 : index
    %get3A_1 = vector.load %arg1[%get3A, %get3A_0] : memref<256x1024xbf16, #tpu.memory_space<vmem>>, vector<256x1024xbf16>
    %get3A_2 = arith.constant 0 : index
    %get3A_3 = arith.constant 0 : index
    %get3A_4 = vector.load %arg2[%get3A_2, %get3A_3] : memref<8x1024xbf16, #tpu.memory_space<vmem>>, vector<8x1024xbf16>
    %dot_general3A = arith.constant dense<0.000000e+00> : vector<256x8xf32>
    %dot_general3A_5 = tpu.matmul %get3A_1, %get3A_4, %dot_general3A {dimension_numbers = #tpu.dot_dimension_numbers<[1], [1], [0], [0], [0, 0, 1, 0], [], []>, transpose_lhs_hint = false} : vector<256x1024xbf16>, vector<8x1024xbf16>, vector<256x8xf32> -> vector<256x8xf32>
    %reduce_max3A = arith.constant dense<0xFF800000> : vector<256xf32>
    %reduce_max3A_6 = vector.multi_reduction <maximumf>, %dot_general3A_5, %reduce_max3A [1] : vector<256x8xf32> to vector<256xf32>
    %broadcast_in_dim3A = vector.shape_cast %reduce_max3A_6 : vector<256xf32> to vector<256x1xf32>
    %sub3A = vector.broadcast %broadcast_in_dim3A : vector<256x1xf32> to vector<256x8xf32>
    %sub3A_7 = arith.subf %dot_general3A_5, %sub3A : vector<256x8xf32>
    %exp3A = math.exp %sub3A_7 : vector<256x8xf32>
    %reduce_sum3A = arith.constant dense<0.000000e+00> : vector<256xf32>
    %reduce_sum3A_8 = vector.multi_reduction <add>, %exp3A, %reduce_sum3A [1] : vector<256x8xf32> to vector<256xf32>
    %broadcast_in_dim3A_9 = vector.shape_cast %reduce_sum3A_8 : vector<256xf32> to vector<256x1xf32>
    %div3A = vector.broadcast %broadcast_in_dim3A_9 : vector<256x1xf32> to vector<256x8xf32>
    %div3A_10 = arith.divf %exp3A, %div3A : vector<256x8xf32>
    %iota3A = tpu.iota {dimensions = array<i32: 1>} : vector<256x8xi32>
    %convert_element_type3A = arith.sitofp %iota3A : vector<256x8xi32> to vector<256x8xf32>
    %reduce_max3A_11 = arith.constant dense<0xFF800000> : vector<256xf32>
    %reduce_max3A_12 = vector.multi_reduction <maximumf>, %div3A_10, %reduce_max3A_11 [1] : vector<256x8xf32> to vector<256xf32>
    %broadcast_in_dim3A_13 = vector.shape_cast %reduce_max3A_12 : vector<256xf32> to vector<256x1xf32>
    %eq3A = vector.broadcast %broadcast_in_dim3A_13 : vector<256x1xf32> to vector<256x8xf32>
    %eq3A_14 = arith.cmpf oeq, %div3A_10, %eq3A : vector<256x8xf32>
    %jit3A = arith.constant 1.000000e+09 : f32
    %broadcast_in_dim3A_15 = vector.broadcast %jit3A : f32 to vector<256x8xf32>
    %select_n3A = arith.select %eq3A_14, %convert_element_type3A, %broadcast_in_dim3A_15 : vector<256x8xi1>, vector<256x8xf32>
    %reduce_min3A = arith.constant dense<0x7F800000> : vector<256xf32>
    %reduce_min3A_16 = vector.multi_reduction <minimumf>, %select_n3A, %reduce_min3A [1] : vector<256x8xf32> to vector<256xf32>
    %broadcast_in_dim3A_17 = vector.shape_cast %reduce_min3A_16 : vector<256xf32> to vector<256x1xf32>
    %eq3A_18 = vector.broadcast %broadcast_in_dim3A_17 : vector<256x1xf32> to vector<256x8xf32>
    %eq3A_19 = arith.cmpf oeq, %convert_element_type3A, %eq3A_18 : vector<256x8xf32>
    %jit3A_20 = arith.constant -1.000000e+30 : f32
    %broadcast_in_dim3A_21 = vector.broadcast %jit3A_20 : f32 to vector<256x8xf32>
    %select_n3A_22 = arith.select %eq3A_19, %broadcast_in_dim3A_21, %div3A_10 : vector<256x8xi1>, vector<256x8xf32>
    %reduce_max3A_23 = arith.constant dense<0xFF800000> : vector<256xf32>
    %reduce_max3A_24 = vector.multi_reduction <maximumf>, %select_n3A_22, %reduce_max3A_23 [1] : vector<256x8xf32> to vector<256xf32>
    %broadcast_in_dim3A_25 = vector.shape_cast %reduce_max3A_24 : vector<256xf32> to vector<256x1xf32>
    %eq3A_26 = vector.broadcast %broadcast_in_dim3A_25 : vector<256x1xf32> to vector<256x8xf32>
    %eq3A_27 = arith.cmpf oeq, %select_n3A_22, %eq3A_26 : vector<256x8xf32>
    %jit3A_28 = arith.constant 1.000000e+09 : f32
    %broadcast_in_dim3A_29 = vector.broadcast %jit3A_28 : f32 to vector<256x8xf32>
    %select_n3A_30 = arith.select %eq3A_27, %convert_element_type3A, %broadcast_in_dim3A_29 : vector<256x8xi1>, vector<256x8xf32>
    %reduce_min3A_31 = arith.constant dense<0x7F800000> : vector<256xf32>
    %reduce_min3A_32 = vector.multi_reduction <minimumf>, %select_n3A_30, %reduce_min3A_31 [1] : vector<256x8xf32> to vector<256xf32>
    %broadcast_in_dim3A_33 = vector.shape_cast %reduce_min3A_32 : vector<256xf32> to vector<256x1xf32>
    %add3A = arith.addf %broadcast_in_dim3A_13, %broadcast_in_dim3A_25 : vector<256x1xf32>
    %swap3A = arith.constant 0 : index
    %swap3A_34 = arith.constant 0 : index
    %swap3A_35 = vector.load %arg8[%swap3A, %swap3A_34] : memref<256x8xf32, #tpu.memory_space<vmem>>, vector<256x1xf32>
    tpu.vector_store %arg8[%swap3A, %swap3A_34], %broadcast_in_dim3A_17 {strides = array<i32>} : memref<256x8xf32, #tpu.memory_space<vmem>>, vector<256x1xf32>,
    %swap3A_36 = arith.constant 0 : index
    %swap3A_37 = arith.constant 1 : index
    %swap3A_38 = vector.load %arg8[%swap3A_36, %swap3A_37] : memref<256x8xf32, #tpu.memory_space<vmem>>, vector<256x1xf32>
    tpu.vector_store %arg8[%swap3A_36, %swap3A_37], %broadcast_in_dim3A_33 {strides = array<i32>} : memref<256x8xf32, #tpu.memory_space<vmem>>, vector<256x1xf32>,
    %div3A_39 = arith.divf %broadcast_in_dim3A_13, %add3A : vector<256x1xf32>
    %swap3A_40 = arith.constant 0 : index
    %swap3A_41 = arith.constant 2 : index
    %swap3A_42 = vector.load %arg8[%swap3A_40, %swap3A_41] : memref<256x8xf32, #tpu.memory_space<vmem>>, vector<256x1xf32>
    tpu.vector_store %arg8[%swap3A_40, %swap3A_41], %div3A_39 {strides = array<i32>} : memref<256x8xf32, #tpu.memory_space<vmem>>, vector<256x1xf32>,
    %div3A_43 = arith.divf %broadcast_in_dim3A_25, %add3A : vector<256x1xf32>
    %swap3A_44 = arith.constant 0 : index
    %swap3A_45 = arith.constant 3 : index
    %swap3A_46 = vector.load %arg8[%swap3A_44, %swap3A_45] : memref<256x8xf32, #tpu.memory_space<vmem>>, vector<256x1xf32>
    tpu.vector_store %arg8[%swap3A_44, %swap3A_45], %div3A_43 {strides = array<i32>} : memref<256x8xf32, #tpu.memory_space<vmem>>, vector<256x1xf32>,
    %get3A_47 = arith.constant 0 : index
    %get3A_48 = arith.constant 0 : index
    %get3A_49 = vector.load %arg3[%get3A_47, %get3A_48] : memref<512x1024xbf16, #tpu.memory_space<vmem>>, vector<512x1024xbf16>
    %dot_general3A_50 = arith.constant dense<0.000000e+00> : vector<256x512xf32>
    %dot_general3A_51 = tpu.matmul %get3A_1, %get3A_49, %dot_general3A_50 {dimension_numbers = #tpu.dot_dimension_numbers<[1], [1], [0], [0], [0, 0, 1, 0], [], []>, transpose_lhs_hint = false} : vector<256x1024xbf16>, vector<512x1024xbf16>, vector<256x512xf32> -> vector<256x512xf32>
    %get3A_52 = arith.constant 0 : index
    %get3A_53 = arith.constant 0 : index
    %get3A_54 = vector.load %arg4[%get3A_52, %get3A_53] : memref<512x1024xbf16, #tpu.memory_space<vmem>>, vector<512x1024xbf16>
    %dot_general3A_55 = arith.constant dense<0.000000e+00> : vector<256x512xf32>
    %dot_general3A_56 = tpu.matmul %get3A_1, %get3A_54, %dot_general3A_55 {dimension_numbers = #tpu.dot_dimension_numbers<[1], [1], [0], [0], [0, 0, 1, 0], [], []>, transpose_lhs_hint = false} : vector<256x1024xbf16>, vector<512x1024xbf16>, vector<256x512xf32> -> vector<256x512xf32>
    %logistic3A = arith.negf %dot_general3A_51 : vector<256x512xf32>
    %logistic3A_57 = math.exp %logistic3A : vector<256x512xf32>
    %logistic3A_58 = arith.constant 1.000000e+00 : f32
    %logistic3A_59 = vector.broadcast %logistic3A_58 : f32 to vector<256x512xf32>
    %logistic3A_60 = arith.addf %logistic3A_59, %logistic3A_57 : vector<256x512xf32>
    %logistic3A_61 = arith.divf %logistic3A_59, %logistic3A_60 : vector<256x512xf32>
    %mul3A = arith.mulf %dot_general3A_51, %logistic3A_61 : vector<256x512xf32>
    %mul3A_62 = arith.mulf %mul3A, %dot_general3A_56 : vector<256x512xf32>
    %convert_element_type3A_63 = arith.truncf %mul3A_62 : vector<256x512xf32> to vector<256x512xbf16>
    %get3A_64 = arith.constant 0 : index
    %get3A_65 = arith.constant 0 : index
    %get3A_66 = vector.load %arg5[%get3A_64, %get3A_65] : memref<1024x512xbf16, #tpu.memory_space<vmem>>, vector<1024x512xbf16>
    %dot_general3A_67 = arith.constant dense<0.000000e+00> : vector<256x1024xf32>
    %dot_general3A_68 = tpu.matmul %convert_element_type3A_63, %get3A_66, %dot_general3A_67 {dimension_numbers = #tpu.dot_dimension_numbers<[1], [1], [0], [0], [0, 0, 1, 0], [], []>, transpose_lhs_hint = false} : vector<256x512xbf16>, vector<1024x512xbf16>, vector<256x1024xf32> -> vector<256x1024xf32>
    %convert_element_type3A_69 = arith.extf %get3A_1 : vector<256x1024xbf16> to vector<256x1024xf32>
    %get3A_70 = arith.constant 0 : index
    %get3A_71 = arith.constant 0 : index
    %get3A_72 = vector.load %arg6[%get3A_70, %get3A_71] : memref<1x1024xbf16, #tpu.memory_space<vmem>>, vector<1x1024xbf16>
    %convert_element_type3A_73 = arith.extf %get3A_72 : vector<1x1024xbf16> to vector<1x1024xf32>
    %mul3A_74 = vector.broadcast %convert_element_type3A_73 : vector<1x1024xf32> to vector<256x1024xf32>
    %mul3A_75 = arith.mulf %convert_element_type3A_69, %mul3A_74 : vector<256x1024xf32>
    %reduce_sum3A_76 = arith.constant dense<0.000000e+00> : vector<256xf32>
    %reduce_sum3A_77 = vector.multi_reduction <add>, %mul3A_75, %reduce_sum3A_76 [1] : vector<256x1024xf32> to vector<256xf32>
    %broadcast_in_dim3A_78 = vector.shape_cast %reduce_sum3A_77 : vector<256xf32> to vector<256x1xf32>
    %logistic3A_79 = arith.negf %broadcast_in_dim3A_78 : vector<256x1xf32>
    %logistic3A_80 = math.exp %logistic3A_79 : vector<256x1xf32>
    %logistic3A_81 = arith.constant 1.000000e+00 : f32
    %logistic3A_82 = vector.broadcast %logistic3A_81 : f32 to vector<256x1xf32>
    %logistic3A_83 = arith.addf %logistic3A_82, %logistic3A_80 : vector<256x1xf32>
    %logistic3A_84 = arith.divf %logistic3A_82, %logistic3A_83 : vector<256x1xf32>
    %mul3A_85 = vector.broadcast %logistic3A_84 : vector<256x1xf32> to vector<256x1024xf32>
    %mul3A_86 = arith.mulf %mul3A_85, %dot_general3A_68 : vector<256x1024xf32>
    %swap3A_87 = arith.constant 0 : index
    %swap3A_88 = arith.constant 0 : index
    %swap3A_89 = vector.load %arg7[%swap3A_87, %swap3A_88] : memref<256x1024xf32, #tpu.memory_space<vmem>>, vector<256x1024xf32>
    tpu.vector_store %arg7[%swap3A_87, %swap3A_88], %mul3A_86 {strides = array<i32>} : memref<256x1024xf32, #tpu.memory_space<vmem>>, vector<256x1024xf32>,
    return
  }
  func.func @transform_0(%arg0: i32) -> (i32, i32) {
    %c0_i32 = arith.constant 0 : i32
    %c0_i32_0 = arith.constant 0 : i32
    return %arg0, %c0_i32 : i32, i32
  }
  func.func @transform_1(%arg0: i32) -> (i32, i32) {
    %c0_i32 = arith.constant 0 : i32
    %c0_i32_0 = arith.constant 0 : i32
    %c0_i32_1 = arith.constant 0 : i32
    return %c0_i32, %c0_i32_0 : i32, i32
  }
  func.func @transform_2(%arg0: i32) -> (i32, i32) {
    %c0_i32 = arith.constant 0 : i32
    %c0_i32_0 = arith.constant 0 : i32
    %c0_i32_1 = arith.constant 0 : i32
    return %c0_i32, %c0_i32_0 : i32, i32
  }
  func.func @transform_3(%arg0: i32) -> (i32, i32) {
    %c0_i32 = arith.constant 0 : i32
    %c0_i32_0 = arith.constant 0 : i32
    %c0_i32_1 = arith.constant 0 : i32
    return %c0_i32, %c0_i32_0 : i32, i32
  }
  func.func @transform_4(%arg0: i32) -> (i32, i32) {
    %c0_i32 = arith.constant 0 : i32
    %c0_i32_0 = arith.constant 0 : i32
    %c0_i32_1 = arith.constant 0 : i32
    return %c0_i32, %c0_i32_0 : i32, i32
  }
  func.func @transform_5(%arg0: i32) -> (i32, i32) {
    %c0_i32 = arith.constant 0 : i32
    %c0_i32_0 = arith.constant 0 : i32
    %c0_i32_1 = arith.constant 0 : i32
    return %c0_i32, %c0_i32_0 : i32, i32
  }
  func.func @transform_6(%arg0: i32) -> (i32, i32) {
    %c0_i32 = arith.constant 0 : i32
    %c0_i32_0 = arith.constant 0 : i32
    return %arg0, %c0_i32 : i32, i32
  }
  func.func @transform_7(%arg0: i32) -> (i32, i32) {
    %c0_i32 = arith.constant 0 : i32
    %c0_i32_0 = arith.constant 0 : i32
    return %arg0, %c0_i32 : i32, i32
  }
}

module attributes {stable_mosaic.version = 14 : i64} {
  func.func @_ffn_body(%arg0: i32, %arg1: memref<16xi32, #tpu.memory_space<smem>>, %arg2: memref<16xi32, #tpu.memory_space<smem>>, %arg3: memref<512x1024xf32, #tpu.memory_space<vmem>>, %arg4: memref<512x128xf32, #tpu.memory_space<vmem>>, %arg5: memref<1x512x1024xf32, #tpu.memory_space<vmem>>, %arg6: memref<1x512x1024xf32, #tpu.memory_space<vmem>>, %arg7: memref<1x1024x512xf32, #tpu.memory_space<vmem>>, %arg8: memref<8x4x1024xf32, #tpu.memory_space<vmem>>, %arg9: memref<8x4x1024xf32, #tpu.memory_space<vmem>>, %arg10: memref<8x8x512xf32, #tpu.memory_space<vmem>>, %arg11: memref<512x1024xf32, #tpu.memory_space<vmem>>, %arg12: memref<512x1024xbf16, #tpu.memory_space<vmem>>, %arg13: memref<512x1024xbf16, #tpu.memory_space<vmem>>, %arg14: memref<1024x512xbf16, #tpu.memory_space<vmem>>) attributes {dimension_semantics = [#tpu.dimension_semantics<arbitrary>], iteration_bounds = array<i64: 16>, scalar_prefetch = 2 : i64, scratch_operands = 3 : i64, tpu.core_type = #tpu.core_type<tc>, window_params = [{transform_indices = @transform_0, window_bounds = array<i64: 512, 1024>}, {transform_indices = @transform_1, window_bounds = array<i64: 512, 128>}, {transform_indices = @transform_2, window_bounds = array<i64: 1, 512, 1024>}, {transform_indices = @transform_3, window_bounds = array<i64: 1, 512, 1024>}, {transform_indices = @transform_4, window_bounds = array<i64: 1, 1024, 512>}, {pipeline_mode = #tpu.pipeline_mode<synchronous>, transform_indices = @transform_5, window_bounds = array<i64: 8, 4, 1024>}, {pipeline_mode = #tpu.pipeline_mode<synchronous>, transform_indices = @transform_6, window_bounds = array<i64: 8, 4, 1024>}, {pipeline_mode = #tpu.pipeline_mode<synchronous>, transform_indices = @transform_7, window_bounds = array<i64: 8, 8, 512>}, {transform_indices = @transform_8, window_bounds = array<i64: 512, 1024>}]} {
    %get3A = arith.index_cast %arg0 : i32 to index
    %get3A_0 = memref.load %arg1[%get3A] : memref<16xi32, #tpu.memory_space<smem>>
    %get3A_1 = arith.index_cast %arg0 : i32 to index
    %get3A_2 = memref.load %arg2[%get3A_1] : memref<16xi32, #tpu.memory_space<smem>>
    %ne3A = arith.constant 0 : i32
    %ne3A_3 = arith.cmpi ne, %get3A_2, %ne3A : i32
    %gt3A = arith.constant 0 : i32
    %gt3A_4 = arith.cmpi sgt, %arg0, %gt3A : i32
    %sub3A = arith.constant 1 : i32
    %sub3A_5 = arith.subi %arg0, %sub3A : i32
    %max3A = arith.constant 0 : i32
    %max3A_6 = arith.maxsi %sub3A_5, %max3A : i32
    %get3A_7 = arith.index_cast %max3A_6 : i32 to index
    %get3A_8 = memref.load %arg1[%get3A_7] : memref<16xi32, #tpu.memory_space<smem>>
    %jit3A = arith.constant -1 : i32
    %select_n3A = arith.select %gt3A_4, %get3A_8, %jit3A : i32
    %ne3A_9 = arith.cmpi ne, %get3A_0, %select_n3A : i32
    %and3A = arith.andi %ne3A_9, %ne3A_3 : i1
    %convert_element_type3A = arith.extui %and3A : i1 to i32
    %cond3A = arith.constant 0 : i32
    %cond3A_10 = arith.cmpi ne, %convert_element_type3A, %cond3A : i32
    scf.if %cond3A_10 {
      %get3A_14 = arith.constant 0 : index
      %get3A_15 = arith.constant 0 : index
      %get3A_16 = arith.constant 0 : index
      %get3A_17 = vector.load %arg5[%get3A_14, %get3A_15, %get3A_16] : memref<1x512x1024xf32, #tpu.memory_space<vmem>>, vector<1x128x1024xf32>
      %get3A_18 = vector.shape_cast %get3A_17 : vector<1x128x1024xf32> to vector<128x1024xf32>
      %get3A_19 = arith.index_cast %get3A_0 : i32 to index
      %get3A_20 = arith.constant 0 : index
      %get3A_21 = arith.constant 0 : index
      %get3A_22 = vector.load %arg8[%get3A_19, %get3A_20, %get3A_21] : memref<8x4x1024xf32, #tpu.memory_space<vmem>>, vector<1x1x1024xf32>
      %get3A_23 = vector.shape_cast %get3A_22 : vector<1x1x1024xf32> to vector<1024xf32>
      %broadcast_in_dim3A = vector.shape_cast %get3A_23 : vector<1024xf32> to vector<1x1024xf32>
      %mul3A = vector.broadcast %broadcast_in_dim3A : vector<1x1024xf32> to vector<128x1024xf32>
      %mul3A_24 = arith.mulf %get3A_18, %mul3A : vector<128x1024xf32>
      %convert_element_type3A_25 = arith.truncf %mul3A_24 : vector<128x1024xf32> to vector<128x1024xbf16>
      %swap3A = arith.constant 0 : index
      %swap3A_26 = arith.constant 0 : index
      %swap3A_27 = vector.load %arg12[%swap3A, %swap3A_26] : memref<512x1024xbf16, #tpu.memory_space<vmem>>, vector<128x1024xbf16>
      tpu.vector_store %arg12[%swap3A, %swap3A_26], %convert_element_type3A_25 {strides = array<i32>} : memref<512x1024xbf16, #tpu.memory_space<vmem>>, vector<128x1024xbf16>,
      %get3A_28 = arith.constant 0 : index
      %get3A_29 = arith.constant 0 : index
      %get3A_30 = arith.constant 0 : index
      %get3A_31 = vector.load %arg6[%get3A_28, %get3A_29, %get3A_30] : memref<1x512x1024xf32, #tpu.memory_space<vmem>>, vector<1x128x1024xf32>
      %get3A_32 = vector.shape_cast %get3A_31 : vector<1x128x1024xf32> to vector<128x1024xf32>
      %get3A_33 = arith.index_cast %get3A_0 : i32 to index
      %get3A_34 = arith.constant 0 : index
      %get3A_35 = arith.constant 0 : index
      %get3A_36 = vector.load %arg9[%get3A_33, %get3A_34, %get3A_35] : memref<8x4x1024xf32, #tpu.memory_space<vmem>>, vector<1x1x1024xf32>
      %get3A_37 = vector.shape_cast %get3A_36 : vector<1x1x1024xf32> to vector<1024xf32>
      %broadcast_in_dim3A_38 = vector.shape_cast %get3A_37 : vector<1024xf32> to vector<1x1024xf32>
      %mul3A_39 = vector.broadcast %broadcast_in_dim3A_38 : vector<1x1024xf32> to vector<128x1024xf32>
      %mul3A_40 = arith.mulf %get3A_32, %mul3A_39 : vector<128x1024xf32>
      %convert_element_type3A_41 = arith.truncf %mul3A_40 : vector<128x1024xf32> to vector<128x1024xbf16>
      %swap3A_42 = arith.constant 0 : index
      %swap3A_43 = arith.constant 0 : index
      %swap3A_44 = vector.load %arg13[%swap3A_42, %swap3A_43] : memref<512x1024xbf16, #tpu.memory_space<vmem>>, vector<128x1024xbf16>
      tpu.vector_store %arg13[%swap3A_42, %swap3A_43], %convert_element_type3A_41 {strides = array<i32>} : memref<512x1024xbf16, #tpu.memory_space<vmem>>, vector<128x1024xbf16>,
      %get3A_45 = arith.constant 0 : index
      %get3A_46 = arith.constant 128 : index
      %get3A_47 = arith.constant 0 : index
      %get3A_48 = vector.load %arg5[%get3A_45, %get3A_46, %get3A_47] : memref<1x512x1024xf32, #tpu.memory_space<vmem>>, vector<1x128x1024xf32>
      %get3A_49 = vector.shape_cast %get3A_48 : vector<1x128x1024xf32> to vector<128x1024xf32>
      %get3A_50 = arith.index_cast %get3A_0 : i32 to index
      %get3A_51 = arith.constant 1 : index
      %get3A_52 = arith.constant 0 : index
      %get3A_53 = vector.load %arg8[%get3A_50, %get3A_51, %get3A_52] : memref<8x4x1024xf32, #tpu.memory_space<vmem>>, vector<1x1x1024xf32>
      %get3A_54 = vector.shape_cast %get3A_53 : vector<1x1x1024xf32> to vector<1024xf32>
      %broadcast_in_dim3A_55 = vector.shape_cast %get3A_54 : vector<1024xf32> to vector<1x1024xf32>
      %mul3A_56 = vector.broadcast %broadcast_in_dim3A_55 : vector<1x1024xf32> to vector<128x1024xf32>
      %mul3A_57 = arith.mulf %get3A_49, %mul3A_56 : vector<128x1024xf32>
      %convert_element_type3A_58 = arith.truncf %mul3A_57 : vector<128x1024xf32> to vector<128x1024xbf16>
      %swap3A_59 = arith.constant 128 : index
      %swap3A_60 = arith.constant 0 : index
      %swap3A_61 = vector.load %arg12[%swap3A_59, %swap3A_60] : memref<512x1024xbf16, #tpu.memory_space<vmem>>, vector<128x1024xbf16>
      tpu.vector_store %arg12[%swap3A_59, %swap3A_60], %convert_element_type3A_58 {strides = array<i32>} : memref<512x1024xbf16, #tpu.memory_space<vmem>>, vector<128x1024xbf16>,
      %get3A_62 = arith.constant 0 : index
      %get3A_63 = arith.constant 128 : index
      %get3A_64 = arith.constant 0 : index
      %get3A_65 = vector.load %arg6[%get3A_62, %get3A_63, %get3A_64] : memref<1x512x1024xf32, #tpu.memory_space<vmem>>, vector<1x128x1024xf32>
      %get3A_66 = vector.shape_cast %get3A_65 : vector<1x128x1024xf32> to vector<128x1024xf32>
      %get3A_67 = arith.index_cast %get3A_0 : i32 to index
      %get3A_68 = arith.constant 1 : index
      %get3A_69 = arith.constant 0 : index
      %get3A_70 = vector.load %arg9[%get3A_67, %get3A_68, %get3A_69] : memref<8x4x1024xf32, #tpu.memory_space<vmem>>, vector<1x1x1024xf32>
      %get3A_71 = vector.shape_cast %get3A_70 : vector<1x1x1024xf32> to vector<1024xf32>
      %broadcast_in_dim3A_72 = vector.shape_cast %get3A_71 : vector<1024xf32> to vector<1x1024xf32>
      %mul3A_73 = vector.broadcast %broadcast_in_dim3A_72 : vector<1x1024xf32> to vector<128x1024xf32>
      %mul3A_74 = arith.mulf %get3A_66, %mul3A_73 : vector<128x1024xf32>
      %convert_element_type3A_75 = arith.truncf %mul3A_74 : vector<128x1024xf32> to vector<128x1024xbf16>
      %swap3A_76 = arith.constant 128 : index
      %swap3A_77 = arith.constant 0 : index
      %swap3A_78 = vector.load %arg13[%swap3A_76, %swap3A_77] : memref<512x1024xbf16, #tpu.memory_space<vmem>>, vector<128x1024xbf16>
      tpu.vector_store %arg13[%swap3A_76, %swap3A_77], %convert_element_type3A_75 {strides = array<i32>} : memref<512x1024xbf16, #tpu.memory_space<vmem>>, vector<128x1024xbf16>,
      %get3A_79 = arith.constant 0 : index
      %get3A_80 = arith.constant 256 : index
      %get3A_81 = arith.constant 0 : index
      %get3A_82 = vector.load %arg5[%get3A_79, %get3A_80, %get3A_81] : memref<1x512x1024xf32, #tpu.memory_space<vmem>>, vector<1x128x1024xf32>
      %get3A_83 = vector.shape_cast %get3A_82 : vector<1x128x1024xf32> to vector<128x1024xf32>
      %get3A_84 = arith.index_cast %get3A_0 : i32 to index
      %get3A_85 = arith.constant 2 : index
      %get3A_86 = arith.constant 0 : index
      %get3A_87 = vector.load %arg8[%get3A_84, %get3A_85, %get3A_86] : memref<8x4x1024xf32, #tpu.memory_space<vmem>>, vector<1x1x1024xf32>
      %get3A_88 = vector.shape_cast %get3A_87 : vector<1x1x1024xf32> to vector<1024xf32>
      %broadcast_in_dim3A_89 = vector.shape_cast %get3A_88 : vector<1024xf32> to vector<1x1024xf32>
      %mul3A_90 = vector.broadcast %broadcast_in_dim3A_89 : vector<1x1024xf32> to vector<128x1024xf32>
      %mul3A_91 = arith.mulf %get3A_83, %mul3A_90 : vector<128x1024xf32>
      %convert_element_type3A_92 = arith.truncf %mul3A_91 : vector<128x1024xf32> to vector<128x1024xbf16>
      %swap3A_93 = arith.constant 256 : index
      %swap3A_94 = arith.constant 0 : index
      %swap3A_95 = vector.load %arg12[%swap3A_93, %swap3A_94] : memref<512x1024xbf16, #tpu.memory_space<vmem>>, vector<128x1024xbf16>
      tpu.vector_store %arg12[%swap3A_93, %swap3A_94], %convert_element_type3A_92 {strides = array<i32>} : memref<512x1024xbf16, #tpu.memory_space<vmem>>, vector<128x1024xbf16>,
      %get3A_96 = arith.constant 0 : index
      %get3A_97 = arith.constant 256 : index
      %get3A_98 = arith.constant 0 : index
      %get3A_99 = vector.load %arg6[%get3A_96, %get3A_97, %get3A_98] : memref<1x512x1024xf32, #tpu.memory_space<vmem>>, vector<1x128x1024xf32>
      %get3A_100 = vector.shape_cast %get3A_99 : vector<1x128x1024xf32> to vector<128x1024xf32>
      %get3A_101 = arith.index_cast %get3A_0 : i32 to index
      %get3A_102 = arith.constant 2 : index
      %get3A_103 = arith.constant 0 : index
      %get3A_104 = vector.load %arg9[%get3A_101, %get3A_102, %get3A_103] : memref<8x4x1024xf32, #tpu.memory_space<vmem>>, vector<1x1x1024xf32>
      %get3A_105 = vector.shape_cast %get3A_104 : vector<1x1x1024xf32> to vector<1024xf32>
      %broadcast_in_dim3A_106 = vector.shape_cast %get3A_105 : vector<1024xf32> to vector<1x1024xf32>
      %mul3A_107 = vector.broadcast %broadcast_in_dim3A_106 : vector<1x1024xf32> to vector<128x1024xf32>
      %mul3A_108 = arith.mulf %get3A_100, %mul3A_107 : vector<128x1024xf32>
      %convert_element_type3A_109 = arith.truncf %mul3A_108 : vector<128x1024xf32> to vector<128x1024xbf16>
      %swap3A_110 = arith.constant 256 : index
      %swap3A_111 = arith.constant 0 : index
      %swap3A_112 = vector.load %arg13[%swap3A_110, %swap3A_111] : memref<512x1024xbf16, #tpu.memory_space<vmem>>, vector<128x1024xbf16>
      tpu.vector_store %arg13[%swap3A_110, %swap3A_111], %convert_element_type3A_109 {strides = array<i32>} : memref<512x1024xbf16, #tpu.memory_space<vmem>>, vector<128x1024xbf16>,
      %get3A_113 = arith.constant 0 : index
      %get3A_114 = arith.constant 384 : index
      %get3A_115 = arith.constant 0 : index
      %get3A_116 = vector.load %arg5[%get3A_113, %get3A_114, %get3A_115] : memref<1x512x1024xf32, #tpu.memory_space<vmem>>, vector<1x128x1024xf32>
      %get3A_117 = vector.shape_cast %get3A_116 : vector<1x128x1024xf32> to vector<128x1024xf32>
      %get3A_118 = arith.index_cast %get3A_0 : i32 to index
      %get3A_119 = arith.constant 3 : index
      %get3A_120 = arith.constant 0 : index
      %get3A_121 = vector.load %arg8[%get3A_118, %get3A_119, %get3A_120] : memref<8x4x1024xf32, #tpu.memory_space<vmem>>, vector<1x1x1024xf32>
      %get3A_122 = vector.shape_cast %get3A_121 : vector<1x1x1024xf32> to vector<1024xf32>
      %broadcast_in_dim3A_123 = vector.shape_cast %get3A_122 : vector<1024xf32> to vector<1x1024xf32>
      %mul3A_124 = vector.broadcast %broadcast_in_dim3A_123 : vector<1x1024xf32> to vector<128x1024xf32>
      %mul3A_125 = arith.mulf %get3A_117, %mul3A_124 : vector<128x1024xf32>
      %convert_element_type3A_126 = arith.truncf %mul3A_125 : vector<128x1024xf32> to vector<128x1024xbf16>
      %swap3A_127 = arith.constant 384 : index
      %swap3A_128 = arith.constant 0 : index
      %swap3A_129 = vector.load %arg12[%swap3A_127, %swap3A_128] : memref<512x1024xbf16, #tpu.memory_space<vmem>>, vector<128x1024xbf16>
      tpu.vector_store %arg12[%swap3A_127, %swap3A_128], %convert_element_type3A_126 {strides = array<i32>} : memref<512x1024xbf16, #tpu.memory_space<vmem>>, vector<128x1024xbf16>,
      %get3A_130 = arith.constant 0 : index
      %get3A_131 = arith.constant 384 : index
      %get3A_132 = arith.constant 0 : index
      %get3A_133 = vector.load %arg6[%get3A_130, %get3A_131, %get3A_132] : memref<1x512x1024xf32, #tpu.memory_space<vmem>>, vector<1x128x1024xf32>
      %get3A_134 = vector.shape_cast %get3A_133 : vector<1x128x1024xf32> to vector<128x1024xf32>
      %get3A_135 = arith.index_cast %get3A_0 : i32 to index
      %get3A_136 = arith.constant 3 : index
      %get3A_137 = arith.constant 0 : index
      %get3A_138 = vector.load %arg9[%get3A_135, %get3A_136, %get3A_137] : memref<8x4x1024xf32, #tpu.memory_space<vmem>>, vector<1x1x1024xf32>
      %get3A_139 = vector.shape_cast %get3A_138 : vector<1x1x1024xf32> to vector<1024xf32>
      %broadcast_in_dim3A_140 = vector.shape_cast %get3A_139 : vector<1024xf32> to vector<1x1024xf32>
      %mul3A_141 = vector.broadcast %broadcast_in_dim3A_140 : vector<1x1024xf32> to vector<128x1024xf32>
      %mul3A_142 = arith.mulf %get3A_134, %mul3A_141 : vector<128x1024xf32>
      %convert_element_type3A_143 = arith.truncf %mul3A_142 : vector<128x1024xf32> to vector<128x1024xbf16>
      %swap3A_144 = arith.constant 384 : index
      %swap3A_145 = arith.constant 0 : index
      %swap3A_146 = vector.load %arg13[%swap3A_144, %swap3A_145] : memref<512x1024xbf16, #tpu.memory_space<vmem>>, vector<128x1024xbf16>
      tpu.vector_store %arg13[%swap3A_144, %swap3A_145], %convert_element_type3A_143 {strides = array<i32>} : memref<512x1024xbf16, #tpu.memory_space<vmem>>, vector<128x1024xbf16>,
      %get3A_147 = arith.constant 0 : index
      %get3A_148 = arith.constant 0 : index
      %get3A_149 = arith.constant 0 : index
      %get3A_150 = vector.load %arg7[%get3A_147, %get3A_148, %get3A_149] : memref<1x1024x512xf32, #tpu.memory_space<vmem>>, vector<1x128x512xf32>
      %get3A_151 = vector.shape_cast %get3A_150 : vector<1x128x512xf32> to vector<128x512xf32>
      %get3A_152 = arith.index_cast %get3A_0 : i32 to index
      %get3A_153 = arith.constant 0 : index
      %get3A_154 = arith.constant 0 : index
      %get3A_155 = vector.load %arg10[%get3A_152, %get3A_153, %get3A_154] : memref<8x8x512xf32, #tpu.memory_space<vmem>>, vector<1x1x512xf32>
      %get3A_156 = vector.shape_cast %get3A_155 : vector<1x1x512xf32> to vector<512xf32>
      %broadcast_in_dim3A_157 = vector.shape_cast %get3A_156 : vector<512xf32> to vector<1x512xf32>
      %mul3A_158 = vector.broadcast %broadcast_in_dim3A_157 : vector<1x512xf32> to vector<128x512xf32>
      %mul3A_159 = arith.mulf %get3A_151, %mul3A_158 : vector<128x512xf32>
      %convert_element_type3A_160 = arith.truncf %mul3A_159 : vector<128x512xf32> to vector<128x512xbf16>
      %swap3A_161 = arith.constant 0 : index
      %swap3A_162 = arith.constant 0 : index
      %swap3A_163 = vector.load %arg14[%swap3A_161, %swap3A_162] : memref<1024x512xbf16, #tpu.memory_space<vmem>>, vector<128x512xbf16>
      tpu.vector_store %arg14[%swap3A_161, %swap3A_162], %convert_element_type3A_160 {strides = array<i32>} : memref<1024x512xbf16, #tpu.memory_space<vmem>>, vector<128x512xbf16>,
      %get3A_164 = arith.constant 0 : index
      %get3A_165 = arith.constant 128 : index
      %get3A_166 = arith.constant 0 : index
      %get3A_167 = vector.load %arg7[%get3A_164, %get3A_165, %get3A_166] : memref<1x1024x512xf32, #tpu.memory_space<vmem>>, vector<1x128x512xf32>
      %get3A_168 = vector.shape_cast %get3A_167 : vector<1x128x512xf32> to vector<128x512xf32>
      %get3A_169 = arith.index_cast %get3A_0 : i32 to index
      %get3A_170 = arith.constant 1 : index
      %get3A_171 = arith.constant 0 : index
      %get3A_172 = vector.load %arg10[%get3A_169, %get3A_170, %get3A_171] : memref<8x8x512xf32, #tpu.memory_space<vmem>>, vector<1x1x512xf32>
      %get3A_173 = vector.shape_cast %get3A_172 : vector<1x1x512xf32> to vector<512xf32>
      %broadcast_in_dim3A_174 = vector.shape_cast %get3A_173 : vector<512xf32> to vector<1x512xf32>
      %mul3A_175 = vector.broadcast %broadcast_in_dim3A_174 : vector<1x512xf32> to vector<128x512xf32>
      %mul3A_176 = arith.mulf %get3A_168, %mul3A_175 : vector<128x512xf32>
      %convert_element_type3A_177 = arith.truncf %mul3A_176 : vector<128x512xf32> to vector<128x512xbf16>
      %swap3A_178 = arith.constant 128 : index
      %swap3A_179 = arith.constant 0 : index
      %swap3A_180 = vector.load %arg14[%swap3A_178, %swap3A_179] : memref<1024x512xbf16, #tpu.memory_space<vmem>>, vector<128x512xbf16>
      tpu.vector_store %arg14[%swap3A_178, %swap3A_179], %convert_element_type3A_177 {strides = array<i32>} : memref<1024x512xbf16, #tpu.memory_space<vmem>>, vector<128x512xbf16>,
      %get3A_181 = arith.constant 0 : index
      %get3A_182 = arith.constant 256 : index
      %get3A_183 = arith.constant 0 : index
      %get3A_184 = vector.load %arg7[%get3A_181, %get3A_182, %get3A_183] : memref<1x1024x512xf32, #tpu.memory_space<vmem>>, vector<1x128x512xf32>
      %get3A_185 = vector.shape_cast %get3A_184 : vector<1x128x512xf32> to vector<128x512xf32>
      %get3A_186 = arith.index_cast %get3A_0 : i32 to index
      %get3A_187 = arith.constant 2 : index
      %get3A_188 = arith.constant 0 : index
      %get3A_189 = vector.load %arg10[%get3A_186, %get3A_187, %get3A_188] : memref<8x8x512xf32, #tpu.memory_space<vmem>>, vector<1x1x512xf32>
      %get3A_190 = vector.shape_cast %get3A_189 : vector<1x1x512xf32> to vector<512xf32>
      %broadcast_in_dim3A_191 = vector.shape_cast %get3A_190 : vector<512xf32> to vector<1x512xf32>
      %mul3A_192 = vector.broadcast %broadcast_in_dim3A_191 : vector<1x512xf32> to vector<128x512xf32>
      %mul3A_193 = arith.mulf %get3A_185, %mul3A_192 : vector<128x512xf32>
      %convert_element_type3A_194 = arith.truncf %mul3A_193 : vector<128x512xf32> to vector<128x512xbf16>
      %swap3A_195 = arith.constant 256 : index
      %swap3A_196 = arith.constant 0 : index
      %swap3A_197 = vector.load %arg14[%swap3A_195, %swap3A_196] : memref<1024x512xbf16, #tpu.memory_space<vmem>>, vector<128x512xbf16>
      tpu.vector_store %arg14[%swap3A_195, %swap3A_196], %convert_element_type3A_194 {strides = array<i32>} : memref<1024x512xbf16, #tpu.memory_space<vmem>>, vector<128x512xbf16>,
      %get3A_198 = arith.constant 0 : index
      %get3A_199 = arith.constant 384 : index
      %get3A_200 = arith.constant 0 : index
      %get3A_201 = vector.load %arg7[%get3A_198, %get3A_199, %get3A_200] : memref<1x1024x512xf32, #tpu.memory_space<vmem>>, vector<1x128x512xf32>
      %get3A_202 = vector.shape_cast %get3A_201 : vector<1x128x512xf32> to vector<128x512xf32>
      %get3A_203 = arith.index_cast %get3A_0 : i32 to index
      %get3A_204 = arith.constant 3 : index
      %get3A_205 = arith.constant 0 : index
      %get3A_206 = vector.load %arg10[%get3A_203, %get3A_204, %get3A_205] : memref<8x8x512xf32, #tpu.memory_space<vmem>>, vector<1x1x512xf32>
      %get3A_207 = vector.shape_cast %get3A_206 : vector<1x1x512xf32> to vector<512xf32>
      %broadcast_in_dim3A_208 = vector.shape_cast %get3A_207 : vector<512xf32> to vector<1x512xf32>
      %mul3A_209 = vector.broadcast %broadcast_in_dim3A_208 : vector<1x512xf32> to vector<128x512xf32>
      %mul3A_210 = arith.mulf %get3A_202, %mul3A_209 : vector<128x512xf32>
      %convert_element_type3A_211 = arith.truncf %mul3A_210 : vector<128x512xf32> to vector<128x512xbf16>
      %swap3A_212 = arith.constant 384 : index
      %swap3A_213 = arith.constant 0 : index
      %swap3A_214 = vector.load %arg14[%swap3A_212, %swap3A_213] : memref<1024x512xbf16, #tpu.memory_space<vmem>>, vector<128x512xbf16>
      tpu.vector_store %arg14[%swap3A_212, %swap3A_213], %convert_element_type3A_211 {strides = array<i32>} : memref<1024x512xbf16, #tpu.memory_space<vmem>>, vector<128x512xbf16>,
      %get3A_215 = arith.constant 0 : index
      %get3A_216 = arith.constant 512 : index
      %get3A_217 = arith.constant 0 : index
      %get3A_218 = vector.load %arg7[%get3A_215, %get3A_216, %get3A_217] : memref<1x1024x512xf32, #tpu.memory_space<vmem>>, vector<1x128x512xf32>
      %get3A_219 = vector.shape_cast %get3A_218 : vector<1x128x512xf32> to vector<128x512xf32>
      %get3A_220 = arith.index_cast %get3A_0 : i32 to index
      %get3A_221 = arith.constant 4 : index
      %get3A_222 = arith.constant 0 : index
      %get3A_223 = vector.load %arg10[%get3A_220, %get3A_221, %get3A_222] : memref<8x8x512xf32, #tpu.memory_space<vmem>>, vector<1x1x512xf32>
      %get3A_224 = vector.shape_cast %get3A_223 : vector<1x1x512xf32> to vector<512xf32>
      %broadcast_in_dim3A_225 = vector.shape_cast %get3A_224 : vector<512xf32> to vector<1x512xf32>
      %mul3A_226 = vector.broadcast %broadcast_in_dim3A_225 : vector<1x512xf32> to vector<128x512xf32>
      %mul3A_227 = arith.mulf %get3A_219, %mul3A_226 : vector<128x512xf32>
      %convert_element_type3A_228 = arith.truncf %mul3A_227 : vector<128x512xf32> to vector<128x512xbf16>
      %swap3A_229 = arith.constant 512 : index
      %swap3A_230 = arith.constant 0 : index
      %swap3A_231 = vector.load %arg14[%swap3A_229, %swap3A_230] : memref<1024x512xbf16, #tpu.memory_space<vmem>>, vector<128x512xbf16>
      tpu.vector_store %arg14[%swap3A_229, %swap3A_230], %convert_element_type3A_228 {strides = array<i32>} : memref<1024x512xbf16, #tpu.memory_space<vmem>>, vector<128x512xbf16>,
      %get3A_232 = arith.constant 0 : index
      %get3A_233 = arith.constant 640 : index
      %get3A_234 = arith.constant 0 : index
      %get3A_235 = vector.load %arg7[%get3A_232, %get3A_233, %get3A_234] : memref<1x1024x512xf32, #tpu.memory_space<vmem>>, vector<1x128x512xf32>
      %get3A_236 = vector.shape_cast %get3A_235 : vector<1x128x512xf32> to vector<128x512xf32>
      %get3A_237 = arith.index_cast %get3A_0 : i32 to index
      %get3A_238 = arith.constant 5 : index
      %get3A_239 = arith.constant 0 : index
      %get3A_240 = vector.load %arg10[%get3A_237, %get3A_238, %get3A_239] : memref<8x8x512xf32, #tpu.memory_space<vmem>>, vector<1x1x512xf32>
      %get3A_241 = vector.shape_cast %get3A_240 : vector<1x1x512xf32> to vector<512xf32>
      %broadcast_in_dim3A_242 = vector.shape_cast %get3A_241 : vector<512xf32> to vector<1x512xf32>
      %mul3A_243 = vector.broadcast %broadcast_in_dim3A_242 : vector<1x512xf32> to vector<128x512xf32>
      %mul3A_244 = arith.mulf %get3A_236, %mul3A_243 : vector<128x512xf32>
      %convert_element_type3A_245 = arith.truncf %mul3A_244 : vector<128x512xf32> to vector<128x512xbf16>
      %swap3A_246 = arith.constant 640 : index
      %swap3A_247 = arith.constant 0 : index
      %swap3A_248 = vector.load %arg14[%swap3A_246, %swap3A_247] : memref<1024x512xbf16, #tpu.memory_space<vmem>>, vector<128x512xbf16>
      tpu.vector_store %arg14[%swap3A_246, %swap3A_247], %convert_element_type3A_245 {strides = array<i32>} : memref<1024x512xbf16, #tpu.memory_space<vmem>>, vector<128x512xbf16>,
      %get3A_249 = arith.constant 0 : index
      %get3A_250 = arith.constant 768 : index
      %get3A_251 = arith.constant 0 : index
      %get3A_252 = vector.load %arg7[%get3A_249, %get3A_250, %get3A_251] : memref<1x1024x512xf32, #tpu.memory_space<vmem>>, vector<1x128x512xf32>
      %get3A_253 = vector.shape_cast %get3A_252 : vector<1x128x512xf32> to vector<128x512xf32>
      %get3A_254 = arith.index_cast %get3A_0 : i32 to index
      %get3A_255 = arith.constant 6 : index
      %get3A_256 = arith.constant 0 : index
      %get3A_257 = vector.load %arg10[%get3A_254, %get3A_255, %get3A_256] : memref<8x8x512xf32, #tpu.memory_space<vmem>>, vector<1x1x512xf32>
      %get3A_258 = vector.shape_cast %get3A_257 : vector<1x1x512xf32> to vector<512xf32>
      %broadcast_in_dim3A_259 = vector.shape_cast %get3A_258 : vector<512xf32> to vector<1x512xf32>
      %mul3A_260 = vector.broadcast %broadcast_in_dim3A_259 : vector<1x512xf32> to vector<128x512xf32>
      %mul3A_261 = arith.mulf %get3A_253, %mul3A_260 : vector<128x512xf32>
      %convert_element_type3A_262 = arith.truncf %mul3A_261 : vector<128x512xf32> to vector<128x512xbf16>
      %swap3A_263 = arith.constant 768 : index
      %swap3A_264 = arith.constant 0 : index
      %swap3A_265 = vector.load %arg14[%swap3A_263, %swap3A_264] : memref<1024x512xbf16, #tpu.memory_space<vmem>>, vector<128x512xbf16>
      tpu.vector_store %arg14[%swap3A_263, %swap3A_264], %convert_element_type3A_262 {strides = array<i32>} : memref<1024x512xbf16, #tpu.memory_space<vmem>>, vector<128x512xbf16>,
      %get3A_266 = arith.constant 0 : index
      %get3A_267 = arith.constant 896 : index
      %get3A_268 = arith.constant 0 : index
      %get3A_269 = vector.load %arg7[%get3A_266, %get3A_267, %get3A_268] : memref<1x1024x512xf32, #tpu.memory_space<vmem>>, vector<1x128x512xf32>
      %get3A_270 = vector.shape_cast %get3A_269 : vector<1x128x512xf32> to vector<128x512xf32>
      %get3A_271 = arith.index_cast %get3A_0 : i32 to index
      %get3A_272 = arith.constant 7 : index
      %get3A_273 = arith.constant 0 : index
      %get3A_274 = vector.load %arg10[%get3A_271, %get3A_272, %get3A_273] : memref<8x8x512xf32, #tpu.memory_space<vmem>>, vector<1x1x512xf32>
      %get3A_275 = vector.shape_cast %get3A_274 : vector<1x1x512xf32> to vector<512xf32>
      %broadcast_in_dim3A_276 = vector.shape_cast %get3A_275 : vector<512xf32> to vector<1x512xf32>
      %mul3A_277 = vector.broadcast %broadcast_in_dim3A_276 : vector<1x512xf32> to vector<128x512xf32>
      %mul3A_278 = arith.mulf %get3A_270, %mul3A_277 : vector<128x512xf32>
      %convert_element_type3A_279 = arith.truncf %mul3A_278 : vector<128x512xf32> to vector<128x512xbf16>
      %swap3A_280 = arith.constant 896 : index
      %swap3A_281 = arith.constant 0 : index
      %swap3A_282 = vector.load %arg14[%swap3A_280, %swap3A_281] : memref<1024x512xbf16, #tpu.memory_space<vmem>>, vector<128x512xbf16>
      tpu.vector_store %arg14[%swap3A_280, %swap3A_281], %convert_element_type3A_279 {strides = array<i32>} : memref<1024x512xbf16, #tpu.memory_space<vmem>>, vector<128x512xbf16>,
    } else {
    }
    %convert_element_type3A_11 = arith.extui %ne3A_3 : i1 to i32
    %cond3A_12 = arith.constant 0 : i32
    %cond3A_13 = arith.cmpi ne, %convert_element_type3A_11, %cond3A_12 : i32
    scf.if %cond3A_13 {
      %get3A_14 = arith.constant 0 : index
      %get3A_15 = arith.constant 0 : index
      %get3A_16 = vector.load %arg3[%get3A_14, %get3A_15] : memref<512x1024xf32, #tpu.memory_space<vmem>>, vector<512x1024xf32>
      %convert_element_type3A_17 = arith.truncf %get3A_16 : vector<512x1024xf32> to vector<512x1024xbf16>
      %get3A_18 = arith.constant 0 : index
      %get3A_19 = arith.constant 0 : index
      %get3A_20 = vector.load %arg12[%get3A_18, %get3A_19] : memref<512x1024xbf16, #tpu.memory_space<vmem>>, vector<512x1024xbf16>
      %dot_general3A = arith.constant dense<0.000000e+00> : vector<512x512xf32>
      %dot_general3A_21 = tpu.matmul %convert_element_type3A_17, %get3A_20, %dot_general3A {dimension_numbers = #tpu.dot_dimension_numbers<[1], [1], [0], [0], [0, 0, 1, 0], [], []>, transpose_lhs_hint = false} : vector<512x1024xbf16>, vector<512x1024xbf16>, vector<512x512xf32> -> vector<512x512xf32>
      %get3A_22 = arith.constant 0 : index
      %get3A_23 = arith.constant 0 : index
      %get3A_24 = vector.load %arg13[%get3A_22, %get3A_23] : memref<512x1024xbf16, #tpu.memory_space<vmem>>, vector<512x1024xbf16>
      %dot_general3A_25 = arith.constant dense<0.000000e+00> : vector<512x512xf32>
      %dot_general3A_26 = tpu.matmul %convert_element_type3A_17, %get3A_24, %dot_general3A_25 {dimension_numbers = #tpu.dot_dimension_numbers<[1], [1], [0], [0], [0, 0, 1, 0], [], []>, transpose_lhs_hint = false} : vector<512x1024xbf16>, vector<512x1024xbf16>, vector<512x512xf32> -> vector<512x512xf32>
      %logistic3A = arith.negf %dot_general3A_21 : vector<512x512xf32>
      %logistic3A_27 = math.exp %logistic3A : vector<512x512xf32>
      %logistic3A_28 = arith.constant 1.000000e+00 : f32
      %logistic3A_29 = vector.broadcast %logistic3A_28 : f32 to vector<512x512xf32>
      %logistic3A_30 = arith.addf %logistic3A_29, %logistic3A_27 : vector<512x512xf32>
      %logistic3A_31 = arith.divf %logistic3A_29, %logistic3A_30 : vector<512x512xf32>
      %mul3A = arith.mulf %dot_general3A_21, %logistic3A_31 : vector<512x512xf32>
      %mul3A_32 = arith.mulf %mul3A, %dot_general3A_26 : vector<512x512xf32>
      %convert_element_type3A_33 = arith.truncf %mul3A_32 : vector<512x512xf32> to vector<512x512xbf16>
      %get3A_34 = arith.constant 0 : index
      %get3A_35 = arith.constant 0 : index
      %get3A_36 = vector.load %arg14[%get3A_34, %get3A_35] : memref<1024x512xbf16, #tpu.memory_space<vmem>>, vector<1024x512xbf16>
      %dot_general3A_37 = arith.constant dense<0.000000e+00> : vector<512x1024xf32>
      %dot_general3A_38 = tpu.matmul %convert_element_type3A_33, %get3A_36, %dot_general3A_37 {dimension_numbers = #tpu.dot_dimension_numbers<[1], [1], [0], [0], [0, 0, 1, 0], [], []>, transpose_lhs_hint = false} : vector<512x512xbf16>, vector<1024x512xbf16>, vector<512x1024xf32> -> vector<512x1024xf32>
      %get3A_39 = arith.constant 0 : index
      %get3A_40 = arith.constant 0 : index
      %get3A_41 = vector.load %arg4[%get3A_39, %get3A_40] : memref<512x128xf32, #tpu.memory_space<vmem>>, vector<512x1xf32>
      %mul3A_42 = vector.broadcast %get3A_41 : vector<512x1xf32> to vector<512x1024xf32>
      %mul3A_43 = arith.mulf %dot_general3A_38, %mul3A_42 : vector<512x1024xf32>
      %swap3A = arith.constant 0 : index
      %swap3A_44 = arith.constant 0 : index
      %swap3A_45 = vector.load %arg11[%swap3A, %swap3A_44] : memref<512x1024xf32, #tpu.memory_space<vmem>>, vector<512x1024xf32>
      tpu.vector_store %arg11[%swap3A, %swap3A_44], %mul3A_43 {strides = array<i32>} : memref<512x1024xf32, #tpu.memory_space<vmem>>, vector<512x1024xf32>,
    } else {
    }
    return
  }
  func.func @transform_0(%arg0: i32, %arg1: memref<16xi32, #tpu.memory_space<smem>>, %arg2: memref<16xi32, #tpu.memory_space<smem>>) -> (i32, i32) {
    %get3A = arith.index_cast %arg0 : i32 to index
    %get3A_0 = memref.load %arg2[%get3A] : memref<16xi32, #tpu.memory_space<smem>>
    %mul3A = arith.muli %get3A_0, %arg0 : i32
    %c0_i32 = arith.constant 0 : i32
    %c0_i32_1 = arith.constant 0 : i32
    return %mul3A, %c0_i32 : i32, i32
  }
  func.func @transform_1(%arg0: i32, %arg1: memref<16xi32, #tpu.memory_space<smem>>, %arg2: memref<16xi32, #tpu.memory_space<smem>>) -> (i32, i32) {
    %get3A = arith.index_cast %arg0 : i32 to index
    %get3A_0 = memref.load %arg2[%get3A] : memref<16xi32, #tpu.memory_space<smem>>
    %mul3A = arith.muli %get3A_0, %arg0 : i32
    %c0_i32 = arith.constant 0 : i32
    %c0_i32_1 = arith.constant 0 : i32
    return %mul3A, %c0_i32 : i32, i32
  }
  func.func @transform_2(%arg0: i32, %arg1: memref<16xi32, #tpu.memory_space<smem>>, %arg2: memref<16xi32, #tpu.memory_space<smem>>) -> (i32, i32, i32) {
    %get3A = arith.index_cast %arg0 : i32 to index
    %get3A_0 = memref.load %arg1[%get3A] : memref<16xi32, #tpu.memory_space<smem>>
    %c0_i32 = arith.constant 0 : i32
    %c0_i32_1 = arith.constant 0 : i32
    %c0_i32_2 = arith.constant 0 : i32
    return %get3A_0, %c0_i32, %c0_i32_1 : i32, i32, i32
  }
  func.func @transform_3(%arg0: i32, %arg1: memref<16xi32, #tpu.memory_space<smem>>, %arg2: memref<16xi32, #tpu.memory_space<smem>>) -> (i32, i32, i32) {
    %get3A = arith.index_cast %arg0 : i32 to index
    %get3A_0 = memref.load %arg1[%get3A] : memref<16xi32, #tpu.memory_space<smem>>
    %c0_i32 = arith.constant 0 : i32
    %c0_i32_1 = arith.constant 0 : i32
    %c0_i32_2 = arith.constant 0 : i32
    return %get3A_0, %c0_i32, %c0_i32_1 : i32, i32, i32
  }
  func.func @transform_4(%arg0: i32, %arg1: memref<16xi32, #tpu.memory_space<smem>>, %arg2: memref<16xi32, #tpu.memory_space<smem>>) -> (i32, i32, i32) {
    %get3A = arith.index_cast %arg0 : i32 to index
    %get3A_0 = memref.load %arg1[%get3A] : memref<16xi32, #tpu.memory_space<smem>>
    %c0_i32 = arith.constant 0 : i32
    %c0_i32_1 = arith.constant 0 : i32
    %c0_i32_2 = arith.constant 0 : i32
    return %get3A_0, %c0_i32, %c0_i32_1 : i32, i32, i32
  }
  func.func @transform_5(%arg0: i32, %arg1: memref<16xi32, #tpu.memory_space<smem>>, %arg2: memref<16xi32, #tpu.memory_space<smem>>) -> (i32, i32, i32) {
    %c0_i32 = arith.constant 0 : i32
    %c0_i32_0 = arith.constant 0 : i32
    %c0_i32_1 = arith.constant 0 : i32
    %c0_i32_2 = arith.constant 0 : i32
    return %c0_i32, %c0_i32_0, %c0_i32_1 : i32, i32, i32
  }
  func.func @transform_6(%arg0: i32, %arg1: memref<16xi32, #tpu.memory_space<smem>>, %arg2: memref<16xi32, #tpu.memory_space<smem>>) -> (i32, i32, i32) {
    %c0_i32 = arith.constant 0 : i32
    %c0_i32_0 = arith.constant 0 : i32
    %c0_i32_1 = arith.constant 0 : i32
    %c0_i32_2 = arith.constant 0 : i32
    return %c0_i32, %c0_i32_0, %c0_i32_1 : i32, i32, i32
  }
  func.func @transform_7(%arg0: i32, %arg1: memref<16xi32, #tpu.memory_space<smem>>, %arg2: memref<16xi32, #tpu.memory_space<smem>>) -> (i32, i32, i32) {
    %c0_i32 = arith.constant 0 : i32
    %c0_i32_0 = arith.constant 0 : i32
    %c0_i32_1 = arith.constant 0 : i32
    %c0_i32_2 = arith.constant 0 : i32
    return %c0_i32, %c0_i32_0, %c0_i32_1 : i32, i32, i32
  }
  func.func @transform_8(%arg0: i32, %arg1: memref<16xi32, #tpu.memory_space<smem>>, %arg2: memref<16xi32, #tpu.memory_space<smem>>) -> (i32, i32) {
    %c0_i32 = arith.constant 0 : i32
    %c0_i32_0 = arith.constant 0 : i32
    return %arg0, %c0_i32 : i32, i32
  }
}

</mosaic_0001>

<sc_bundles>
// kernel: kernel.6.cloned.1.call-start
scs
__scs_entry_jumppad:
0x0: {  	(pc) =	sbr.rel $0x88, $3  }
0x1: {  	(tag) =	ssettag $0x0;
	lr =	simm.s32 $0x1  }
0x2: {  	[smem:$0x3F95] =	sst lr;
	_ =	strace $0xD0000000  }
0x3: {  	_ = 	snop  }
0x4: {  	_ = 	snop  }
0x5: {  	_ = 	snop  }
0x6: {  	_ = 	snop  }
0x7: {  	_ = 	snop  }
__scs_overlays_trampoline_lowered:
0x8: {  	[smem:$0x3FA4] =	sst s0  }
0x9: {  	[smem:$0x3FA5] =	sst s1  }
0xa: {  	[smem:$0x3FA6] =	sst s2  }
0xb: {  	[smem:$0x3FA7] =	sst s3  }
0xc: {  	[smem:$0x3FA8] =	sst s4  }
0xd: {  	[smem:$0x3FA9] =	sst s5  }
0xe: {  	[smem:$0x3FAA] =	sst s6  }
0xf: {  	[smem:$0x3FAB] =	sst s7  }
0x10: {  	[smem:$0x3FAC] =	sst s8  }
0x11: {  	[smem:$0x3FAD] =	sst s9;
	s0 =	simm.s32 @!p0 $0x0  }
0x12: {  	s1 =	sld [smem:$0x3F93];
	s0 =	simm.s32 @p0 $0x1  }
0x13: {  	[smem:$0x3FAE] =	sst s0;
	s0 =	simm.s32 @!p1 $0x0  }
0x14: {  	s2 =	sld [smem:$0x3F92];
	s0 =	simm.s32 @p1 $0x1  }
0x15: {  	[smem:$0x3FAF] =	sst s0;
	s0 =	simm.s32 @!p2 $0x0  }
0x16: {  	s3 =	sld [smem:$0x3FDB];
	s0 =	simm.s32 @p2 $0x1  }
0x17: {  	s4 =	simm.s32 $0x1BF5;
	[smem:$0x3FB1] =	sst s0  }
0x18: {  	s0 =	sld [smem:$0x3F94];
	_ =	swait.ge [sflag:s4], $0x0  }
0x19: {  	s7 =	sld [smem:$0x3F95]  }
0x1a: {  	s8 =	sadd.s32 $0xFFFFE003, lr  }
0x1b: {  	s9 =	sadd.s32 $0xFFFFFEF7, lr;
	s5 =	simm.s32 $0xFFFFFFFF;
	p2 =	slt.u32 s8, $0xFFFFF086  }
0x1c: {  	p1 =	slt.u32 s9, $0xF7A;
	s5 =	simm.s32 @!p2 $0x0  }
0x1d: {  	s5 =	simm.s32 @p1 $0x1;
	p0 =	seq.s32 s7, s2  }
0x1e: {  	s7 =	smul.u32 @!p0 $0xF7A, s2;
	p2 =	seq.s32 @!p0 s5, $0x0  }
0x1f: {  	s9 =	smul.u32 $0xF7A, s1;
	s8 =	simm.s32 @!p0 $0x1BF5;
	p2 =	por !p2, p0  }
0x20: {  	[sflag:s8] =	ssyncset.s32 @!p0 $0xFFFFF086;
	s6 =	sadd.s32 @!p0 s3, s7;
	s7 =	simm.s32 @!p0 $0x108  }
0x21: {  	s3 =	sadd.s32 s3, s9;
	s6 =	sadd.s32 @!p0 $0x88, s6;
	s7 =	simm.s32 @p2 $0x1082  }
0x22: {  	[simem:s7], [sflag:s8] =	dma.local @!p0 [hbm:s6], $0xF7A  }
0x23: {  	s9 =	sor.u32 $0xD0000000, s2;
	s6 =	simm.s32 $0x108;
	_ =	swait.ge @!p0 [sflag:s8], $0x0  }
0x24: {  	s3 =	sadd.s32 $0x88, s3;
	s6 =	simm.s32 @!p1 $0x1082;
	[sflag:s4] =	ssyncset.s32 $0xFFFFF086  }
0x25: {  	[simem:s6], [sflag:s4] =	dma.local [hbm:s3], $0xF7A  }
0x26: {  	[smem:$0x3F95] =	sst s1;
	(tag) =	ssettag s2;
	_ =	strace s9  }
0x27: {  	s1 =	sld [smem:$0x3FA5]  }
0x28: {  	s2 =	sld [smem:$0x3FA6]  }
0x29: {  	s4 =	sld [smem:$0x3FA8]  }
0x2a: {  	p0 =	seq.s32 s5, $0x0;
	s5 =	sld [smem:$0x3FA9]  }
0x2b: {  	s6 =	sld [smem:$0x3FAA]  }
0x2c: {  	s7 =	sld [smem:$0x3FAB]  }
0x2d: {  	s3 =	simm.s32 $0x108;
	s8 =	sld [smem:$0x3FAC]  }
0x2e: {  	s3 =	simm.s32 @!p0 $0x1082;
	s9 =	sld [smem:$0x3FAD]  }
0x2f: {  	lr =	sadd.s32 s0, s3;
	s0 =	sld [smem:$0x3FA4]  }
0x30: {  	s3 =	sld [smem:$0x3FA7]  }
0x31: {  	[smem:$0x3FB0] =	sst s10  }
0x32: {  	s10 =	sld [smem:$0x3FAE];
	_ =	sdelay $0x3  }
0x33: {  	p0 =	seq.s32 s10, $0x1;
	s10 =	sld [smem:$0x3FB0];
	_ =	sdelay $0x3  }
0x34: {  	[smem:$0x3FB0] =	sst s10  }
0x35: {  	s10 =	sld [smem:$0x3FAF];
	_ =	sdelay $0x3  }
0x36: {  	p1 =	seq.s32 s10, $0x1;
	s10 =	sld [smem:$0x3FB0];
	_ =	sdelay $0x3  }
0x37: {  	[smem:$0x3FB0] =	sst s10  }
0x38: {  	s10 =	sld [smem:$0x3FB1]  }
0x39: {  	_ = 	snop;
	(pc) =	sbr.ind lr, $3  }
0x3a: {  	_ = 	snop  }
0x3b: {  	_ = 	snop  }
0x3c: {  	p2 =	seq.s32 s10, $0x1;
	s10 =	sld [smem:$0x3FB0]  }
0x3d: {  	_ =	shalt  }
0x3e: {  	_ =	shalt  }
0x3f: {  	_ =	shalt  }
0x40: {  	_ =	shalt  }
0x41: {  	_ =	shalt  }
0x42: {  	_ =	shalt  }
0x43: {  	_ =	shalt  }
0x44: {  	_ =	shalt  }
0x45: {  	_ =	shalt  }
0x46: {  	_ =	shalt  }
0x47: {  	_ =	shalt  }
0x48: {  	_ =	shalt  }
0x49: {  	_ =	shalt  }
0x4a: {  	_ =	shalt  }
0x4b: {  	_ =	shalt  }
0x4c: {  	_ =	shalt  }
0x4d: {  	_ =	shalt  }
0x4e: {  	_ =	shalt  }
0x4f: {  	_ =	shalt  }
0x50: {  	_ =	shalt  }
0x51: {  	_ =	shalt  }
0x52: {  	_ =	shalt  }
0x53: {  	_ =	shalt  }
0x54: {  	_ =	shalt  }
0x55: {  	_ =	shalt  }
0x56: {  	_ =	shalt  }
0x57: {  	_ =	shalt  }
0x58: {  	_ =	shalt  }
0x59: {  	_ =	shalt  }
0x5a: {  	_ =	shalt  }
0x5b: {  	_ =	shalt  }
0x5c: {  	_ =	shalt  }
0x5d: {  	_ =	shalt  }
0x5e: {  	_ =	shalt  }
0x5f: {  	_ =	shalt  }
0x60: {  	_ =	shalt  }
0x61: {  	_ =	shalt  }
0x62: {  	_ =	shalt  }
0x63: {  	_ =	shalt  }
0x64: {  	_ =	shalt  }
0x65: {  	_ =	shalt  }
0x66: {  	_ =	shalt  }
0x67: {  	_ =	shalt  }
0x68: {  	_ =	shalt  }
0x69: {  	_ =	shalt  }
0x6a: {  	_ =	shalt  }
0x6b: {  	_ =	shalt  }
0x6c: {  	_ =	shalt  }
0x6d: {  	_ =	shalt  }
0x6e: {  	_ =	shalt  }
0x6f: {  	_ =	shalt  }
0x70: {  	_ =	shalt  }
0x71: {  	_ =	shalt  }
0x72: {  	_ =	shalt  }
0x73: {  	_ =	shalt  }
0x74: {  	_ =	shalt  }
0x75: {  	_ =	shalt  }
0x76: {  	_ =	shalt  }
0x77: {  	_ =	shalt  }
0x78: {  	_ =	shalt  }
0x79: {  	_ =	shalt  }
0x7a: {  	_ =	shalt  }
0x7b: {  	_ =	shalt  }
0x7c: {  	_ =	shalt  }
0x7d: {  	_ =	shalt  }
0x7e: {  	_ =	shalt  }
0x7f: {  	_ =	shalt  }
0x80: {  	_ =	shalt  }
0x81: {  	_ =	shalt  }
0x82: {  	_ =	shalt  }
0x83: {  	_ =	shalt  }
0x84: {  	_ =	shalt  }
0x85: {  	_ =	shalt  }
0x86: {  	_ =	shalt  }
0x87: {  	_ =	shalt  }
.Lfunc_end0:
.L_simem_size_0:
called_computation_lowered:
.L_overlay_start_0:
0x88: {  	s2 =	sld [smem:$0x3FD9]  }
0x89: {  	s3 =	sld [smem:$0x3FFE];
	_ =	sdelay $0x1  }
0x8a: {  	s1 =	srdreg.scid  }
0x8b: {  	s0 =	sand.u32 $0x1, s1  }
0x8c: {  	s17 =	sshll.u32 s0, $0xA;
	s2 =	sadd.s32 s3, s2  }
0x8d: {  	s2 =	sadd.s32 s2, s17  }
0x8e: {  	[smem:$0x3FBC] =	sst s2  }
0x8f: {  	_ = 	snop  }
0x90: {  	s2 =	sld [smem:$0x3FC9]  }
0x91: {  	s18 =	sld [smem:$0x3FD0];
	(tm) =	ssettm $0x1  }
0x92: {  	s4 =	sld [smem:$0x3FFB];
	_ =	sdelay $0x3  }
0x93: {  	_ =	strace s4  }
0x94: {  	s4 =	sld [smem:$0x3FFC];
	_ =	sdelay $0x3  }
0x95: {  	_ =	strace s4  }
0x96: {  	s4 =	sld [smem:$0x3FFD];
	_ =	sdelay $0x3  }
0x97: {  	_ =	strace s4  }
0x98: {  	_ =	strace $0x8FFFFFFF  }
0x99: {  	s19 =	sld [smem:$0x3FDB];
	_ =	sdelay $0x1  }
0x9a: {  	s5 =	simm.s32 $_scs_section_size  }
0x9b: {  	s6 =	simm.s32 $_size__tile_overlayer_lowered;
	s7 =	simm.s32 $_tile_overlayer_lowered  }
0x9c: {  	s22 =	simm.s32 $0x1BFF;
	s21 =	sshll.u32 s7, $0x1;
	s4 =	sadd.s32 s5, s19  }
0x9d: {  	s8 =	simm.s32 $0x0;
	s20 =	sshll.u32 s6, $0x1;
	s6 =	sadd.s32 s21, s4  }
0x9e: {  	[timem:s8], [sflag:s22] =	dma.local [hbm:s6], s20  }
0x9f: {  	_ =	swait.ge [sflag:s22], s20  }
0xa0: {  	s5 =	ssub.s32 $0x0, s20;
	[sflag:s22] =	ssyncset.done $0x0  }
0xa1: {  	[sflag:s22] =	ssyncadd.s32 s5;
	_ =	sdelay $0x1  }
0xa2: {  	s23 =	simm.s32 $0x1B8B  }
0xa3: {  	_ =	swait.ge [sflag:s23], $0x1  }
0xa4: {  	[sflag:s23] =	ssyncset.done $0x0  }
0xa5: {  	s25 =	simm.s32 $0x1B8E;
	s24 =	sld [smem:$0x3FFE];
	[sflag:s23] =	ssyncadd.s32 $0xFFFFFFFF  }
0xa6: {  	s26 =	simm.s32 $execute0_lowered;
	[smem:$0x3FD2] =	sst s25  }
0xa7: {  	s6 =	sshll.u32 s26, $0x1;
	_ =	strace $0x80000046;
	[dreg:$0x1] =	wrdreg $0xFFFFFFFF  }
0xa8: {  	s28 =	simm.s32 $_size_execute0_lowered;
	s4 =	sadd.s32 s4, s6;
	[dreg:$0x0] =	wrdreg $0x0  }
0xa9: {  	s6 =	sshll.u32 s28, $0x1;
	[dreg:$0x2] =	wrdreg s4  }
0xaa: {  	[dreg:$0x3] =	wrdreg s6  }
0xab: {  	[dreg:$0x4] =	wrdreg $0xC0  }
0xac: {  	_ =	task [dreg:s8], $0x5FFFF  }
0xad: {  	[dreg:$0x1] =	wrdreg $0xFFFFFFFF  }
0xae: {  	[dreg:$0x0] =	wrdreg $0x60  }
0xaf: {  	[dreg:$0x2] =	wrdreg s2  }
0xb0: {  	[dreg:$0x3] =	wrdreg s24  }
0xb1: {  	[dreg:$0x4] =	wrdreg s18  }
0xb2: {  	[dreg:$0x5] =	wrdreg $0x9  }
0xb3: {  	_ =	task.clear_ibuf [dreg:s8], $0x6FFFF;
	_ =	strace $0x90000046  }
0xb4: {  	s29 =	simm.s32 $0x9;
	_ =	strace $0x80000048  }
0xb5: {  	_ =	swait.ge [sflag:s29], $0x1  }
0xb6: {  	[sflag:s29] =	ssyncadd.s32 $0xFFFFFFFF  }
0xb7: {  	_ =	strace $0x90000048  }
0xb8: {  	_ =	sfence  }
0xb9: {  	s30 =	sld [smem:$0x0];
	_ =	sdelay $0x2  }
0xba: {  	s31 =	sshll.u32 s1, $0xD;
	s1 =	sshrl.u32 s1, $0x2  }
0xbb: {  	s3 =	sand.u32 $0x4000, s31;
	s1 =	sadd.s32 s1, s30  }
0xbc: {  	s0 =	sor.u32 s3, s0;
	s1 =	sshll.u32 s1, $0x11  }
0xbd: {  	s0 =	sor.u32 s1, s0  }
0xbe: {  	s0 =	sadd.s32 $0x8F2B, s0  }
0xbf: {  	[sflag:s0] =	ssyncadd.remote.s32 $0x1  }
0xc0: {  	_ =	sfence.sel $0xFFFF  }
0xc1: {  	[dreg:$0x0] =	wrdreg $0xFFFFFFFF;
	(pc) =	sbr.abs _section_cstart, $3  }
0xc2: {  	[dreg:$0x1] =	wrdreg $0xFFFFFFFF  }
0xc3: {  	_ =	task.clear_ibuf [dreg:s8], $0x2FFFF;
	_ =	strace $0x9FFFFFFF  }
0xc4: {  	(tm) =	ssettm $0x7FFFFFFF  }
0xc5: {  	_ =	shalt  }
tec
execute0_lowered:
.L_overlay_start_1:
0x0: {  	(tag) =	ssettag $0x1  }
0x1: {  	s0 =	rddreg [dreg:$0x0];
	s1 =	srdreg.scid  }
0x2: {  	s2 =	rddreg [dreg:$0x1];
	s3 =	stileid.u32  }
0x3: {  	s9 =	simm.s32 $0x2;
	s29 =	simm.s32 $0x1000;
	s30 =	simm.s32 $0x1800  }
0x4: {  	s31 =	simm.s32 $0x2000;
	s10 =	simm.s32 $0x4000;
	s11 =	simm.s32 $0x4800  }
0x5: {  	s12 =	simm.s32 $0x5000;
	s13 =	simm.s32 $0x5800;
	s14 =	simm.s32 $0x6000  }
0x6: {  	s15 =	simm.s32 $0x6800;
	s16 =	simm.s32 $0x7000;
	s17 =	simm.s32 $0x7800  }
0x7: {  	s18 =	simm.s32 $0x8000;
	s19 =	simm.s32 $0x8800;
	s20 =	simm.s32 $0x9000  }
0x8: {  	s21 =	simm.s32 $0x9800;
	s28 =	simm.s32 $0xB800;
	s1 =	sand.u32 $0x1, s1  }
0x9: {  	s4 =	sshll.u32 s3, $0x7;
	s3 =	simm.s32 $0x0;
	s7 =	sadd.s32 $0x50700, s2  }
0xa: {  	s5 =	sshll.u32 s1, $0x6;
	[smem:$0x7FF] =	sst s3;
	s1 =	ssub.s32 $0x2, s1  }
0xb: {  	s4 =	sor.u32 s5, s4;
	_ =	strace $0x80000047;
	s25 =	sshrl.u32 s1, $0x1  }
0xc: {  	s5 =	sshrl.u32 s4, $0x3;
	s6 =	sshll.u32 s4, $0x7;
	s4 =	sshll.u32 s4, $0x4  }
0xd: {  	s1 =	ssub.s32 s1, s25;
	s5 =	sadd.s32 s5, s2;
	s0 =	sadd.s32 s0, s6  }
0xe: {  	s25 =	simm.s32 $0xA800;
	[dreg:$0x4] =	wrdreg s0;
	s22 =	sadd.s32 $0x40200, s5  }
0xf: {  	s4 =	sadd.s32 s4, s2;
	s23 =	sadd.s32 $0x40000, s5;
	[dreg:$0x5] =	wrdreg s22  }
0x10: {  	s6 =	sadd.s32 $0x50600, s2;
	s24 =	sadd.s32 $0x48400, s4;
	[dreg:$0x6] =	wrdreg s23  }
0x11: {  	v2 =	vlaneseq.u32;
	s8 =	smax.u32 s1, $0x1;
	s26 =	sadd.s32 $0x40400, s4;
	[dreg:$0x7] =	wrdreg s24  }
0x12: {  	vm0 =	vmmov $0xffff;
	v1 =	vshrl.u32 v2, $0x3;
	s4 =	sadd.s32 $0x50400, s2;
	s5 =	sadd.s32 $0x50500, s2;
	[dreg:$0x8] =	wrdreg s26  }
0x13: {  	v0 =	vand.u32 $0x7, v2;
	v2 =	vor.u32 $0x8, v2;
	v1 =	vmul.u32 $0x8, v1;
	s22 =	simm.s32 $0x1;
	s24 =	simm.s32 $0xA000;
	s26 =	simm.s32 $0xB000  }
.LBB2_1:
0x14: {  	s23 =	rddreg [dreg:$0x4]  }
0x15: {  	[tilespmem:s3], [sflag:$0x2] =	stream.linear.gather [hbm4b:s23+s3], $0x10000, $0x38;
	[tilespmem:$0x14100] =	vst v63  }
0x16: {  	_ =	swait.ge [sflag:s9], $0x10000  }
0x17: {  	[sflag:s9] =	ssyncset.done $0x0  }
0x18: {  	s0 =	simm.s32 $0x14000;
	s2 =	rddreg [dreg:$0x5];
	[sflag:s9] =	ssyncadd.s32 $0xFFFF0000  }
0x19: {  	[tilespmem:s0], [sflag:$0x2] =	stream.linear.gather [hbm4b:s2+s3], $0x40, $0x38;
	[tilespmem:$0x14100] =	vst v63  }
0x1a: {  	_ =	swait.ge [sflag:s9], $0x40  }
0x1b: {  	[sflag:s9] =	ssyncset.done $0x0  }
0x1c: {  	s2 =	simm.s32 $0x14080;
	s1 =	rddreg [dreg:$0x6];
	[sflag:s9] =	ssyncadd.s32 $0xFFFFFFC0  }
0x1d: {  	[tilespmem:s2], [sflag:$0x2] =	stream.linear.gather [hbm4b:s1+s3], $0x40, $0x38;
	[tilespmem:$0x14100] =	vst v63  }
0x1e: {  	_ =	swait.ge [sflag:s9], $0x40  }
0x1f: {  	[sflag:s9] =	ssyncset.done $0x0  }
0x20: {  	s2 =	simm.s32 $0x10000;
	s1 =	rddreg [dreg:$0x7];
	[sflag:s9] =	ssyncadd.s32 $0xFFFFFFC0  }
0x21: {  	[tilespmem:s2], [sflag:$0x2] =	stream.linear.gather [hbm4b:s1+s3], $0x2000, $0x38;
	[tilespmem:$0x14100] =	vst v63  }
0x22: {  	_ =	swait.ge [sflag:s9], $0x2000  }
0x23: {  	[sflag:s9] =	ssyncset.done $0x0  }
0x24: {  	s1 =	simm.s32 $0x12000;
	s0 =	rddreg [dreg:$0x8];
	[sflag:s9] =	ssyncadd.s32 $0xFFFFE000  }
0x25: {  	[tilespmem:s1], [sflag:$0x2] =	stream.linear.gather [hbm4b:s0+s3], $0x2000, $0x38;
	[tilespmem:$0x14100] =	vst v63  }
0x26: {  	_ =	swait.ge [sflag:s9], $0x2000  }
0x27: {  	[sflag:s9] =	ssyncset.done $0x0  }
0x28: {  	[sflag:s9] =	ssyncadd.s32 $0xFFFFE000  }
0x29: {  	v3 =	vld [tilespmem:$0x14000];
	_ =	sdelay $0x4  }
0x2a: {  	v4 =	vshll.u32 v3, $0x3  }
0x2b: {  	v3 =	vand.u32 $0x7, v3;
	v4 =	vand.u32 $0xFFFFFFC0, v4  }
0x2c: {  	v3 =	vor.u32 v3, v4  }
0x2d: {  	v4 =	vperm.xlane v3, v0;
	_ =	sdelay $0x1  }
0x2e: {  	v4 =	vadd.s32 v1, v4;
	_ =	sdelay $0x4  }
0x2f: {  	[hbm4b:s4+s3] =	stream.indirect_vreg.scatter [tilespmem:s3], [sflag:$0x1], $0x80, v4, vm0, $0xb8;
	[tilespmem:$0x14100] =	vst v63  }
0x30: {  	s23 =	simm.s32 $0x800;
	v3 =	vperm.xlane v3, v2  }
0x31: {  	[hbm4b:s5+s3] =	stream.indirect_vreg.scatter [tilespmem:s23], [sflag:$0x1], $0x80, v4, vm0, $0xb8;
	[tilespmem:$0x14100] =	vst v63  }
0x32: {  	v3 =	vadd.s32 v1, v3  }
0x33: {  	[hbm4b:s6+s3] =	stream.indirect_vreg.scatter [tilespmem:s29], [sflag:$0x1], $0x80, v4, vm0, $0xb8;
	[tilespmem:$0x14100] =	vst v63  }
0x34: {  	_ = 	snop  }
0x35: {  	[hbm4b:s7+s3] =	stream.indirect_vreg.scatter [tilespmem:s30], [sflag:$0x1], $0x80, v4, vm0, $0xb8;
	[tilespmem:$0x14100] =	vst v63  }
0x36: {  	_ = 	snop  }
0x37: {  	[hbm4b:s4+s3] =	stream.indirect_vreg.scatter [tilespmem:s31], [sflag:$0x1], $0x80, v3, vm0, $0xb8;
	[tilespmem:$0x14100] =	vst v63  }
0x38: {  	s1 =	simm.s32 $0x2800  }
0x39: {  	[hbm4b:s5+s3] =	stream.indirect_vreg.scatter [tilespmem:s1], [sflag:$0x1], $0x80, v3, vm0, $0xb8;
	[tilespmem:$0x14100] =	vst v63  }
0x3a: {  	s2 =	simm.s32 $0x3000  }
0x3b: {  	[hbm4b:s6+s3] =	stream.indirect_vreg.scatter [tilespmem:s2], [sflag:$0x1], $0x80, v3, vm0, $0xb8;
	[tilespmem:$0x14100] =	vst v63  }
0x3c: {  	s2 =	simm.s32 $0x3800  }
0x3d: {  	[hbm4b:s7+s3] =	stream.indirect_vreg.scatter [tilespmem:s2], [sflag:$0x1], $0x80, v3, vm0, $0xb8;
	[tilespmem:$0x14100] =	vst v63  }
0x3e: {  	v3 =	vld [tilespmem:$0x14010];
	_ =	sdelay $0x4  }
0x3f: {  	v57 =	vshll.u32 v3, $0x3  }
0x40: {  	v3 =	vand.u32 $0x7, v3;
	v4 =	vand.u32 $0xFFFFFFC0, v57  }
0x41: {  	v3 =	vor.u32 v3, v4  }
0x42: {  	v4 =	vperm.xlane v3, v0;
	_ =	sdelay $0x1  }
0x43: {  	v4 =	vadd.s32 v1, v4;
	_ =	sdelay $0x4  }
0x44: {  	[hbm4b:s4+s3] =	stream.indirect_vreg.scatter [tilespmem:s10], [sflag:$0x1], $0x80, v4, vm0, $0xb8;
	[tilespmem:$0x14100] =	vst v63  }
0x45: {  	v3 =	vperm.xlane v3, v2  }
0x46: {  	[hbm4b:s5+s3] =	stream.indirect_vreg.scatter [tilespmem:s11], [sflag:$0x1], $0x80, v4, vm0, $0xb8;
	[tilespmem:$0x14100] =	vst v63  }
0x47: {  	v3 =	vadd.s32 v1, v3  }
0x48: {  	[hbm4b:s6+s3] =	stream.indirect_vreg.scatter [tilespmem:s12], [sflag:$0x1], $0x80, v4, vm0, $0xb8;
	[tilespmem:$0x14100] =	vst v63  }
0x49: {  	_ = 	snop  }
0x4a: {  	[hbm4b:s7+s3] =	stream.indirect_vreg.scatter [tilespmem:s13], [sflag:$0x1], $0x80, v4, vm0, $0xb8;
	[tilespmem:$0x14100] =	vst v63  }
0x4b: {  	_ = 	snop  }
0x4c: {  	[hbm4b:s4+s3] =	stream.indirect_vreg.scatter [tilespmem:s14], [sflag:$0x1], $0x80, v3, vm0, $0xb8;
	[tilespmem:$0x14100] =	vst v63  }
0x4d: {  	_ = 	snop  }
0x4e: {  	[hbm4b:s5+s3] =	stream.indirect_vreg.scatter [tilespmem:s15], [sflag:$0x1], $0x80, v3, vm0, $0xb8;
	[tilespmem:$0x14100] =	vst v63  }
0x4f: {  	_ = 	snop  }
0x50: {  	[hbm4b:s6+s3] =	stream.indirect_vreg.scatter [tilespmem:s16], [sflag:$0x1], $0x80, v3, vm0, $0xb8;
	[tilespmem:$0x14100] =	vst v63  }
0x51: {  	_ = 	snop  }
0x52: {  	[hbm4b:s7+s3] =	stream.indirect_vreg.scatter [tilespmem:s17], [sflag:$0x1], $0x80, v3, vm0, $0xb8;
	[tilespmem:$0x14100] =	vst v63  }
0x53: {  	v3 =	vld [tilespmem:$0x14020];
	_ =	sdelay $0x4  }
0x54: {  	v58 =	vshll.u32 v3, $0x3  }
0x55: {  	v3 =	vand.u32 $0x7, v3;
	v4 =	vand.u32 $0xFFFFFFC0, v58  }
0x56: {  	v3 =	vor.u32 v3, v4  }
0x57: {  	v4 =	vperm.xlane v3, v0;
	_ =	sdelay $0x1  }
0x58: {  	v4 =	vadd.s32 v1, v4;
	_ =	sdelay $0x4  }
0x59: {  	[hbm4b:s4+s3] =	stream.indirect_vreg.scatter [tilespmem:s18], [sflag:$0x1], $0x80, v4, vm0, $0xb8;
	[tilespmem:$0x14100] =	vst v63  }
0x5a: {  	v3 =	vperm.xlane v3, v2  }
0x5b: {  	[hbm4b:s5+s3] =	stream.indirect_vreg.scatter [tilespmem:s19], [sflag:$0x1], $0x80, v4, vm0, $0xb8;
	[tilespmem:$0x14100] =	vst v63  }
0x5c: {  	v3 =	vadd.s32 v1, v3  }
0x5d: {  	[hbm4b:s6+s3] =	stream.indirect_vreg.scatter [tilespmem:s20], [sflag:$0x1], $0x80, v4, vm0, $0xb8;
	[tilespmem:$0x14100] =	vst v63  }
0x5e: {  	_ = 	snop  }
0x5f: {  	[hbm4b:s7+s3] =	stream.indirect_vreg.scatter [tilespmem:s21], [sflag:$0x1], $0x80, v4, vm0, $0xb8;
	[tilespmem:$0x14100] =	vst v63  }
0x60: {  	_ = 	snop  }
0x61: {  	[hbm4b:s4+s3] =	stream.indirect_vreg.scatter [tilespmem:s24], [sflag:$0x1], $0x80, v3, vm0, $0xb8;
	[tilespmem:$0x14100] =	vst v63  }
0x62: {  	_ = 	snop  }
0x63: {  	[hbm4b:s5+s3] =	stream.indirect_vreg.scatter [tilespmem:s25], [sflag:$0x1], $0x80, v3, vm0, $0xb8;
	[tilespmem:$0x14100] =	vst v63  }
0x64: {  	_ = 	snop  }
0x65: {  	[hbm4b:s6+s3] =	stream.indirect_vreg.scatter [tilespmem:s26], [sflag:$0x1], $0x80, v3, vm0, $0xb8;
	[tilespmem:$0x14100] =	vst v63  }
0x66: {  	_ = 	snop  }
0x67: {  	[hbm4b:s7+s3] =	stream.indirect_vreg.scatter [tilespmem:s28], [sflag:$0x1], $0x80, v3, vm0, $0xb8;
	[tilespmem:$0x14100] =	vst v63  }
0x68: {  	v3 =	vld [tilespmem:$0x14030];
	_ =	sdelay $0x4  }
0x69: {  	v59 =	vshll.u32 v3, $0x3  }
0x6a: {  	v3 =	vand.u32 $0x7, v3;
	v4 =	vand.u32 $0xFFFFFFC0, v59  }
0x6b: {  	v3 =	vor.u32 v3, v4  }
0x6c: {  	v4 =	vperm.xlane v3, v0;
	_ =	sdelay $0x1  }
0x6d: {  	v4 =	vadd.s32 v1, v4;
	_ =	sdelay $0x3  }
0x6e: {  	s0 =	simm.s32 $0xC000  }
0x6f: {  	[hbm4b:s4+s3] =	stream.indirect_vreg.scatter [tilespmem:s0], [sflag:$0x1], $0x80, v4, vm0, $0xb8;
	[tilespmem:$0x14100] =	vst v63  }
0x70: {  	v3 =	vperm.xlane v3, v2;
	s0 =	simm.s32 $0xC800  }
0x71: {  	[hbm4b:s5+s3] =	stream.indirect_vreg.scatter [tilespmem:s0], [sflag:$0x1], $0x80, v4, vm0, $0xb8;
	[tilespmem:$0x14100] =	vst v63  }
0x72: {  	v3 =	vadd.s32 v1, v3;
	s0 =	simm.s32 $0xD000  }
0x73: {  	[hbm4b:s6+s3] =	stream.indirect_vreg.scatter [tilespmem:s0], [sflag:$0x1], $0x80, v4, vm0, $0xb8;
	[tilespmem:$0x14100] =	vst v63  }
0x74: {  	s0 =	simm.s32 $0xD800  }
0x75: {  	[hbm4b:s7+s3] =	stream.indirect_vreg.scatter [tilespmem:s0], [sflag:$0x1], $0x80, v4, vm0, $0xb8;
	[tilespmem:$0x14100] =	vst v63  }
0x76: {  	s0 =	simm.s32 $0xE000  }
0x77: {  	[hbm4b:s4+s3] =	stream.indirect_vreg.scatter [tilespmem:s0], [sflag:$0x1], $0x80, v3, vm0, $0xb8;
	[tilespmem:$0x14100] =	vst v63  }
0x78: {  	s0 =	simm.s32 $0xE800  }
0x79: {  	[hbm4b:s5+s3] =	stream.indirect_vreg.scatter [tilespmem:s0], [sflag:$0x1], $0x80, v3, vm0, $0xb8;
	[tilespmem:$0x14100] =	vst v63  }
0x7a: {  	s0 =	simm.s32 $0xF000  }
0x7b: {  	[hbm4b:s6+s3] =	stream.indirect_vreg.scatter [tilespmem:s0], [sflag:$0x1], $0x80, v3, vm0, $0xb8;
	[tilespmem:$0x14100] =	vst v63  }
0x7c: {  	s0 =	simm.s32 $0xF800  }
0x7d: {  	[hbm4b:s7+s3] =	stream.indirect_vreg.scatter [tilespmem:s0], [sflag:$0x1], $0x80, v3, vm0, $0xb8;
	[tilespmem:$0x14100] =	vst v63  }
0x7e: {  	v3 =	vld [tilespmem:$0x14080];
	_ =	sdelay $0x4  }
0x7f: {  	v60 =	vshll.u32 v3, $0x3  }
0x80: {  	v3 =	vand.u32 $0x7, v3;
	v4 =	vand.u32 $0xFFFFFFC0, v60  }
0x81: {  	v3 =	vor.u32 v3, v4  }
0x82: {  	v4 =	vperm.xlane v3, v0;
	_ =	sdelay $0x1  }
0x83: {  	v4 =	vadd.s32 v1, v4;
	_ =	sdelay $0x4  }
0x84: {  	[hbm4b:s4+s3] =	stream.indirect_vreg.scatter [tilespmem:s3], [sflag:$0x1], $0x80, v4, vm0, $0xb8;
	[tilespmem:$0x14100] =	vst v63  }
0x85: {  	v3 =	vperm.xlane v3, v2  }
0x86: {  	[hbm4b:s5+s3] =	stream.indirect_vreg.scatter [tilespmem:s23], [sflag:$0x1], $0x80, v4, vm0, $0xb8;
	[tilespmem:$0x14100] =	vst v63  }
0x87: {  	v3 =	vadd.s32 v1, v3  }
0x88: {  	[hbm4b:s6+s3] =	stream.indirect_vreg.scatter [tilespmem:s29], [sflag:$0x1], $0x80, v4, vm0, $0xb8;
	[tilespmem:$0x14100] =	vst v63  }
0x89: {  	_ = 	snop  }
0x8a: {  	[hbm4b:s7+s3] =	stream.indirect_vreg.scatter [tilespmem:s30], [sflag:$0x1], $0x80, v4, vm0, $0xb8;
	[tilespmem:$0x14100] =	vst v63  }
0x8b: {  	_ = 	snop  }
0x8c: {  	[hbm4b:s4+s3] =	stream.indirect_vreg.scatter [tilespmem:s31], [sflag:$0x1], $0x80, v3, vm0, $0xb8;
	[tilespmem:$0x14100] =	vst v63  }
0x8d: {  	_ = 	snop  }
0x8e: {  	[hbm4b:s5+s3] =	stream.indirect_vreg.scatter [tilespmem:s1], [sflag:$0x1], $0x80, v3, vm0, $0xb8;
	[tilespmem:$0x14100] =	vst v63  }
0x8f: {  	s23 =	simm.s32 $0x3000  }
0x90: {  	[hbm4b:s6+s3] =	stream.indirect_vreg.scatter [tilespmem:s23], [sflag:$0x1], $0x80, v3, vm0, $0xb8;
	[tilespmem:$0x14100] =	vst v63  }
0x91: {  	_ = 	snop  }
0x92: {  	[hbm4b:s7+s3] =	stream.indirect_vreg.scatter [tilespmem:s2], [sflag:$0x1], $0x80, v3, vm0, $0xb8;
	[tilespmem:$0x14100] =	vst v63  }
0x93: {  	v3 =	vld [tilespmem:$0x14090];
	_ =	sdelay $0x4  }
0x94: {  	v61 =	vshll.u32 v3, $0x3  }
0x95: {  	v3 =	vand.u32 $0x7, v3;
	v4 =	vand.u32 $0xFFFFFFC0, v61  }
0x96: {  	v3 =	vor.u32 v3, v4  }
0x97: {  	v4 =	vperm.xlane v3, v0;
	_ =	sdelay $0x1  }
0x98: {  	v4 =	vadd.s32 v1, v4;
	_ =	sdelay $0x4  }
0x99: {  	[hbm4b:s4+s3] =	stream.indirect_vreg.scatter [tilespmem:s10], [sflag:$0x1], $0x80, v4, vm0, $0xb8;
	[tilespmem:$0x14100] =	vst v63  }
0x9a: {  	v3 =	vperm.xlane v3, v2  }
0x9b: {  	[hbm4b:s5+s3] =	stream.indirect_vreg.scatter [tilespmem:s11], [sflag:$0x1], $0x80, v4, vm0, $0xb8;
	[tilespmem:$0x14100] =	vst v63  }
0x9c: {  	v3 =	vadd.s32 v1, v3  }
0x9d: {  	[hbm4b:s6+s3] =	stream.indirect_vreg.scatter [tilespmem:s12], [sflag:$0x1], $0x80, v4, vm0, $0xb8;
	[tilespmem:$0x14100] =	vst v63  }
0x9e: {  	_ = 	snop  }
0x9f: {  	[hbm4b:s7+s3] =	stream.indirect_vreg.scatter [tilespmem:s13], [sflag:$0x1], $0x80, v4, vm0, $0xb8;
	[tilespmem:$0x14100] =	vst v63  }
0xa0: {  	_ = 	snop  }
0xa1: {  	[hbm4b:s4+s3] =	stream.indirect_vreg.scatter [tilespmem:s14], [sflag:$0x1], $0x80, v3, vm0, $0xb8;
	[tilespmem:$0x14100] =	vst v63  }
0xa2: {  	_ = 	snop  }
0xa3: {  	[hbm4b:s5+s3] =	stream.indirect_vreg.scatter [tilespmem:s15], [sflag:$0x1], $0x80, v3, vm0, $0xb8;
	[tilespmem:$0x14100] =	vst v63  }
0xa4: {  	_ = 	snop  }
0xa5: {  	[hbm4b:s6+s3] =	stream.indirect_vreg.scatter [tilespmem:s16], [sflag:$0x1], $0x80, v3, vm0, $0xb8;
	[tilespmem:$0x14100] =	vst v63  }
0xa6: {  	_ = 	snop  }
0xa7: {  	[hbm4b:s7+s3] =	stream.indirect_vreg.scatter [tilespmem:s17], [sflag:$0x1], $0x80, v3, vm0, $0xb8;
	[tilespmem:$0x14100] =	vst v63  }
0xa8: {  	v3 =	vld [tilespmem:$0x140A0];
	_ =	sdelay $0x4  }
0xa9: {  	v62 =	vshll.u32 v3, $0x3  }
0xaa: {  	v3 =	vand.u32 $0x7, v3;
	v4 =	vand.u32 $0xFFFFFFC0, v62  }
0xab: {  	v3 =	vor.u32 v3, v4  }
0xac: {  	v4 =	vperm.xlane v3, v0;
	_ =	sdelay $0x1  }
0xad: {  	v4 =	vadd.s32 v1, v4;
	_ =	sdelay $0x4  }
0xae: {  	[hbm4b:s4+s3] =	stream.indirect_vreg.scatter [tilespmem:s18], [sflag:$0x1], $0x80, v4, vm0, $0xb8;
	[tilespmem:$0x14100] =	vst v63  }
0xaf: {  	v3 =	vperm.xlane v3, v2  }
0xb0: {  	[hbm4b:s5+s3] =	stream.indirect_vreg.scatter [tilespmem:s19], [sflag:$0x1], $0x80, v4, vm0, $0xb8;
	[tilespmem:$0x14100] =	vst v63  }
0xb1: {  	v3 =	vadd.s32 v1, v3  }
0xb2: {  	[hbm4b:s6+s3] =	stream.indirect_vreg.scatter [tilespmem:s20], [sflag:$0x1], $0x80, v4, vm0, $0xb8;
	[tilespmem:$0x14100] =	vst v63  }
0xb3: {  	_ = 	snop  }
0xb4: {  	[hbm4b:s7+s3] =	stream.indirect_vreg.scatter [tilespmem:s21], [sflag:$0x1], $0x80, v4, vm0, $0xb8;
	[tilespmem:$0x14100] =	vst v63  }
0xb5: {  	_ = 	snop  }
0xb6: {  	[hbm4b:s4+s3] =	stream.indirect_vreg.scatter [tilespmem:s24], [sflag:$0x1], $0x80, v3, vm0, $0xb8;
	[tilespmem:$0x14100] =	vst v63  }
0xb7: {  	_ = 	snop  }
0xb8: {  	[hbm4b:s5+s3] =	stream.indirect_vreg.scatter [tilespmem:s25], [sflag:$0x1], $0x80, v3, vm0, $0xb8;
	[tilespmem:$0x14100] =	vst v63  }
0xb9: {  	_ = 	snop  }
0xba: {  	[hbm4b:s6+s3] =	stream.indirect_vreg.scatter [tilespmem:s26], [sflag:$0x1], $0x80, v3, vm0, $0xb8;
	[tilespmem:$0x14100] =	vst v63  }
0xbb: {  	_ = 	snop  }
0xbc: {  	[hbm4b:s7+s3] =	stream.indirect_vreg.scatter [tilespmem:s28], [sflag:$0x1], $0x80, v3, vm0, $0xb8;
	[tilespmem:$0x14100] =	vst v63  }
0xbd: {  	v3 =	vld [tilespmem:$0x140B0];
	_ =	sdelay $0x4  }
0xbe: {  	v63 =	vshll.u32 v3, $0x3  }
0xbf: {  	v3 =	vand.u32 $0x7, v3;
	v4 =	vand.u32 $0xFFFFFFC0, v63  }
0xc0: {  	v3 =	vor.u32 v3, v4  }
0xc1: {  	v4 =	vperm.xlane v3, v0;
	_ =	sdelay $0x1  }
0xc2: {  	v4 =	vadd.s32 v1, v4;
	_ =	sdelay $0x3  }
0xc3: {  	s23 =	simm.s32 $0xC000  }
0xc4: {  	[hbm4b:s4+s3] =	stream.indirect_vreg.scatter [tilespmem:s23], [sflag:$0x1], $0x80, v4, vm0, $0xb8;
	[tilespmem:$0x14100] =	vst v63  }
0xc5: {  	s2 =	simm.s32 $0xC800;
	v3 =	vperm.xlane v3, v2  }
0xc6: {  	[hbm4b:s5+s3] =	stream.indirect_vreg.scatter [tilespmem:s2], [sflag:$0x1], $0x80, v4, vm0, $0xb8;
	[tilespmem:$0x14100] =	vst v63  }
0xc7: {  	v3 =	vadd.s32 v1, v3;
	s23 =	simm.s32 $0xD000  }
0xc8: {  	[hbm4b:s6+s3] =	stream.indirect_vreg.scatter [tilespmem:s23], [sflag:$0x1], $0x80, v4, vm0, $0xb8;
	[tilespmem:$0x14100] =	vst v63  }
0xc9: {  	s2 =	simm.s32 $0xD800  }
0xca: {  	[hbm4b:s7+s3] =	stream.indirect_vreg.scatter [tilespmem:s2], [sflag:$0x1], $0x80, v4, vm0, $0xb8;
	[tilespmem:$0x14100] =	vst v63  }
0xcb: {  	s23 =	simm.s32 $0xE000  }
0xcc: {  	[hbm4b:s4+s3] =	stream.indirect_vreg.scatter [tilespmem:s23], [sflag:$0x1], $0x80, v3, vm0, $0xb8;
	[tilespmem:$0x14100] =	vst v63  }
0xcd: {  	s2 =	simm.s32 $0xE800  }
0xce: {  	[hbm4b:s5+s3] =	stream.indirect_vreg.scatter [tilespmem:s2], [sflag:$0x1], $0x80, v3, vm0, $0xb8;
	[tilespmem:$0x14100] =	vst v63  }
0xcf: {  	s23 =	simm.s32 $0xF000  }
0xd0: {  	[hbm4b:s6+s3] =	stream.indirect_vreg.scatter [tilespmem:s23], [sflag:$0x1], $0x80, v3, vm0, $0xb8;
	[tilespmem:$0x14100] =	vst v63  }
0xd1: {  	s1 =	simm.s32 $0x14000  }
0xd2: {  	[hbm4b:s7+s3] =	stream.indirect_vreg.scatter [tilespmem:s0], [sflag:$0x1], $0x80, v3, vm0, $0xb8;
	[tilespmem:$0x14100] =	vst v63  }
0xd3: {  	s2 =	simm.s32 $0x10000;
	s23 =	rddreg [dreg:$0x2];
	s0 =	simm.s32 $0x40  }
0xd4: {  	[hbm4b:s23+s0] =	stream.indirect.scatter [tilespmem:s2], [sflag:$0x1], $0x80, s1, s0, $0xb8;
	[tilespmem:$0x14100] =	vst v63  }
0xd5: {  	s1 =	simm.s32 $0x14080;
	s2 =	simm.s32 $0x12000  }
0xd6: {  	[hbm4b:s23+s0] =	stream.indirect.scatter [tilespmem:s2], [sflag:$0x1], $0x80, s1, s0, $0xb8;
	[tilespmem:$0x14100] =	vst v63  }
0xd7: {  	_ =	swait.ge [sflag:s22], $0x10000  }
0xd8: {  	[sflag:s22] =	ssyncset.done $0x0  }
0xd9: {  	[sflag:s22] =	ssyncadd.s32 $0xFFFF0000  }
0xda: {  	_ =	swait.ge [sflag:s22], $0x10000  }
0xdb: {  	[sflag:s22] =	ssyncset.done $0x0  }
0xdc: {  	[sflag:s22] =	ssyncadd.s32 $0xFFFF0000  }
0xdd: {  	p0 =	sne.s32 s8, $0x1;
	_ =	swait.ge [sflag:s22], $0x2000  }
.Ltmp0:
0xde: {  	[sflag:s22] =	ssyncset.done $0x0;
	(pc) =	sbr.rel @p0 .LBB2_1-.Ltmp0, $4  }
0xdf: {  	[sflag:s22] =	ssyncadd.s32 $0xFFFFE000  }
0xe0: {  	_ =	swait.ge [sflag:s22], $0x2000  }
0xe1: {  	[sflag:s22] =	ssyncset.done $0x0  }
0xe2: {  	s8 =	sadd.s32 $0xFFFFFFFF, s8;
	[sflag:s22] =	ssyncadd.s32 $0xFFFFE000  }
0xe3: {  	_ =	sfence.sel $0x180000  }
0xe4: {  	[bflag:$0x0] =	sbarrier.arrive $0xFFFF  }
0xe5: {  	_ =	strace $0x90000047  }
0xe6: {  	s0 =	stileid.u32;
	[bflag:$0x2] =	sbarrier.arrive $0xFFFF  }
0xe7: {  	p0 =	sne.s32 s0, $0x0;
	s0 =	rddreg [dreg:$0x3]  }
0xe8: {  	s0 =	sadd.s32 @!p0 $0x100000, s0  }
0xe9: {  	[sflag:s0] =	ssyncadd.tile.s32 @!p0 $0x1;
	_ =	shalt  }
.Lfunc_end2:
_tile_overlayer_lowered:
.L_overlay_start_2:
0xea: {  	(tag) =	ssettag $0x2  }
0xeb: {  	s0 =	rddreg [dreg:$0x0];
	s2 =	stileid.u32  }
0xec: {  	s1 =	rddreg [dreg:$0x1];
	p0 =	sne.s32 s2, $0x0  }
0xed: {  	s3 =	rddreg [dreg:$0x2];
	[bflag:$0x3] =	sbarrier.arrive $0xFFFF;
	s2 =	simm.s32 @!p0 $0x1C02  }
0xee: {  	[timem:s3], [sflag:s2] =	dma.local @!p0 [hbm:s0], s1  }
0xef: {  	s0 =	simm.s32 @!p0 $0x2  }
0xf0: {  	_ =	swait.ge @!p0 [sflag:s0], s1  }
0xf1: {  	s1 =	ssub.s32 @!p0 $0x0, s1;
	[sflag:s0] =	ssyncset.done @!p0 $0x0  }
0xf2: {  	[sflag:s0] =	ssyncadd.s32 @!p0 s1  }
0xf3: {  	[bflag:$0x3] =	sbarrier.arrive $0xFFFF  }
0xf4: {  	_ =	shalt  }

// kernel: kernel.9.cloned.1.call-start
scs
__scs_entry_jumppad:
0x0: {  	(pc) =	sbr.rel $0x88, $3  }
0x1: {  	(tag) =	ssettag $0x0;
	lr =	simm.s32 $0x1  }
0x2: {  	[smem:$0x3F95] =	sst lr;
	_ =	strace $0xD0000000  }
0x3: {  	_ = 	snop  }
0x4: {  	_ = 	snop  }
0x5: {  	_ = 	snop  }
0x6: {  	_ = 	snop  }
0x7: {  	_ = 	snop  }
__scs_overlays_trampoline_lowered:
0x8: {  	[smem:$0x3FA4] =	sst s0  }
0x9: {  	[smem:$0x3FA5] =	sst s1  }
0xa: {  	[smem:$0x3FA6] =	sst s2  }
0xb: {  	[smem:$0x3FA7] =	sst s3  }
0xc: {  	[smem:$0x3FA8] =	sst s4  }
0xd: {  	[smem:$0x3FA9] =	sst s5  }
0xe: {  	[smem:$0x3FAA] =	sst s6  }
0xf: {  	[smem:$0x3FAB] =	sst s7  }
0x10: {  	[smem:$0x3FAC] =	sst s8  }
0x11: {  	[smem:$0x3FAD] =	sst s9;
	s0 =	simm.s32 @!p0 $0x0  }
0x12: {  	s1 =	sld [smem:$0x3F93];
	s0 =	simm.s32 @p0 $0x1  }
0x13: {  	[smem:$0x3FAE] =	sst s0;
	s0 =	simm.s32 @!p1 $0x0  }
0x14: {  	s2 =	sld [smem:$0x3F92];
	s0 =	simm.s32 @p1 $0x1  }
0x15: {  	[smem:$0x3FAF] =	sst s0;
	s0 =	simm.s32 @!p2 $0x0  }
0x16: {  	s3 =	sld [smem:$0x3FDB];
	s0 =	simm.s32 @p2 $0x1  }
0x17: {  	s4 =	simm.s32 $0x1BF5;
	[smem:$0x3FB1] =	sst s0  }
0x18: {  	s0 =	sld [smem:$0x3F94];
	_ =	swait.ge [sflag:s4], $0x0  }
0x19: {  	s7 =	sld [smem:$0x3F95]  }
0x1a: {  	s8 =	sadd.s32 $0xFFFFE003, lr  }
0x1b: {  	s9 =	sadd.s32 $0xFFFFFEF7, lr;
	s5 =	simm.s32 $0xFFFFFFFF;
	p2 =	slt.u32 s8, $0xFFFFF086  }
0x1c: {  	p1 =	slt.u32 s9, $0xF7A;
	s5 =	simm.s32 @!p2 $0x0  }
0x1d: {  	s5 =	simm.s32 @p1 $0x1;
	p0 =	seq.s32 s7, s2  }
0x1e: {  	s7 =	smul.u32 @!p0 $0xF7A, s2;
	p2 =	seq.s32 @!p0 s5, $0x0  }
0x1f: {  	s9 =	smul.u32 $0xF7A, s1;
	s8 =	simm.s32 @!p0 $0x1BF5;
	p2 =	por !p2, p0  }
0x20: {  	[sflag:s8] =	ssyncset.s32 @!p0 $0xFFFFF086;
	s6 =	sadd.s32 @!p0 s3, s7;
	s7 =	simm.s32 @!p0 $0x108  }
0x21: {  	s3 =	sadd.s32 s3, s9;
	s6 =	sadd.s32 @!p0 $0x88, s6;
	s7 =	simm.s32 @p2 $0x1082  }
0x22: {  	[simem:s7], [sflag:s8] =	dma.local @!p0 [hbm:s6], $0xF7A  }
0x23: {  	s9 =	sor.u32 $0xD0000000, s2;
	s6 =	simm.s32 $0x108;
	_ =	swait.ge @!p0 [sflag:s8], $0x0  }
0x24: {  	s3 =	sadd.s32 $0x88, s3;
	s6 =	simm.s32 @!p1 $0x1082;
	[sflag:s4] =	ssyncset.s32 $0xFFFFF086  }
0x25: {  	[simem:s6], [sflag:s4] =	dma.local [hbm:s3], $0xF7A  }
0x26: {  	[smem:$0x3F95] =	sst s1;
	(tag) =	ssettag s2;
	_ =	strace s9  }
0x27: {  	s1 =	sld [smem:$0x3FA5]  }
0x28: {  	s2 =	sld [smem:$0x3FA6]  }
0x29: {  	s4 =	sld [smem:$0x3FA8]  }
0x2a: {  	p0 =	seq.s32 s5, $0x0;
	s5 =	sld [smem:$0x3FA9]  }
0x2b: {  	s6 =	sld [smem:$0x3FAA]  }
0x2c: {  	s7 =	sld [smem:$0x3FAB]  }
0x2d: {  	s3 =	simm.s32 $0x108;
	s8 =	sld [smem:$0x3FAC]  }
0x2e: {  	s3 =	simm.s32 @!p0 $0x1082;
	s9 =	sld [smem:$0x3FAD]  }
0x2f: {  	lr =	sadd.s32 s0, s3;
	s0 =	sld [smem:$0x3FA4]  }
0x30: {  	s3 =	sld [smem:$0x3FA7]  }
0x31: {  	[smem:$0x3FB0] =	sst s10  }
0x32: {  	s10 =	sld [smem:$0x3FAE];
	_ =	sdelay $0x3  }
0x33: {  	p0 =	seq.s32 s10, $0x1;
	s10 =	sld [smem:$0x3FB0];
	_ =	sdelay $0x3  }
0x34: {  	[smem:$0x3FB0] =	sst s10  }
0x35: {  	s10 =	sld [smem:$0x3FAF];
	_ =	sdelay $0x3  }
0x36: {  	p1 =	seq.s32 s10, $0x1;
	s10 =	sld [smem:$0x3FB0];
	_ =	sdelay $0x3  }
0x37: {  	[smem:$0x3FB0] =	sst s10  }
0x38: {  	s10 =	sld [smem:$0x3FB1]  }
0x39: {  	_ = 	snop;
	(pc) =	sbr.ind lr, $3  }
0x3a: {  	_ = 	snop  }
0x3b: {  	_ = 	snop  }
0x3c: {  	p2 =	seq.s32 s10, $0x1;
	s10 =	sld [smem:$0x3FB0]  }
0x3d: {  	_ =	shalt  }
0x3e: {  	_ =	shalt  }
0x3f: {  	_ =	shalt  }
0x40: {  	_ =	shalt  }
0x41: {  	_ =	shalt  }
0x42: {  	_ =	shalt  }
0x43: {  	_ =	shalt  }
0x44: {  	_ =	shalt  }
0x45: {  	_ =	shalt  }
0x46: {  	_ =	shalt  }
0x47: {  	_ =	shalt  }
0x48: {  	_ =	shalt  }
0x49: {  	_ =	shalt  }
0x4a: {  	_ =	shalt  }
0x4b: {  	_ =	shalt  }
0x4c: {  	_ =	shalt  }
0x4d: {  	_ =	shalt  }
0x4e: {  	_ =	shalt  }
0x4f: {  	_ =	shalt  }
0x50: {  	_ =	shalt  }
0x51: {  	_ =	shalt  }
0x52: {  	_ =	shalt  }
0x53: {  	_ =	shalt  }
0x54: {  	_ =	shalt  }
0x55: {  	_ =	shalt  }
0x56: {  	_ =	shalt  }
0x57: {  	_ =	shalt  }
0x58: {  	_ =	shalt  }
0x59: {  	_ =	shalt  }
0x5a: {  	_ =	shalt  }
0x5b: {  	_ =	shalt  }
0x5c: {  	_ =	shalt  }
0x5d: {  	_ =	shalt  }
0x5e: {  	_ =	shalt  }
0x5f: {  	_ =	shalt  }
0x60: {  	_ =	shalt  }
0x61: {  	_ =	shalt  }
0x62: {  	_ =	shalt  }
0x63: {  	_ =	shalt  }
0x64: {  	_ =	shalt  }
0x65: {  	_ =	shalt  }
0x66: {  	_ =	shalt  }
0x67: {  	_ =	shalt  }
0x68: {  	_ =	shalt  }
0x69: {  	_ =	shalt  }
0x6a: {  	_ =	shalt  }
0x6b: {  	_ =	shalt  }
0x6c: {  	_ =	shalt  }
0x6d: {  	_ =	shalt  }
0x6e: {  	_ =	shalt  }
0x6f: {  	_ =	shalt  }
0x70: {  	_ =	shalt  }
0x71: {  	_ =	shalt  }
0x72: {  	_ =	shalt  }
0x73: {  	_ =	shalt  }
0x74: {  	_ =	shalt  }
0x75: {  	_ =	shalt  }
0x76: {  	_ =	shalt  }
0x77: {  	_ =	shalt  }
0x78: {  	_ =	shalt  }
0x79: {  	_ =	shalt  }
0x7a: {  	_ =	shalt  }
0x7b: {  	_ =	shalt  }
0x7c: {  	_ =	shalt  }
0x7d: {  	_ =	shalt  }
0x7e: {  	_ =	shalt  }
0x7f: {  	_ =	shalt  }
0x80: {  	_ =	shalt  }
0x81: {  	_ =	shalt  }
0x82: {  	_ =	shalt  }
0x83: {  	_ =	shalt  }
0x84: {  	_ =	shalt  }
0x85: {  	_ =	shalt  }
0x86: {  	_ =	shalt  }
0x87: {  	_ =	shalt  }
.Lfunc_end0:
.L_simem_size_0:
called_computation.1_lowered:
.L_overlay_start_0:
0x88: {  	s2 =	sld [smem:$0x3FD9]  }
0x89: {  	s3 =	sld [smem:$0x3FFE];
	_ =	sdelay $0x1  }
0x8a: {  	s1 =	srdreg.scid  }
0x8b: {  	s0 =	sand.u32 $0x1, s1  }
0x8c: {  	s17 =	sshll.u32 s0, $0xA;
	s2 =	sadd.s32 s3, s2  }
0x8d: {  	s2 =	sadd.s32 s2, s17  }
0x8e: {  	[smem:$0x3FBC] =	sst s2  }
0x8f: {  	_ = 	snop  }
0x90: {  	s2 =	sld [smem:$0x3FD0];
	(tm) =	ssettm $0x1  }
0x91: {  	s18 =	sld [smem:$0x3FFB];
	_ =	sdelay $0x3  }
0x92: {  	_ =	strace s18  }
0x93: {  	s3 =	sld [smem:$0x3FFC];
	_ =	sdelay $0x3  }
0x94: {  	_ =	strace s3  }
0x95: {  	s3 =	sld [smem:$0x3FFD];
	_ =	sdelay $0x3  }
0x96: {  	_ =	strace s3  }
0x97: {  	_ =	strace $0x8FFFFFFF  }
0x98: {  	s19 =	sld [smem:$0x3FDB];
	_ =	sdelay $0x1  }
0x99: {  	s4 =	simm.s32 $_scs_section_size  }
0x9a: {  	s5 =	simm.s32 $_size__tile_overlayer_lowered;
	s6 =	simm.s32 $_tile_overlayer_lowered  }
0x9b: {  	s22 =	simm.s32 $0x1BFF;
	s21 =	sshll.u32 s6, $0x1;
	s3 =	sadd.s32 s4, s19  }
0x9c: {  	s7 =	simm.s32 $0x0;
	s20 =	sshll.u32 s5, $0x1;
	s5 =	sadd.s32 s21, s3  }
0x9d: {  	[timem:s7], [sflag:s22] =	dma.local [hbm:s5], s20  }
0x9e: {  	_ =	swait.ge [sflag:s22], s20  }
0x9f: {  	s4 =	ssub.s32 $0x0, s20;
	[sflag:s22] =	ssyncset.done $0x0  }
0xa0: {  	[sflag:s22] =	ssyncadd.s32 s4;
	_ =	sdelay $0x1  }
0xa1: {  	s23 =	simm.s32 $0x1B8B  }
0xa2: {  	_ =	swait.ge [sflag:s23], $0x1  }
0xa3: {  	[sflag:s23] =	ssyncset.done $0x0  }
0xa4: {  	s25 =	simm.s32 $0x1B8E;
	s24 =	sld [smem:$0x3FFE];
	[sflag:s23] =	ssyncadd.s32 $0xFFFFFFFF  }
0xa5: {  	s26 =	simm.s32 $execute0_lowered;
	[smem:$0x3FD2] =	sst s25  }
0xa6: {  	s5 =	sshll.u32 s26, $0x1;
	_ =	strace $0x80000049;
	[dreg:$0x1] =	wrdreg $0xFFFFFFFF  }
0xa7: {  	s28 =	simm.s32 $_size_execute0_lowered;
	s3 =	sadd.s32 s3, s5;
	[dreg:$0x0] =	wrdreg $0x0  }
0xa8: {  	s5 =	sshll.u32 s28, $0x1;
	[dreg:$0x2] =	wrdreg s3  }
0xa9: {  	[dreg:$0x3] =	wrdreg s5  }
0xaa: {  	[dreg:$0x4] =	wrdreg $0xC0  }
0xab: {  	_ =	task [dreg:s7], $0x5FFFF  }
0xac: {  	[dreg:$0x1] =	wrdreg $0xFFFFFFFF  }
0xad: {  	[dreg:$0x0] =	wrdreg $0x60  }
0xae: {  	[dreg:$0x2] =	wrdreg s24  }
0xaf: {  	[dreg:$0x3] =	wrdreg s2  }
0xb0: {  	[dreg:$0x4] =	wrdreg $0x9  }
0xb1: {  	_ =	task.clear_ibuf [dreg:s7], $0x5FFFF;
	_ =	strace $0x90000049  }
0xb2: {  	s29 =	simm.s32 $0x9;
	_ =	strace $0x8000004B  }
0xb3: {  	_ =	swait.ge [sflag:s29], $0x1  }
0xb4: {  	[sflag:s29] =	ssyncadd.s32 $0xFFFFFFFF  }
0xb5: {  	_ =	strace $0x9000004B  }
0xb6: {  	_ =	sfence  }
0xb7: {  	s30 =	sld [smem:$0x0];
	_ =	sdelay $0x2  }
0xb8: {  	s31 =	sshll.u32 s1, $0xD;
	s1 =	sshrl.u32 s1, $0x2  }
0xb9: {  	s3 =	sand.u32 $0x4000, s31;
	s1 =	sadd.s32 s1, s30  }
0xba: {  	s0 =	sor.u32 s3, s0;
	s1 =	sshll.u32 s1, $0x11  }
0xbb: {  	s0 =	sor.u32 s1, s0  }
0xbc: {  	s0 =	sadd.s32 $0x8F2B, s0  }
0xbd: {  	[sflag:s0] =	ssyncadd.remote.s32 $0x1  }
0xbe: {  	_ =	sfence.sel $0xFFFF  }
0xbf: {  	[dreg:$0x0] =	wrdreg $0xFFFFFFFF;
	(pc) =	sbr.abs _section_cstart, $3  }
0xc0: {  	[dreg:$0x1] =	wrdreg $0xFFFFFFFF  }
0xc1: {  	_ =	task.clear_ibuf [dreg:s7], $0x2FFFF;
	_ =	strace $0x9FFFFFFF  }
0xc2: {  	(tm) =	ssettm $0x7FFFFFFF  }
0xc3: {  	_ =	shalt  }
tec
execute0_lowered:
.L_overlay_start_1:
0x0: {  	(tag) =	ssettag $0x1  }
0x1: {  	s3 =	rddreg [dreg:$0x0];
	s0 =	simm.s32 $0x0  }
0x2: {  	s29 =	srdreg.scid;
	s4 =	stileid.u32;
	s14 =	simm.s32 $0x2  }
0x3: {  	s16 =	simm.s32 $0x10000;
	s13 =	simm.s32 $0xA800;
	s15 =	simm.s32 $0xB000  }
0x4: {  	s17 =	simm.s32 $0xB800;
	s18 =	simm.s32 $0xC000;
	s19 =	simm.s32 $0xC800  }
0x5: {  	s20 =	simm.s32 $0xD000;
	s21 =	simm.s32 $0xD800;
	s22 =	simm.s32 $0xE000  }
0x6: {  	s23 =	simm.s32 $0xE800;
	s24 =	simm.s32 $0xF000;
	s25 =	simm.s32 $0xF800  }
0x7: {  	s26 =	simm.s32 $0x1;
	[smem:$0x7FF] =	sst s0;
	s0 =	sand.u32 $0x1, s29  }
0x8: {  	s5 =	sadd.s32 $0x150400, s3;
	s6 =	sadd.s32 $0x40200, s3;
	s7 =	sadd.s32 $0x40000, s3  }
0x9: {  	v0 =	vlaneseq.u32;
	s30 =	sshll.u32 s4, $0x7;
	s9 =	sadd.s32 $0x150500, s3;
	s1 =	ssub.s32 $0x2, s0  }
0xa: {  	s10 =	sadd.s32 $0x150600, s3;
	s11 =	sadd.s32 $0x150700, s3;
	v1 =	vand.u32 $0x7, v0;
	v63 =	vshrl.u32 v0, $0x3;
	s2 =	sshrl.u32 s1, $0x1  }
0xb: {  	v0 =	vor.u32 $0x8, v0;
	_ =	strace $0x8000004A;
	s0 =	sshll.u32 s0, $0x6;
	[tilespmem:$0x1FFD0] =	vst v1;
	v1 =	vmul.u32 $0x8, v63;
	s1 =	ssub.s32 s1, s2  }
0xc: {  	s3 =	simm.s32 $0xA000;
	[tilespmem:$0x1FFF0] =	vst v0;
	s8 =	sor.u32 s0, s30;
	s31 =	smax.u32 s1, $0x1  }
0xd: {  	vm0 =	vmmov $0xffff;
	[tilespmem:$0x1FFE0] =	vst v1;
	s2 =	simm.s32 $0x0;
	s1 =	simm.s32 $0x9800;
	[dreg:$0x3] =	wrdreg s31  }
.LBB2_1:
0xe: {  	[dreg:$0x4] =	wrdreg s2;
	p1 =	por $0x1, $0x1;
	s0 =	simm.s32 $0x0  }
.LBB2_2:
0xf: {  	s0 =	sor.u32 s8, s0  }
0x10: {  	s4 =	sshrl.u32 s0, $0x3  }
0x11: {  	s28 =	simm.s32 $0x0;
	s2 =	simm.s32 $0x18000;
	s29 =	sadd.s32 s6, s4  }
0x12: {  	[tilespmem:s2], [sflag:$0x2] =	stream.linear.gather [hbm4b:s29+s28], $0x20, $0x38;
	[tilespmem:$0x18100] =	vst v63  }
0x13: {  	_ =	swait.ge [sflag:s14], $0x20  }
0x14: {  	[sflag:s14] =	ssyncset.done $0x0  }
0x15: {  	s12 =	simm.s32 $0x18080;
	s4 =	sadd.s32 s7, s4;
	[sflag:s14] =	ssyncadd.s32 $0xFFFFFFE0  }
0x16: {  	[tilespmem:s12], [sflag:$0x2] =	stream.linear.gather [hbm4b:s4+s28], $0x20, $0x38;
	[tilespmem:$0x18100] =	vst v63  }
0x17: {  	_ =	swait.ge [sflag:s14], $0x20  }
0x18: {  	[sflag:s14] =	ssyncset.done $0x0  }
0x19: {  	[sflag:s14] =	ssyncadd.s32 $0xFFFFFFE0  }
0x1a: {  	s29 =	sshll.u32 s0, $0x7;
	s12 =	rddreg [dreg:$0x0]  }
0x1b: {  	s0 =	sadd.s32 s12, s29  }
0x1c: {  	[tilespmem:s16], [sflag:$0x2] =	stream.linear.gather [hbm4b:s0+s28], $0x8000, $0x38;
	[tilespmem:$0x18100] =	vst v63  }
0x1d: {  	_ =	swait.ge [sflag:s14], $0x8000  }
0x1e: {  	[sflag:s14] =	ssyncset.done $0x0  }
0x1f: {  	[sflag:s14] =	ssyncadd.s32 $0xFFFF8000  }
0x20: {  	v0 =	vld [tilespmem:$0x18000];
	_ =	sdelay $0x2  }
0x21: {  	v2 =	vld [tilespmem:$0x1FFD0];
	_ =	sdelay $0x1  }
0x22: {  	v3 =	vld [tilespmem:$0x1FFE0];
	v1 =	vshll.u32 v0, $0x3  }
0x23: {  	v0 =	vand.u32 $0x7, v0;
	v1 =	vand.u32 $0xFFFFFFC0, v1  }
0x24: {  	v0 =	vor.u32 v0, v1  }
0x25: {  	v1 =	vperm.xlane v0, v2;
	_ =	sdelay $0x1  }
0x26: {  	v1 =	vadd.s32 v3, v1  }
0x27: {  	v4 =	vld [tilespmem:$0x1FFF0];
	_ =	sdelay $0x3  }
0x28: {  	[tilespmem:s28], [sflag:$0x1] =	stream.indirect_vreg.gather [hbm4b:s5+s28], $0x80, v1, vm0, $0xb8;
	[tilespmem:$0x18100] =	vst v63  }
0x29: {  	s2 =	simm.s32 $0x800;
	v0 =	vperm.xlane v0, v4  }
0x2a: {  	[tilespmem:s2], [sflag:$0x1] =	stream.indirect_vreg.gather [hbm4b:s9+s28], $0x80, v1, vm0, $0xb8;
	[tilespmem:$0x18100] =	vst v63  }
0x2b: {  	s4 =	simm.s32 $0x1000;
	v0 =	vadd.s32 v3, v0  }
0x2c: {  	[tilespmem:s4], [sflag:$0x1] =	stream.indirect_vreg.gather [hbm4b:s10+s28], $0x80, v1, vm0, $0xb8;
	[tilespmem:$0x18100] =	vst v63  }
0x2d: {  	s12 =	simm.s32 $0x1800  }
0x2e: {  	[tilespmem:s12], [sflag:$0x1] =	stream.indirect_vreg.gather [hbm4b:s11+s28], $0x80, v1, vm0, $0xb8;
	[tilespmem:$0x18100] =	vst v63  }
0x2f: {  	s2 =	simm.s32 $0x2000  }
0x30: {  	[tilespmem:s2], [sflag:$0x1] =	stream.indirect_vreg.gather [hbm4b:s5+s28], $0x80, v0, vm0, $0xb8;
	[tilespmem:$0x18100] =	vst v63  }
0x31: {  	s4 =	simm.s32 $0x2800  }
0x32: {  	[tilespmem:s4], [sflag:$0x1] =	stream.indirect_vreg.gather [hbm4b:s9+s28], $0x80, v0, vm0, $0xb8;
	[tilespmem:$0x18100] =	vst v63  }
0x33: {  	s12 =	simm.s32 $0x3000  }
0x34: {  	[tilespmem:s12], [sflag:$0x1] =	stream.indirect_vreg.gather [hbm4b:s10+s28], $0x80, v0, vm0, $0xb8;
	[tilespmem:$0x18100] =	vst v63  }
0x35: {  	s2 =	simm.s32 $0x3800  }
0x36: {  	[tilespmem:s2], [sflag:$0x1] =	stream.indirect_vreg.gather [hbm4b:s11+s28], $0x80, v0, vm0, $0xb8;
	[tilespmem:$0x18100] =	vst v63  }
0x37: {  	v0 =	vld [tilespmem:$0x18010];
	_ =	sdelay $0x4  }
0x38: {  	v61 =	vshll.u32 v0, $0x3  }
0x39: {  	v0 =	vand.u32 $0x7, v0;
	v1 =	vand.u32 $0xFFFFFFC0, v61  }
0x3a: {  	v0 =	vor.u32 v0, v1  }
0x3b: {  	v1 =	vperm.xlane v0, v2;
	_ =	sdelay $0x1  }
0x3c: {  	v1 =	vadd.s32 v3, v1;
	_ =	sdelay $0x3  }
0x3d: {  	s4 =	simm.s32 $0x4000  }
0x3e: {  	[tilespmem:s4], [sflag:$0x1] =	stream.indirect_vreg.gather [hbm4b:s5+s28], $0x80, v1, vm0, $0xb8;
	[tilespmem:$0x18100] =	vst v63  }
0x3f: {  	s12 =	simm.s32 $0x4800;
	v0 =	vperm.xlane v0, v4  }
0x40: {  	[tilespmem:s12], [sflag:$0x1] =	stream.indirect_vreg.gather [hbm4b:s9+s28], $0x80, v1, vm0, $0xb8;
	[tilespmem:$0x18100] =	vst v63  }
0x41: {  	s2 =	simm.s32 $0x5000;
	v0 =	vadd.s32 v3, v0  }
0x42: {  	[tilespmem:s2], [sflag:$0x1] =	stream.indirect_vreg.gather [hbm4b:s10+s28], $0x80, v1, vm0, $0xb8;
	[tilespmem:$0x18100] =	vst v63  }
0x43: {  	s4 =	simm.s32 $0x5800  }
0x44: {  	[tilespmem:s4], [sflag:$0x1] =	stream.indirect_vreg.gather [hbm4b:s11+s28], $0x80, v1, vm0, $0xb8;
	[tilespmem:$0x18100] =	vst v63  }
0x45: {  	s12 =	simm.s32 $0x6000  }
0x46: {  	[tilespmem:s12], [sflag:$0x1] =	stream.indirect_vreg.gather [hbm4b:s5+s28], $0x80, v0, vm0, $0xb8;
	[tilespmem:$0x18100] =	vst v63  }
0x47: {  	s2 =	simm.s32 $0x6800  }
0x48: {  	[tilespmem:s2], [sflag:$0x1] =	stream.indirect_vreg.gather [hbm4b:s9+s28], $0x80, v0, vm0, $0xb8;
	[tilespmem:$0x18100] =	vst v63  }
0x49: {  	s4 =	simm.s32 $0x7000  }
0x4a: {  	[tilespmem:s4], [sflag:$0x1] =	stream.indirect_vreg.gather [hbm4b:s10+s28], $0x80, v0, vm0, $0xb8;
	[tilespmem:$0x18100] =	vst v63  }
0x4b: {  	s12 =	simm.s32 $0x7800  }
0x4c: {  	[tilespmem:s12], [sflag:$0x1] =	stream.indirect_vreg.gather [hbm4b:s11+s28], $0x80, v0, vm0, $0xb8;
	[tilespmem:$0x18100] =	vst v63  }
0x4d: {  	v0 =	vld [tilespmem:$0x18080];
	_ =	sdelay $0x4  }
0x4e: {  	v62 =	vshll.u32 v0, $0x3  }
0x4f: {  	v0 =	vand.u32 $0x7, v0;
	v1 =	vand.u32 $0xFFFFFFC0, v62  }
0x50: {  	v0 =	vor.u32 v0, v1  }
0x51: {  	v1 =	vperm.xlane v0, v2;
	_ =	sdelay $0x1  }
0x52: {  	v1 =	vadd.s32 v3, v1;
	_ =	sdelay $0x3  }
0x53: {  	s2 =	simm.s32 $0x8000  }
0x54: {  	[tilespmem:s2], [sflag:$0x1] =	stream.indirect_vreg.gather [hbm4b:s5+s28], $0x80, v1, vm0, $0xb8;
	[tilespmem:$0x18100] =	vst v63  }
0x55: {  	s4 =	simm.s32 $0x8800;
	v0 =	vperm.xlane v0, v4  }
0x56: {  	[tilespmem:s4], [sflag:$0x1] =	stream.indirect_vreg.gather [hbm4b:s9+s28], $0x80, v1, vm0, $0xb8;
	[tilespmem:$0x18100] =	vst v63  }
0x57: {  	s12 =	simm.s32 $0x9000;
	v0 =	vadd.s32 v3, v0  }
0x58: {  	[tilespmem:s12], [sflag:$0x1] =	stream.indirect_vreg.gather [hbm4b:s10+s28], $0x80, v1, vm0, $0xb8;
	[tilespmem:$0x18100] =	vst v63  }
0x59: {  	_ = 	snop  }
0x5a: {  	[tilespmem:s1], [sflag:$0x1] =	stream.indirect_vreg.gather [hbm4b:s11+s28], $0x80, v1, vm0, $0xb8;
	[tilespmem:$0x18100] =	vst v63  }
0x5b: {  	_ = 	snop  }
0x5c: {  	[tilespmem:s3], [sflag:$0x1] =	stream.indirect_vreg.gather [hbm4b:s5+s28], $0x80, v0, vm0, $0xb8;
	[tilespmem:$0x18100] =	vst v63  }
0x5d: {  	_ = 	snop  }
0x5e: {  	[tilespmem:s13], [sflag:$0x1] =	stream.indirect_vreg.gather [hbm4b:s9+s28], $0x80, v0, vm0, $0xb8;
	[tilespmem:$0x18100] =	vst v63  }
0x5f: {  	_ = 	snop  }
0x60: {  	[tilespmem:s15], [sflag:$0x1] =	stream.indirect_vreg.gather [hbm4b:s10+s28], $0x80, v0, vm0, $0xb8;
	[tilespmem:$0x18100] =	vst v63  }
0x61: {  	_ = 	snop  }
0x62: {  	[tilespmem:s17], [sflag:$0x1] =	stream.indirect_vreg.gather [hbm4b:s11+s28], $0x80, v0, vm0, $0xb8;
	[tilespmem:$0x18100] =	vst v63  }
0x63: {  	v0 =	vld [tilespmem:$0x18090];
	_ =	sdelay $0x4  }
0x64: {  	v63 =	vshll.u32 v0, $0x3  }
0x65: {  	v0 =	vand.u32 $0x7, v0;
	v1 =	vand.u32 $0xFFFFFFC0, v63  }
0x66: {  	v0 =	vor.u32 v0, v1  }
0x67: {  	v1 =	vperm.xlane v0, v2;
	_ =	sdelay $0x1  }
0x68: {  	v1 =	vadd.s32 v3, v1;
	_ =	sdelay $0x4  }
0x69: {  	[tilespmem:s18], [sflag:$0x1] =	stream.indirect_vreg.gather [hbm4b:s5+s28], $0x80, v1, vm0, $0xb8;
	[tilespmem:$0x18100] =	vst v63  }
0x6a: {  	v0 =	vperm.xlane v0, v4  }
0x6b: {  	[tilespmem:s19], [sflag:$0x1] =	stream.indirect_vreg.gather [hbm4b:s9+s28], $0x80, v1, vm0, $0xb8;
	[tilespmem:$0x18100] =	vst v63  }
0x6c: {  	v0 =	vadd.s32 v3, v0  }
0x6d: {  	[tilespmem:s20], [sflag:$0x1] =	stream.indirect_vreg.gather [hbm4b:s10+s28], $0x80, v1, vm0, $0xb8;
	[tilespmem:$0x18100] =	vst v63  }
0x6e: {  	_ = 	snop  }
0x6f: {  	[tilespmem:s21], [sflag:$0x1] =	stream.indirect_vreg.gather [hbm4b:s11+s28], $0x80, v1, vm0, $0xb8;
	[tilespmem:$0x18100] =	vst v63  }
0x70: {  	_ = 	snop  }
0x71: {  	[tilespmem:s22], [sflag:$0x1] =	stream.indirect_vreg.gather [hbm4b:s5+s28], $0x80, v0, vm0, $0xb8;
	[tilespmem:$0x18100] =	vst v63  }
0x72: {  	_ = 	snop  }
0x73: {  	[tilespmem:s23], [sflag:$0x1] =	stream.indirect_vreg.gather [hbm4b:s9+s28], $0x80, v0, vm0, $0xb8;
	[tilespmem:$0x18100] =	vst v63  }
0x74: {  	_ = 	snop  }
0x75: {  	[tilespmem:s24], [sflag:$0x1] =	stream.indirect_vreg.gather [hbm4b:s10+s28], $0x80, v0, vm0, $0xb8;
	[tilespmem:$0x18100] =	vst v63  }
0x76: {  	_ = 	snop  }
0x77: {  	[tilespmem:s25], [sflag:$0x1] =	stream.indirect_vreg.gather [hbm4b:s11+s28], $0x80, v0, vm0, $0xb8;
	[tilespmem:$0x18100] =	vst v63  }
0x78: {  	_ =	swait.ge [sflag:s26], $0x8000  }
0x79: {  	[sflag:s26] =	ssyncset.done $0x0  }
0x7a: {  	[sflag:s26] =	ssyncadd.s32 $0xFFFF8000  }
0x7b: {  	_ =	swait.ge [sflag:s26], $0x8000  }
0x7c: {  	p0 =	por p1, p1;
	s30 =	simm.s32 $0xFFFF8000;
	[sflag:s26] =	ssyncset.done $0x0  }
0x7d: {  	s31 =	simm.s32 $0x0;
	s0 =	simm.s32 $0x0;
	[sflag:s26] =	ssyncadd.s32 $0xFFFF8000  }
.LBB2_3:
0x7e: {  	s4 =	sadd.s32 $0x8000, s30  }
0x7f: {  	s12 =	sand.u32 $0x380, s0;
	s4 =	sand.u32 $0x6000, s4  }
0x80: {  	s4 =	sor.u32 s12, s4  }
0x81: {  	v62 =	vld [tilespmem:s4+$0x8860];
	_ =	sdelay $0x4  }
0x82: {  	[tilespmem:$0x1FCF0] =	vst v62;
	v62 =	vld [tilespmem:s4+$0x10870];
	_ =	sdelay $0x4  }
0x83: {  	[tilespmem:$0x1FCE0] =	vst v62;
	v62 =	vld [tilespmem:s4+$0x8870];
	_ =	sdelay $0x4  }
0x84: {  	[tilespmem:$0x1FD20] =	vst v62;
	v62 =	vld [tilespmem:s4+$0x10C00];
	_ =	sdelay $0x4  }
0x85: {  	[tilespmem:$0x1FD00] =	vst v62;
	v62 =	vld [tilespmem:s4+$0xC00];
	_ =	sdelay $0x4  }
0x86: {  	[tilespmem:$0x1FD10] =	vst v62;
	v62 =	vld [tilespmem:s4+$0x8C00];
	_ =	sdelay $0x4  }
0x87: {  	[tilespmem:$0x1FD50] =	vst v62;
	v62 =	vld [tilespmem:s4+$0x10C10];
	_ =	sdelay $0x4  }
0x88: {  	[tilespmem:$0x1FD30] =	vst v62;
	v62 =	vld [tilespmem:s4+$0xC10];
	_ =	sdelay $0x1  }
0x89: {  	v3 =	vld [tilespmem:s4+$0x10000]  }
0x8a: {  	v7 =	vld [tilespmem:s4+$0x0]  }
0x8b: {  	v19 =	vld [tilespmem:s4+$0x8000]  }
0x8c: {  	[tilespmem:$0x1FD40] =	vst v62;
	v62 =	vld [tilespmem:s4+$0x8C10]  }
0x8d: {  	v20 =	vld [tilespmem:s4+$0x10010]  }
0x8e: {  	v30 =	vld [tilespmem:s4+$0x10]  }
0x8f: {  	v43 =	vld [tilespmem:s4+$0x8010]  }
0x90: {  	v47 =	vld [tilespmem:s4+$0x10020]  }
0x91: {  	[tilespmem:$0x1FD80] =	vst v62;
	v62 =	vld [tilespmem:s4+$0x10C20]  }
0x92: {  	v57 =	vld [tilespmem:s4+$0x20]  }
0x93: {  	v12 =	vld [tilespmem:s4+$0x8020]  }
0x94: {  	v1 =	vld [tilespmem:s4+$0x10030]  }
0x95: {  	v0 =	vld [tilespmem:s4+$0x30]  }
0x96: {  	[tilespmem:$0x1FD60] =	vst v62;
	v62 =	vld [tilespmem:s4+$0xC20]  }
0x97: {  	v15 =	vld [tilespmem:s4+$0x8030]  }
0x98: {  	v4 =	vld [tilespmem:s4+$0x10040]  }
0x99: {  	v2 =	vld [tilespmem:s4+$0x40]  }
0x9a: {  	v18 =	vld [tilespmem:s4+$0x8040]  }
0x9b: {  	[tilespmem:$0x1FD70] =	vst v62;
	v62 =	vld [tilespmem:s4+$0x8C20]  }
0x9c: {  	v6 =	vld [tilespmem:s4+$0x10050]  }
0x9d: {  	v5 =	vld [tilespmem:s4+$0x50]  }
0x9e: {  	v23 =	vld [tilespmem:s4+$0x8050]  }
0x9f: {  	v9 =	vld [tilespmem:s4+$0x10060]  }
0xa0: {  	[tilespmem:$0x1FDB0] =	vst v62;
	v62 =	vld [tilespmem:s4+$0x10C30]  }
0xa1: {  	v8 =	vld [tilespmem:s4+$0x60]  }
0xa2: {  	v26 =	vld [tilespmem:s4+$0x8060]  }
0xa3: {  	v11 =	vld [tilespmem:s4+$0x10070]  }
0xa4: {  	v10 =	vld [tilespmem:s4+$0x70]  }
0xa5: {  	[tilespmem:$0x1FD90] =	vst v62;
	v62 =	vld [tilespmem:s4+$0xC30]  }
0xa6: {  	v29 =	vld [tilespmem:s4+$0x8070]  }
0xa7: {  	v14 =	vld [tilespmem:s4+$0x10400]  }
0xa8: {  	v13 =	vld [tilespmem:s4+$0x400]  }
0xa9: {  	v33 =	vld [tilespmem:s4+$0x8400]  }
0xaa: {  	[tilespmem:$0x1FDA0] =	vst v62;
	v62 =	vld [tilespmem:s4+$0x8C30]  }
0xab: {  	v17 =	vld [tilespmem:s4+$0x10410]  }
0xac: {  	v16 =	vld [tilespmem:s4+$0x410]  }
0xad: {  	v36 =	vld [tilespmem:s4+$0x8410]  }
0xae: {  	v22 =	vld [tilespmem:s4+$0x10420]  }
0xaf: {  	[tilespmem:$0x1FDE0] =	vst v62;
	v62 =	vld [tilespmem:s4+$0x10C40]  }
0xb0: {  	v21 =	vld [tilespmem:s4+$0x420]  }
0xb1: {  	v39 =	vld [tilespmem:s4+$0x8420]  }
0xb2: {  	v25 =	vld [tilespmem:s4+$0x10430]  }
0xb3: {  	v24 =	vld [tilespmem:s4+$0x430]  }
0xb4: {  	[tilespmem:$0x1FDC0] =	vst v62;
	v62 =	vld [tilespmem:s4+$0xC40]  }
0xb5: {  	v42 =	vld [tilespmem:s4+$0x8430]  }
0xb6: {  	v28 =	vld [tilespmem:s4+$0x10440]  }
0xb7: {  	v27 =	vld [tilespmem:s4+$0x440]  }
0xb8: {  	v46 =	vld [tilespmem:s4+$0x8440]  }
0xb9: {  	[tilespmem:$0x1FDD0] =	vst v62;
	v62 =	vld [tilespmem:s4+$0x8C40]  }
0xba: {  	v32 =	vld [tilespmem:s4+$0x10450]  }
0xbb: {  	v31 =	vld [tilespmem:s4+$0x450]  }
0xbc: {  	v49 =	vld [tilespmem:s4+$0x8450]  }
0xbd: {  	v35 =	vld [tilespmem:s4+$0x10460]  }
0xbe: {  	[tilespmem:$0x1FE10] =	vst v62;
	v62 =	vld [tilespmem:s4+$0x10C50]  }
0xbf: {  	v34 =	vld [tilespmem:s4+$0x460]  }
0xc0: {  	v52 =	vld [tilespmem:s4+$0x8460]  }
0xc1: {  	v38 =	vld [tilespmem:s4+$0x10470]  }
0xc2: {  	v37 =	vld [tilespmem:s4+$0x470]  }
0xc3: {  	[tilespmem:$0x1FDF0] =	vst v62;
	v62 =	vld [tilespmem:s4+$0xC50]  }
0xc4: {  	v55 =	vld [tilespmem:s4+$0x8470]  }
0xc5: {  	v41 =	vld [tilespmem:s4+$0x10800]  }
0xc6: {  	v40 =	vld [tilespmem:s4+$0x800]  }
0xc7: {  	v60 =	vld [tilespmem:s4+$0x8800]  }
0xc8: {  	[tilespmem:$0x1FE00] =	vst v62;
	v62 =	vld [tilespmem:s4+$0x8C50]  }
0xc9: {  	v45 =	vld [tilespmem:s4+$0x10810]  }
0xca: {  	v44 =	vld [tilespmem:s4+$0x810]  }
0xcb: {  	v48 =	vld [tilespmem:s4+$0x8810]  }
0xcc: {  	v50 =	vld [tilespmem:s4+$0x10820]  }
0xcd: {  	[tilespmem:$0x1FE40] =	vst v62;
	v62 =	vld [tilespmem:s4+$0x10C60]  }
0xce: {  	v51 =	vld [tilespmem:s4+$0x8820]  }
0xcf: {  	v53 =	vld [tilespmem:s4+$0x10830]  }
0xd0: {  	v54 =	vld [tilespmem:s4+$0x8830]  }
0xd1: {  	v56 =	vld [tilespmem:s4+$0x10840]  }
0xd2: {  	[tilespmem:$0x1FE20] =	vst v62;
	v62 =	vld [tilespmem:s4+$0xC60]  }
0xd3: {  	v58 =	vld [tilespmem:s4+$0x8840]  }
0xd4: {  	v59 =	vld [tilespmem:s4+$0x10850]  }
0xd5: {  	v61 =	vld [tilespmem:s4+$0x8850]  }
0xd6: {  	v63 =	vld [tilespmem:s4+$0x870]  }
0xd7: {  	[tilespmem:$0x1FE30] =	vst v62;
	v62 =	vld [tilespmem:s4+$0x8C60]  }
0xd8: {  	[tilespmem:$0x1FC80] =	vst v48;
	v48 =	vld [tilespmem:s4+$0x820]  }
0xd9: {  	[tilespmem:$0x1FC90] =	vst v51;
	v51 =	vld [tilespmem:s4+$0x830]  }
0xda: {  	[tilespmem:$0x1FCA0] =	vst v54;
	v54 =	vld [tilespmem:s4+$0x840]  }
0xdb: {  	[tilespmem:$0x1FCB0] =	vst v58;
	v58 =	vld [tilespmem:s4+$0x850]  }
0xdc: {  	[tilespmem:$0x1FE70] =	vst v62;
	v62 =	vld [tilespmem:s4+$0x10C70]  }
0xdd: {  	[tilespmem:$0x1FCD0] =	vst v61;
	v61 =	vld [tilespmem:s4+$0x10860]  }
0xde: {  	v3 =	vadd.f32 v7, v3;
	v30 =	vadd.f32 v30, v20;
	v20 =	vld [tilespmem:s4+$0x9070]  }
0xdf: {  	v6 =	vadd.f32 v5, v6;
	v5 =	vld [tilespmem:s4+$0x1410]  }
0xe0: {  	v3 =	vadd.f32 v19, v3;
	v19 =	vld [tilespmem:s4+$0x11070]  }
0xe1: {  	[tilespmem:$0x1FE50] =	vst v62;
	v62 =	vld [tilespmem:s4+$0xC70]  }
0xe2: {  	v47 =	vadd.f32 v57, v47;
	v7 =	vadd.f32 v43, v30;
	v30 =	vld [tilespmem:s4+$0x1070]  }
0xe3: {  	v43 =	vld [tilespmem:s4+$0x11400]  }
0xe4: {  	v8 =	vadd.f32 v8, v9;
	v57 =	vadd.f32 v12, v47;
	v47 =	vld [tilespmem:s4+$0x9400]  }
0xe5: {  	v10 =	vadd.f32 v10, v11;
	v9 =	vadd.f32 v23, v6;
	v6 =	vld [tilespmem:s4+$0x11420]  }
0xe6: {  	v11 =	vadd.f32 v26, v8;
	[tilespmem:$0x1FE60] =	vst v62;
	v62 =	vld [tilespmem:s4+$0x8C70]  }
0xe7: {  	v12 =	vadd.f32 v13, v14;
	v13 =	vadd.f32 v29, v10;
	v8 =	vld [tilespmem:s4+$0x1420]  }
0xe8: {  	v14 =	vadd.f32 v16, v17;
	v16 =	vadd.f32 v21, v22;
	v10 =	vld [tilespmem:s4+$0x11430]  }
0xe9: {  	v22 =	vadd.f32 v27, v28;
	v28 =	vadd.f32 v37, v38;
	v38 =	vld [tilespmem:$0x1FC90]  }
0xea: {  	[tilespmem:s4+$0x10020] =	vst v57;
	v57 =	vld [tilespmem:s4+$0x1400]  }
0xeb: {  	[tilespmem:$0x1FEA0] =	vst v62;
	v62 =	vld [tilespmem:s4+$0x11000]  }
0xec: {  	[tilespmem:s4+$0x10000] =	vst v3;
	v3 =	vld [tilespmem:s4+$0x9410]  }
0xed: {  	v0 =	vadd.f32 v0, v1;
	[tilespmem:s4+$0x10050] =	vst v9;
	v9 =	vld [tilespmem:s4+$0x9420]  }
0xee: {  	[tilespmem:s4+$0x10060] =	vst v11;
	v11 =	vld [tilespmem:s4+$0x1430]  }
0xef: {  	v0 =	vadd.f32 v15, v0;
	v15 =	vadd.f32 v33, v12;
	v12 =	vld [tilespmem:s4+$0x9430]  }
0xf0: {  	[tilespmem:$0x1FE80] =	vst v62;
	v62 =	vld [tilespmem:s4+$0x1000]  }
0xf1: {  	[tilespmem:s4+$0x10070] =	vst v13;
	v13 =	vld [tilespmem:s4+$0x11440]  }
0xf2: {  	v17 =	vadd.f32 v36, v14;
	v14 =	vld [tilespmem:s4+$0x1440]  }
0xf3: {  	v2 =	vadd.f32 v2, v4;
	v36 =	vld [tilespmem:$0x1FC80]  }
0xf4: {  	[tilespmem:s4+$0x10010] =	vst v7;
	v21 =	vadd.f32 v39, v16;
	v16 =	vld [tilespmem:s4+$0x11450]  }
0xf5: {  	v7 =	vadd.f32 v18, v2;
	v18 =	vadd.f32 v24, v25;
	[tilespmem:$0x1FE90] =	vst v62;
	v62 =	vld [tilespmem:s4+$0x9000]  }
0xf6: {  	v24 =	vadd.f32 v31, v32;
	v31 =	vadd.f32 v40, v41;
	v40 =	vld [tilespmem:$0x1FCA0]  }
0xf7: {  	v26 =	vadd.f32 v34, v35;
	v33 =	vadd.f32 v44, v45;
	v45 =	vld [tilespmem:$0x1FCD0]  }
0xf8: {  	v25 =	vadd.f32 v46, v22;
	v22 =	vld [tilespmem:s4+$0x1460]  }
0xf9: {  	v29 =	vadd.f32 v52, v26;
	v26 =	vld [tilespmem:s4+$0x9470]  }
0xfa: {  	[tilespmem:$0x1FED0] =	vst v62;
	v62 =	vld [tilespmem:s4+$0x11010]  }
0xfb: {  	[tilespmem:$0x1FCC0] =	vst v61;
	v61 =	vld [tilespmem:s4+$0x860]  }
0xfc: {  	v35 =	vadd.f32 v48, v50;
	v48 =	vld [tilespmem:$0x1FCF0]  }
0xfd: {  	[tilespmem:s4+$0x10040] =	vst v7;
	v7 =	vld [tilespmem:s4+$0x11410]  }
0xfe: {  	[tilespmem:s4+$0x10400] =	vst v15;
	v15 =	vld [tilespmem:s4+$0x9440]  }
0xff: {  	[tilespmem:$0x1FEB0] =	vst v62;
	v62 =	vld [tilespmem:s4+$0x1010]  }
0x100: {  	[tilespmem:s4+$0x10410] =	vst v17;
	v17 =	vld [tilespmem:s4+$0x1450]  }
0x101: {  	v23 =	vadd.f32 v42, v18;
	v42 =	vld [tilespmem:$0x1FCB0]  }
0x102: {  	v44 =	vld [tilespmem:$0x1FCC0]  }
0x103: {  	v18 =	vld [tilespmem:s4+$0x9450]  }
0x104: {  	[tilespmem:$0x1FEC0] =	vst v62;
	v62 =	vld [tilespmem:s4+$0x9010]  }
0x105: {  	v46 =	vld [tilespmem:$0x1FCE0]  }
0x106: {  	[tilespmem:s4+$0x10420] =	vst v21;
	v21 =	vld [tilespmem:s4+$0x11460]  }
0x107: {  	v27 =	vadd.f32 v49, v24;
	v24 =	vld [tilespmem:s4+$0x11470]  }
0x108: {  	[tilespmem:s4+$0x10440] =	vst v25;
	v25 =	vld [tilespmem:s4+$0x1470]  }
0x109: {  	[tilespmem:$0x1FF00] =	vst v62;
	v62 =	vld [tilespmem:s4+$0x11020]  }
0x10a: {  	[tilespmem:s4+$0x10430] =	vst v23;
	v23 =	vld [tilespmem:s4+$0x9460]  }
0x10b: {  	[tilespmem:s4+$0x10450] =	vst v27;
	v27 =	vld [tilespmem:s4+$0x11800]  }
0x10c: {  	v37 =	vadd.f32 v51, v53;
	v51 =	vld [tilespmem:$0x1FD20]  }
0x10d: {  	v49 =	vld [tilespmem:$0x1FD00]  }
0x10e: {  	[tilespmem:$0x1FEE0] =	vst v62;
	v62 =	vld [tilespmem:s4+$0x1020]  }
0x10f: {  	v50 =	vld [tilespmem:$0x1FD10]  }
0x110: {  	v39 =	vadd.f32 v54, v56;
	v54 =	vld [tilespmem:$0x1FD50]  }
0x111: {  	v52 =	vld [tilespmem:$0x1FD30]  }
0x112: {  	[tilespmem:s4+$0x10030] =	vst v0;
	v53 =	vld [tilespmem:$0x1FD40]  }
0x113: {  	v0 =	vadd.f32 v36, v33;
	[tilespmem:$0x1FEF0] =	vst v62;
	v62 =	vld [tilespmem:s4+$0x9020]  }
0x114: {  	v41 =	vadd.f32 v58, v59;
	v58 =	vld [tilespmem:$0x1FD80]  }
0x115: {  	v32 =	vadd.f32 v55, v28;
	[tilespmem:s4+$0x10810] =	vst v0;
	v0 =	vadd.f32 v40, v37;
	v55 =	vld [tilespmem:$0x1FD60]  }
0x116: {  	v59 =	vld [tilespmem:$0x1FD90]  }
0x117: {  	v34 =	vadd.f32 v60, v31;
	[tilespmem:s4+$0x10830] =	vst v0;
	v60 =	vld [tilespmem:$0x1FDA0]  }
0x118: {  	v4 =	vadd.f32 v63, v46;
	v0 =	vadd.f32 v45, v41;
	[tilespmem:$0x1FF30] =	vst v62;
	v62 =	vld [tilespmem:s4+$0x11030]  }
0x119: {  	[tilespmem:s4+$0x10460] =	vst v29;
	v1 =	vadd.f32 v38, v35;
	v56 =	vld [tilespmem:$0x1FD70]  }
0x11a: {  	[tilespmem:s4+$0x10850] =	vst v0;
	v0 =	vadd.f32 v51, v4;
	v29 =	vld [tilespmem:$0x1FDE0]  }
0x11b: {  	[tilespmem:s4+$0x10820] =	vst v1;
	v2 =	vadd.f32 v61, v44;
	v4 =	vadd.f32 v53, v52;
	v61 =	vld [tilespmem:$0x1FDB0]  }
0x11c: {  	v1 =	vadd.f32 v42, v39;
	[tilespmem:s4+$0x10870] =	vst v0;
	v63 =	vld [tilespmem:$0x1FDC0]  }
0x11d: {  	v0 =	vadd.f32 v58, v4;
	v4 =	vadd.f32 v60, v59;
	[tilespmem:$0x1FF10] =	vst v62;
	v62 =	vld [tilespmem:s4+$0x1030]  }
0x11e: {  	[tilespmem:s4+$0x10840] =	vst v1;
	v1 =	vadd.f32 v48, v2;
	v28 =	vld [tilespmem:$0x1FDD0]  }
0x11f: {  	v2 =	vadd.f32 v50, v49;
	[tilespmem:s4+$0x10C10] =	vst v0;
	v0 =	vadd.f32 v29, v4;
	v29 =	vld [tilespmem:s4+$0x9800]  }
0x120: {  	[tilespmem:s4+$0x10470] =	vst v32;
	v33 =	vld [tilespmem:$0x1FE10]  }
0x121: {  	[tilespmem:s4+$0x10860] =	vst v1;
	v1 =	vadd.f32 v54, v2;
	v2 =	vadd.f32 v56, v55;
	v31 =	vld [tilespmem:$0x1FDF0]  }
0x122: {  	[tilespmem:$0x1FF20] =	vst v62;
	v62 =	vld [tilespmem:s4+$0x9030]  }
0x123: {  	[tilespmem:s4+$0x10C00] =	vst v1;
	v1 =	vadd.f32 v61, v2;
	v2 =	vadd.f32 v28, v63;
	v32 =	vld [tilespmem:$0x1FE00]  }
0x124: {  	v28 =	vld [tilespmem:s4+$0x1800]  }
0x125: {  	[tilespmem:s4+$0x10C20] =	vst v1;
	v1 =	vadd.f32 v33, v2;
	v33 =	vld [tilespmem:s4+$0x9810]  }
0x126: {  	v36 =	vld [tilespmem:$0x1FE40]  }
0x127: {  	[tilespmem:$0x1FF60] =	vst v62;
	v62 =	vld [tilespmem:s4+$0x11040]  }
0x128: {  	v4 =	vadd.f32 v32, v31;
	v31 =	vld [tilespmem:s4+$0x11810]  }
0x129: {  	[tilespmem:s4+$0x10800] =	vst v34;
	v34 =	vld [tilespmem:$0x1FE20]  }
0x12a: {  	v35 =	vld [tilespmem:$0x1FE30]  }
0x12b: {  	v32 =	vld [tilespmem:s4+$0x1810]  }
0x12c: {  	[tilespmem:$0x1FF40] =	vst v62;
	v62 =	vld [tilespmem:s4+$0x1040]  }
0x12d: {  	[tilespmem:s4+$0x10C30] =	vst v0;
	v0 =	vadd.f32 v36, v4;
	v36 =	vld [tilespmem:s4+$0x9820]  }
0x12e: {  	v39 =	vld [tilespmem:$0x1FE70]  }
0x12f: {  	v2 =	vadd.f32 v35, v34;
	v34 =	vld [tilespmem:s4+$0x11820]  }
0x130: {  	v35 =	vld [tilespmem:s4+$0x1820]  }
0x131: {  	[tilespmem:$0x1FF50] =	vst v62;
	v62 =	vld [tilespmem:s4+$0x9040]  }
0x132: {  	v37 =	vld [tilespmem:$0x1FE50]  }
0x133: {  	v38 =	vld [tilespmem:$0x1FE60]  }
0x134: {  	v40 =	vld [tilespmem:$0x1FE80]  }
0x135: {  	v41 =	vld [tilespmem:$0x1FE90]  }
0x136: {  	[tilespmem:$0x1FF90] =	vst v62;
	v62 =	vld [tilespmem:s4+$0x11050]  }
0x137: {  	v42 =	vld [tilespmem:$0x1FEA0]  }
0x138: {  	v46 =	vld [tilespmem:$0x1FED0]  }
0x139: {  	v44 =	vld [tilespmem:$0x1FEB0]  }
0x13a: {  	[tilespmem:s4+$0x10C40] =	vst v1;
	v45 =	vld [tilespmem:$0x1FEC0]  }
0x13b: {  	v1 =	vadd.f32 v39, v2;
	v2 =	vadd.f32 v41, v40;
	[tilespmem:$0x1FF70] =	vst v62;
	v62 =	vld [tilespmem:s4+$0x1050]  }
0x13c: {  	v4 =	vadd.f32 v38, v37;
	v40 =	vld [tilespmem:s4+$0x11830]  }
0x13d: {  	[tilespmem:s4+$0x10C60] =	vst v1;
	v1 =	vadd.f32 v46, v2;
	v46 =	vadd.f32 v57, v43;
	v57 =	vld [tilespmem:s4+$0x11850]  }
0x13e: {  	v50 =	vld [tilespmem:$0x1FF00]  }
0x13f: {  	[tilespmem:s4+$0x10C50] =	vst v0;
	v0 =	vadd.f32 v42, v4;
	v4 =	vadd.f32 v45, v44;
	v44 =	vld [tilespmem:s4+$0x1830]  }
0x140: {  	[tilespmem:$0x1FF80] =	vst v62;
	v62 =	vld [tilespmem:s4+$0x9050]  }
0x141: {  	v48 =	vld [tilespmem:$0x1FEE0]  }
0x142: {  	v49 =	vld [tilespmem:$0x1FEF0]  }
0x143: {  	v53 =	vld [tilespmem:$0x1FF30]  }
0x144: {  	v51 =	vld [tilespmem:$0x1FF10]  }
0x145: {  	[tilespmem:$0x1FFC0] =	vst v62;
	v62 =	vld [tilespmem:s4+$0x11060]  }
0x146: {  	v52 =	vld [tilespmem:$0x1FF20]  }
0x147: {  	v56 =	vld [tilespmem:$0x1FF60]  }
0x148: {  	v54 =	vld [tilespmem:$0x1FF40]  }
0x149: {  	v55 =	vld [tilespmem:$0x1FF50]  }
0x14a: {  	v42 =	vadd.f32 v30, v19;
	[tilespmem:$0x1FFA0] =	vst v62;
	v62 =	vld [tilespmem:s4+$0x1060]  }
0x14b: {  	[tilespmem:s4+$0x10C70] =	vst v0;
	v0 =	vadd.f32 v50, v4;
	v60 =	vld [tilespmem:$0x1FF90]  }
0x14c: {  	[tilespmem:s4+$0x11000] =	vst v1;
	v2 =	vadd.f32 v49, v48;
	v49 =	vadd.f32 v20, v42;
	v58 =	vld [tilespmem:$0x1FF70]  }
0x14d: {  	v50 =	vadd.f32 v5, v7;
	[tilespmem:s4+$0x11010] =	vst v0;
	v59 =	vld [tilespmem:$0x1FF80]  }
0x14e: {  	[tilespmem:s4+$0x11070] =	vst v49;
	v1 =	vadd.f32 v53, v2;
	v4 =	vadd.f32 v52, v51;
	v41 =	vld [tilespmem:$0x1FFC0]  }
0x14f: {  	v52 =	vadd.f32 v47, v46;
	v2 =	vadd.f32 v55, v54;
	v61 =	vld [tilespmem:$0x1FFA0];
	[tilespmem:$0x1FFB0] =	vst v62  }
0x150: {  	v53 =	vadd.f32 v8, v6;
	[tilespmem:s4+$0x11020] =	vst v1;
	v0 =	vadd.f32 v56, v4;
	v63 =	vld [tilespmem:$0x1FFB0]  }
0x151: {  	v48 =	vld [tilespmem:s4+$0x9830];
	[tilespmem:s4+$0x11400] =	vst v52;
	v55 =	vadd.f32 v3, v50;
	v1 =	vadd.f32 v60, v2  }
0x152: {  	[tilespmem:s4+$0x11030] =	vst v0;
	v4 =	vadd.f32 v59, v58;
	v59 =	vadd.f32 v14, v13;
	v62 =	vld [tilespmem:s4+$0x9060]  }
0x153: {  	v37 =	vadd.f32 v44, v40;
	v51 =	vld [tilespmem:s4+$0x11840];
	[tilespmem:s4+$0x11410] =	vst v55;
	v58 =	vadd.f32 v9, v53  }
0x154: {  	v56 =	vadd.f32 v11, v10;
	v54 =	vld [tilespmem:s4+$0x1840];
	[tilespmem:s4+$0x11040] =	vst v1;
	v15 =	vadd.f32 v15, v59  }
0x155: {  	v60 =	vld [tilespmem:s4+$0x1850];
	[tilespmem:s4+$0x11420] =	vst v58;
	v0 =	vadd.f32 v41, v4;
	v2 =	vadd.f32 v63, v61  }
0x156: {  	v42 =	vadd.f32 v48, v37;
	[tilespmem:s4+$0x11440] =	vst v15;
	v61 =	vadd.f32 v12, v56;
	v63 =	vld [tilespmem:s4+$0x9850]  }
0x157: {  	[tilespmem:s4+$0x11050] =	vst v0;
	v45 =	vadd.f32 v62, v2;
	v62 =	vadd.f32 v17, v16;
	v17 =	vld [tilespmem:s4+$0x11860]  }
0x158: {  	[tilespmem:s4+$0x11830] =	vst v42;
	v16 =	vadd.f32 v22, v21;
	v21 =	vadd.f32 v25, v24;
	v22 =	vld [tilespmem:s4+$0x1860]  }
0x159: {  	[tilespmem:s4+$0x11430] =	vst v61;
	v24 =	vadd.f32 v28, v27;
	v25 =	vld [tilespmem:s4+$0x11870];
	v20 =	vadd.f32 v18, v62  }
0x15a: {  	v27 =	vadd.f32 v32, v31;
	v28 =	vld [tilespmem:s4+$0x1870];
	[tilespmem:s4+$0x11060] =	vst v45;
	v23 =	vadd.f32 v23, v16  }
0x15b: {  	v32 =	vadd.f32 v35, v34;
	v34 =	vld [tilespmem:s4+$0x9860];
	v26 =	vadd.f32 v26, v21;
	[tilespmem:s4+$0x11450] =	vst v20  }
0x15c: {  	v38 =	vld [tilespmem:s4+$0x9870];
	v31 =	vadd.f32 v29, v24;
	[tilespmem:s4+$0x11460] =	vst v23  }
0x15d: {  	v40 =	vadd.f32 v60, v57;
	v41 =	vld [tilespmem:s4+$0x9840];
	v35 =	vadd.f32 v33, v27;
	[tilespmem:s4+$0x11470] =	vst v26  }
0x15e: {  	v39 =	vadd.f32 v36, v32;
	[tilespmem:s4+$0x11800] =	vst v31;
	v43 =	vadd.f32 v22, v17  }
0x15f: {  	v44 =	vadd.f32 v63, v40;
	[tilespmem:s4+$0x11810] =	vst v35;
	v45 =	vadd.f32 v28, v25  }
0x160: {  	s2 =	sand.u32 $0x7, s28;
	v46 =	vadd.f32 v54, v51;
	[tilespmem:s4+$0x11820] =	vst v39;
	v3 =	vadd.f32 v34, v43  }
0x161: {  	s12 =	sshll.u32 s2, $0x7;
	[tilespmem:s4+$0x11850] =	vst v44;
	v47 =	vadd.f32 v38, v45  }
0x162: {  	s12 =	sadd.s32 s12, s31;
	v0 =	vadd.f32 v41, v46;
	[tilespmem:s4+$0x11860] =	vst v3  }
0x163: {  	s2 =	sor.u32 $0x1C00, s12;
	[tilespmem:s4+$0x11870] =	vst v47  }
0x164: {  	[tilespmem:s4+$0x11840] =	vst v0;
	v48 =	vld [tilespmem:s2+$0x10000]  }
0x165: {  	v1 =	vld [tilespmem:s2+$0x0];
	_ =	sdelay $0x1  }
0x166: {  	v49 =	vld [tilespmem:s2+$0x8000];
	_ =	sdelay $0x2  }
0x167: {  	v0 =	vadd.f32 v1, v48;
	_ =	sdelay $0x1  }
0x168: {  	v0 =	vadd.f32 v49, v0;
	_ =	sdelay $0x1  }
0x169: {  	s4 =	sor.u32 $0x1C10, s12;
	[tilespmem:s2+$0x10000] =	vst v0  }
0x16a: {  	v0 =	vld [tilespmem:s4+$0x10000]  }
0x16b: {  	v50 =	vld [tilespmem:s4+$0x0];
	_ =	sdelay $0x1  }
0x16c: {  	v51 =	vld [tilespmem:s4+$0x8000];
	_ =	sdelay $0x2  }
0x16d: {  	v0 =	vadd.f32 v50, v0;
	_ =	sdelay $0x1  }
0x16e: {  	v0 =	vadd.f32 v51, v0;
	_ =	sdelay $0x1  }
0x16f: {  	[tilespmem:s4+$0x10000] =	vst v0;
	s4 =	sor.u32 $0x1C20, s12  }
0x170: {  	v0 =	vld [tilespmem:s4+$0x10000]  }
0x171: {  	v52 =	vld [tilespmem:s4+$0x0];
	_ =	sdelay $0x1  }
0x172: {  	v53 =	vld [tilespmem:s4+$0x8000];
	_ =	sdelay $0x2  }
0x173: {  	v0 =	vadd.f32 v52, v0;
	_ =	sdelay $0x1  }
0x174: {  	v0 =	vadd.f32 v53, v0;
	_ =	sdelay $0x1  }
0x175: {  	[tilespmem:s4+$0x10000] =	vst v0;
	s4 =	sor.u32 $0x1C30, s12  }
0x176: {  	v0 =	vld [tilespmem:s4+$0x10000]  }
0x177: {  	v54 =	vld [tilespmem:s4+$0x0];
	_ =	sdelay $0x1  }
0x178: {  	v55 =	vld [tilespmem:s4+$0x8000];
	_ =	sdelay $0x2  }
0x179: {  	v0 =	vadd.f32 v54, v0;
	_ =	sdelay $0x1  }
0x17a: {  	v0 =	vadd.f32 v55, v0;
	_ =	sdelay $0x1  }
0x17b: {  	[tilespmem:s4+$0x10000] =	vst v0;
	s4 =	sor.u32 $0x1C40, s12  }
0x17c: {  	v0 =	vld [tilespmem:s4+$0x10000]  }
0x17d: {  	v56 =	vld [tilespmem:s4+$0x0];
	_ =	sdelay $0x1  }
0x17e: {  	v57 =	vld [tilespmem:s4+$0x8000];
	_ =	sdelay $0x2  }
0x17f: {  	v0 =	vadd.f32 v56, v0;
	_ =	sdelay $0x1  }
0x180: {  	v0 =	vadd.f32 v57, v0;
	_ =	sdelay $0x1  }
0x181: {  	[tilespmem:s4+$0x10000] =	vst v0;
	s4 =	sor.u32 $0x1C50, s12  }
0x182: {  	v0 =	vld [tilespmem:s4+$0x10000]  }
0x183: {  	v58 =	vld [tilespmem:s4+$0x0];
	_ =	sdelay $0x1  }
0x184: {  	v59 =	vld [tilespmem:s4+$0x8000];
	_ =	sdelay $0x2  }
0x185: {  	v0 =	vadd.f32 v58, v0;
	_ =	sdelay $0x1  }
0x186: {  	v0 =	vadd.f32 v59, v0;
	_ =	sdelay $0x1  }
0x187: {  	[tilespmem:s4+$0x10000] =	vst v0;
	s4 =	sor.u32 $0x1C60, s12  }
0x188: {  	v0 =	vld [tilespmem:s4+$0x10000]  }
0x189: {  	v60 =	vld [tilespmem:s4+$0x0];
	_ =	sdelay $0x1  }
0x18a: {  	v61 =	vld [tilespmem:s4+$0x8000];
	_ =	sdelay $0x2  }
0x18b: {  	v0 =	vadd.f32 v60, v0;
	_ =	sdelay $0x1  }
0x18c: {  	v0 =	vadd.f32 v61, v0;
	_ =	sdelay $0x1  }
0x18d: {  	s12 =	sor.u32 $0x1C70, s12;
	[tilespmem:s4+$0x10000] =	vst v0  }
0x18e: {  	v0 =	vld [tilespmem:s12+$0x10000]  }
0x18f: {  	v62 =	vld [tilespmem:s12+$0x0];
	_ =	sdelay $0x1  }
0x190: {  	v63 =	vld [tilespmem:s12+$0x8000];
	_ =	sdelay $0x1  }
0x191: {  	p1 =	sne.s32 s0, $0xF80  }
.Ltmp0:
0x192: {  	v0 =	vadd.f32 v62, v0;
	(pc) =	sbr.rel @p1 .LBB2_3-.Ltmp0, $4  }
0x193: {  	_ = 	snop  }
0x194: {  	v0 =	vadd.f32 v63, v0  }
0x195: {  	s28 =	sadd.s32 $0x1, s28  }
0x196: {  	s30 =	sadd.s32 $0x400, s30;
	s0 =	sadd.s32 $0x80, s0;
	s31 =	sadd.s32 $0x400, s31;
	[tilespmem:s12+$0x10000] =	vst v0  }
0x197: {  	s0 =	rddreg [dreg:$0x1]  }
.Ltmp1:
0x198: {  	s2 =	simm.s32 $0x0;
	s0 =	sadd.s32 s0, s29;
	(pc) =	sbr.rel @p0 .LBB2_2-.Ltmp1, $4  }
0x199: {  	[hbm4b:s0+s2] =	stream.linear.scatter [tilespmem:s16], [sflag:$0x2], $0x8000, $0x38;
	[tilespmem:$0x18100] =	vst v63  }
0x19a: {  	_ =	swait.ge [sflag:s14], $0x8000  }
0x19b: {  	[sflag:s14] =	ssyncset.done $0x0  }
0x19c: {  	p1 =	por $0x0, $0x0;
	s0 =	simm.s32 $0x20;
	[sflag:s14] =	ssyncadd.s32 $0xFFFF8000  }
0x19d: {  	s2 =	rddreg [dreg:$0x4]  }
0x19e: {  	s0 =	rddreg [dreg:$0x3];
	s2 =	sadd.s32 $0x1, s2  }
0x19f: {  	p0 =	sne.s32 s2, s0  }
.Ltmp2:
0x1a0: {  	_ = 	snop;
	(pc) =	sbr.rel @p0 .LBB2_1-.Ltmp2, $1  }
0x1a1: {  	_ =	sdelay $0x3  }
0x1a2: {  	_ =	sfence.sel $0x180000  }
0x1a3: {  	[bflag:$0x0] =	sbarrier.arrive $0xFFFF  }
0x1a4: {  	_ =	strace $0x9000004A  }
0x1a5: {  	s0 =	stileid.u32;
	[bflag:$0x2] =	sbarrier.arrive $0xFFFF  }
0x1a6: {  	p0 =	sne.s32 s0, $0x0;
	s0 =	rddreg [dreg:$0x2]  }
0x1a7: {  	s0 =	sadd.s32 @!p0 $0x100000, s0  }
0x1a8: {  	[sflag:s0] =	ssyncadd.tile.s32 @!p0 $0x1;
	_ =	shalt  }
.Lfunc_end2:
_tile_overlayer_lowered:
.L_overlay_start_2:
0x1a9: {  	(tag) =	ssettag $0x2  }
0x1aa: {  	s0 =	rddreg [dreg:$0x0];
	s2 =	stileid.u32  }
0x1ab: {  	s1 =	rddreg [dreg:$0x1];
	p0 =	sne.s32 s2, $0x0  }
0x1ac: {  	s3 =	rddreg [dreg:$0x2];
	[bflag:$0x3] =	sbarrier.arrive $0xFFFF;
	s2 =	simm.s32 @!p0 $0x1C02  }
0x1ad: {  	[timem:s3], [sflag:s2] =	dma.local @!p0 [hbm:s0], s1  }
0x1ae: {  	s0 =	simm.s32 @!p0 $0x2  }
0x1af: {  	_ =	swait.ge @!p0 [sflag:s0], s1  }
0x1b0: {  	s1 =	ssub.s32 @!p0 $0x0, s1;
	[sflag:s0] =	ssyncset.done @!p0 $0x0  }
0x1b1: {  	[sflag:s0] =	ssyncadd.s32 @!p0 s1  }
0x1b2: {  	[bflag:$0x3] =	sbarrier.arrive $0xFFFF  }
0x1b3: {  	_ =	shalt  }

</sc_bundles>
